<compile_context>
chip_gen: v7x
topology: tpu7x:2x2x1
jax: 0.10.2.dev20260603
libtpu: 0.0.44.dev20260713+nightly
codegen_flags: <defaults>
</compile_context>

<pallas_src>
import functools

import jax
import jax.numpy as jnp
from jax import lax
from jax.experimental import pallas as pl
from jax.experimental.pallas import tpu as pltpu
from jax.experimental.pallas import tpu_sc as plsc

N = 1000
NP = 1024
BQ = 16384
NC, NS, L = 2, 16, 16
NW = NC * NS
BPW = BQ // NW


GR = 200


def _fold_body(wcr_ref, wcc_ref, wbc_ref, wab_ref, ia_ref, ib_ref, ic_ref,
               fbc_ref, fab_ref, xbc_ref, xab_ref):
    ib = ib_ref[...]
    xbc_ref[...] = ic_ref[...] * NP + ib
    xab_ref[...] = ib * NP + ia_ref[...]
    wbc = wbc_ref[...]
    m1 = jnp.max(wbc, axis=1, keepdims=True)
    lse_bc = m1 + jnp.log(jnp.sum(jnp.exp(wbc - m1), axis=1, keepdims=True))
    wab = wab_ref[...]
    m2 = jnp.max(wab, axis=1, keepdims=True)
    lse_ab = m2 + jnp.log(jnp.sum(jnp.exp(wab - m2), axis=1, keepdims=True))
    wcr = wcr_ref[...]
    mc = jnp.max(wcr)
    lse_c = mc + jnp.log(jnp.sum(jnp.exp(wcr - mc)))
    adj_bc = wbc + (wcc_ref[...] - lse_c - lse_bc)
    adj_ab = wab - lse_ab
    for k in range(GR):
        fbc_ref[pl.ds(k * NP, N)] = adj_bc[k, :]
        fab_ref[pl.ds(k * NP, N)] = adj_ab[k, :]


_fold_call = pl.pallas_call(
    _fold_body,
    grid=(N // GR,),
    in_specs=[
        pl.BlockSpec((1, N), lambda i: (0, 0)),
        pl.BlockSpec((GR, 1), lambda i: (i, 0)),
        pl.BlockSpec((GR, N), lambda i: (i, 0)),
        pl.BlockSpec((GR, N), lambda i: (i, 0)),
        pl.BlockSpec((BQ,), lambda i: (0,)),
        pl.BlockSpec((BQ,), lambda i: (0,)),
        pl.BlockSpec((BQ,), lambda i: (0,)),
    ],
    out_specs=(
        pl.BlockSpec((GR * NP,), lambda i: (i,)),
        pl.BlockSpec((GR * NP,), lambda i: (i,)),
        pl.BlockSpec((BQ,), lambda i: (0,)),
        pl.BlockSpec((BQ,), lambda i: (0,)),
    ),
    out_shape=(
        jax.ShapeDtypeStruct((N * NP,), jnp.float32),
        jax.ShapeDtypeStruct((N * NP,), jnp.float32),
        jax.ShapeDtypeStruct((BQ,), jnp.int32),
        jax.ShapeDtypeStruct((BQ,), jnp.int32),
    ),
)


@functools.cache
def _build_gather_combine():
  mesh = plsc.VectorSubcoreMesh(core_axis_name="c", subcore_axis_name="s")

  @functools.partial(
      pl.kernel,
      out_type=jax.ShapeDtypeStruct((BQ,), jnp.float32),
      mesh=mesh,
      scratch_types=[
          pltpu.VMEM((BPW,), jnp.int32),
          pltpu.VMEM((BPW,), jnp.int32),
          pltpu.VMEM((BPW,), jnp.float32),
          pltpu.VMEM((BPW,), jnp.float32),
          pltpu.VMEM((BPW,), jnp.float32),
          pltpu.SemaphoreType.DMA,
      ],
  )
  def _gather_combine(xbc_hbm, xab_hbm, fbc_hbm, fab_hbm,
                      out_hbm, xbc_v, xab_v, gbc_v, gab_v, out_v, sem):
    wid = lax.axis_index("s") * NC + lax.axis_index("c")
    base = wid * BPW
    c1 = pltpu.async_copy(xbc_hbm.at[pl.ds(base, BPW)], xbc_v, sem)
    c2 = pltpu.async_copy(xab_hbm.at[pl.ds(base, BPW)], xab_v, sem)
    c1.wait()
    c2.wait()
    g1 = pltpu.async_copy(fbc_hbm.at[xbc_v], gbc_v, sem)
    g2 = pltpu.async_copy(fab_hbm.at[xab_v], gab_v, sem)
    g1.wait()
    g2.wait()

    @pl.loop(0, BPW // L)
    def _combine(j):
        sl = pl.ds(j * L, L)
        out_v[sl] = gbc_v[sl] + gab_v[sl]

    pltpu.sync_copy(out_v, out_hbm.at[pl.ds(base, BPW)])

  return _gather_combine


def kernel(inputs, w_C, w_B_C, w_A_B):
    idx = inputs.astype(jnp.int32)
    ia, ib, ic = idx[:, 0], idx[:, 1], idx[:, 2]
    fbc, fab, xbc, xab = _fold_call(
        w_C.reshape(1, N), w_C.reshape(N, 1), w_B_C, w_A_B, ia, ib, ic)
    return _build_gather_combine()(xbc, xab, fbc, fab)

# --- scband reference (transcript-rebuilt; emitter-appended) ---
"""Pipeline reference for scband-model2-52836687676073 (READ-ONLY COPY).

The authoritative reference and input builder live on the scoring server;
editing this copy changes nothing except your own understanding.
"""

import jax, jax.numpy as jnp
import numpy as np

N = 1000
B = 16384

def setup_inputs(seed: int = 0) -> dict:
    key = jax.random.key(seed)
    k1, k2, k3, k4 = jax.random.split(key, 4)
    inputs = jax.random.randint(k1, (B, 3), 0, N, dtype=jnp.int64)
    w_C = jax.random.normal(k2, (N,), dtype=jnp.float32)
    w_B_C = jax.random.normal(k3, (N, N), dtype=jnp.float32)
    w_A_B = jax.random.normal(k4, (N, N), dtype=jnp.float32)
    return {"inputs": inputs, "w_C": w_C, "w_B_C": w_B_C, "w_A_B": w_A_B}

def reference(inputs, w_C, w_B_C, w_A_B):
    # split into A, B, C columns (mirrors torch.split(inputs, 1, dim=1) + squeeze)
    inputs_A = inputs[:, 0]
    inputs_B = inputs[:, 1]
    inputs_C = inputs[:, 2]
    # Marginal p_C(inputs_C): log-softmax over w, gathered at indices
    log_p_C = jax.nn.log_softmax(w_C, axis=0)
    out_C = jnp.take(log_p_C, inputs_C, axis=0)
    # Conditional p_B_C(inputs_C, inputs_B): row-wise log-softmax, gather [cond, x]
    log_p_B_C = jax.nn.log_softmax(w_B_C, axis=1)
    out_B_C = log_p_B_C[inputs_C, inputs_B]
    # Conditional p_A_B(inputs_B, inputs_A)
    log_p_A_B = jax.nn.log_softmax(w_A_B, axis=1)
    out_A_B = log_p_A_B[inputs_B, inputs_A]
    return out_C + out_B_C + out_A_B

if __name__ == "__main__":
    import jax
    _d = setup_inputs()
    print(jax.jit(kernel)(*tuple(_d.values())))

</pallas_src>

<mosaic_0001>
#map = affine_map<(d0, d1) -> (0)>
module attributes {stable_mosaic.version = 14 : i64} {
  func.func @_gather_combine(%arg0: i32, %arg1: i32, %arg2: memref<16384xi32, #tpu.memory_space<hbm>>, %arg3: memref<16384xi32, #tpu.memory_space<hbm>>, %arg4: memref<1024000xf32, #tpu.memory_space<hbm>>, %arg5: memref<1024000xf32, #tpu.memory_space<hbm>>, %arg6: memref<16384xf32, #tpu.memory_space<hbm>>, %arg7: memref<512xi32, #tpu.memory_space<vmem>>, %arg8: memref<512xi32, #tpu.memory_space<vmem>>, %arg9: memref<512xf32, #tpu.memory_space<vmem>>, %arg10: memref<512xf32, #tpu.memory_space<vmem>>, %arg11: memref<512xf32, #tpu.memory_space<vmem>>, %arg12: memref<!tpu.dma_semaphore, #tpu.memory_space<semaphore_mem>>) attributes {dimension_semantics = [#tpu.dimension_semantics<core_parallel>, #tpu.dimension_semantics<subcore_parallel>], iteration_bounds = array<i64: 2, 16>, scalar_prefetch = 0 : i64, scratch_operands = 6 : i64, tpu.core_type = #tpu.core_type<sc_vector_subcore>, window_params = [{transform_indices = #map}, {transform_indices = #map}, {transform_indices = #map}, {transform_indices = #map}, {transform_indices = #map}]} {
    %mul3A = arith.constant 2 : i32
    %mul3A_0 = arith.muli %arg1, %mul3A : i32
    %add3A = arith.addi %mul3A_0, %arg0 : i32
    %mul3A_1 = arith.constant 512 : i32
    %mul3A_2 = arith.muli %add3A, %mul3A_1 : i32
    %dma_start3A = tpu.memref_slice %arg2[%mul3A_2] : memref<16384xi32, #tpu.memory_space<hbm>> -> memref<512xi32, #tpu.memory_space<hbm>>
    %dma_start3A_3 = tpu.memref_slice %arg2[%mul3A_2] : memref<16384xi32, #tpu.memory_space<hbm>> -> memref<512xi32, #tpu.memory_space<hbm>>
    tpu.enqueue_dma source(%dma_start3A_3 : memref<512xi32, #tpu.memory_space<hbm>>) target(%arg7 : memref<512xi32, #tpu.memory_space<vmem>>) target_semaphore(%arg12 : memref<!tpu.dma_semaphore, #tpu.memory_space<semaphore_mem>>)
    %dma_start3A_4 = tpu.memref_slice %arg3[%mul3A_2] : memref<16384xi32, #tpu.memory_space<hbm>> -> memref<512xi32, #tpu.memory_space<hbm>>
    %dma_start3A_5 = tpu.memref_slice %arg3[%mul3A_2] : memref<16384xi32, #tpu.memory_space<hbm>> -> memref<512xi32, #tpu.memory_space<hbm>>
    tpu.enqueue_dma source(%dma_start3A_5 : memref<512xi32, #tpu.memory_space<hbm>>) target(%arg8 : memref<512xi32, #tpu.memory_space<vmem>>) target_semaphore(%arg12 : memref<!tpu.dma_semaphore, #tpu.memory_space<semaphore_mem>>)
    %dma_wait3A = tpu.memref_slice %arg2[%mul3A_2] : memref<16384xi32, #tpu.memory_space<hbm>> -> memref<512xi32, #tpu.memory_space<hbm>>
    %dma_wait3A_6 = tpu.memref_slice %arg2[%mul3A_2] : memref<16384xi32, #tpu.memory_space<hbm>> -> memref<512xi32, #tpu.memory_space<hbm>>
    tpu.wait_dma2 semaphore(%arg12 : memref<!tpu.dma_semaphore, #tpu.memory_space<semaphore_mem>>) src(%dma_wait3A_6 : memref<512xi32, #tpu.memory_space<hbm>>) dst(%arg7 : memref<512xi32, #tpu.memory_space<vmem>>)
    %dma_wait3A_7 = tpu.memref_slice %arg3[%mul3A_2] : memref<16384xi32, #tpu.memory_space<hbm>> -> memref<512xi32, #tpu.memory_space<hbm>>
    %dma_wait3A_8 = tpu.memref_slice %arg3[%mul3A_2] : memref<16384xi32, #tpu.memory_space<hbm>> -> memref<512xi32, #tpu.memory_space<hbm>>
    tpu.wait_dma2 semaphore(%arg12 : memref<!tpu.dma_semaphore, #tpu.memory_space<semaphore_mem>>) src(%dma_wait3A_8 : memref<512xi32, #tpu.memory_space<hbm>>) dst(%arg8 : memref<512xi32, #tpu.memory_space<vmem>>)
    %dma_start3A_9 = arith.constant 0 : i32
    %dma_start3A_10 = tpu.memref_slice %arg4[%dma_start3A_9] : memref<1024000xf32, #tpu.memory_space<hbm>> -> memref<1024000xf32, #tpu.memory_space<hbm>>
    tpu.enqueue_indirect_dma source(%dma_start3A_10 : memref<1024000xf32, #tpu.memory_space<hbm>>) target(%arg9 : memref<512xf32, #tpu.memory_space<vmem>>) offsets(%arg7 : memref<512xi32, #tpu.memory_space<vmem>>) semaphore(%arg12 : memref<!tpu.dma_semaphore, #tpu.memory_space<semaphore_mem>>)
    %dma_start3A_11 = arith.constant 0 : i32
    %dma_start3A_12 = tpu.memref_slice %arg5[%dma_start3A_11] : memref<1024000xf32, #tpu.memory_space<hbm>> -> memref<1024000xf32, #tpu.memory_space<hbm>>
    tpu.enqueue_indirect_dma source(%dma_start3A_12 : memref<1024000xf32, #tpu.memory_space<hbm>>) target(%arg10 : memref<512xf32, #tpu.memory_space<vmem>>) offsets(%arg8 : memref<512xi32, #tpu.memory_space<vmem>>) semaphore(%arg12 : memref<!tpu.dma_semaphore, #tpu.memory_space<semaphore_mem>>)
    %dma_wait3A_13 = arith.constant 0 : i32
    %dma_wait3A_14 = tpu.memref_slice %arg4[%dma_wait3A_13] : memref<1024000xf32, #tpu.memory_space<hbm>> -> memref<1024000xf32, #tpu.memory_space<hbm>>
    tpu.wait_indirect_dma semaphore(%arg12 : memref<!tpu.dma_semaphore, #tpu.memory_space<semaphore_mem>>) src(%dma_wait3A_14 : memref<1024000xf32, #tpu.memory_space<hbm>>) dst(%arg9 : memref<512xf32, #tpu.memory_space<vmem>>)
    %dma_wait3A_15 = arith.constant 0 : i32
    %dma_wait3A_16 = tpu.memref_slice %arg5[%dma_wait3A_15] : memref<1024000xf32, #tpu.memory_space<hbm>> -> memref<1024000xf32, #tpu.memory_space<hbm>>
    tpu.wait_indirect_dma semaphore(%arg12 : memref<!tpu.dma_semaphore, #tpu.memory_space<semaphore_mem>>) src(%dma_wait3A_16 : memref<1024000xf32, #tpu.memory_space<hbm>>) dst(%arg10 : memref<512xf32, #tpu.memory_space<vmem>>)
    %scan3A = arith.constant 0 : i32
    %scan3A_17 = arith.constant 32 : i32
    %scan3A_18 = arith.addi %scan3A, %scan3A_17 : i32
    %scan3A_19 = arith.constant 1 : i32
    scf.for %scan3A_21 = %scan3A to %scan3A_18 step %scan3A_19  : i32 {
      %mul3A_22 = arith.constant 1 : i32
      %mul3A_23 = arith.muli %scan3A_21, %mul3A_22 : i32
      %add3A_24 = arith.constant 0 : i32
      %add3A_25 = arith.addi %add3A_24, %mul3A_23 : i32
      %mul3A_26 = arith.constant 16 : i32
      %mul3A_27 = arith.muli %add3A_25, %mul3A_26 : i32
      %get3A = arith.index_cast %mul3A_27 : i32 to index
      %get3A_28 = tpu.vector_load %arg9[%get3A] {strides = array<i32>} : memref<512xf32, #tpu.memory_space<vmem>>, vector<16xf32>,
      %get3A_29 = vector.shape_cast %get3A_28 : vector<16xf32> to vector<16xf32>
      %get3A_30 = arith.index_cast %mul3A_27 : i32 to index
      %get3A_31 = tpu.vector_load %arg10[%get3A_30] {strides = array<i32>} : memref<512xf32, #tpu.memory_space<vmem>>, vector<16xf32>,
      %get3A_32 = vector.shape_cast %get3A_31 : vector<16xf32> to vector<16xf32>
      %add3A_33 = arith.addf %get3A_29, %get3A_32 : vector<16xf32>
      %swap3A = arith.index_cast %mul3A_27 : i32 to index
      %swap3A_34 = tpu.vector_load %arg11[%swap3A] {strides = array<i32>} : memref<512xf32, #tpu.memory_space<vmem>>, vector<16xf32>,
      %swap3A_35 = vector.shape_cast %swap3A_34 : vector<16xf32> to vector<16xf32>
      %swap3A_36 = vector.shape_cast %add3A_33 : vector<16xf32> to vector<16xf32>
      tpu.vector_store %arg11[%swap3A], %swap3A_36 {strides = array<i32>} : memref<512xf32, #tpu.memory_space<vmem>>, vector<16xf32>,
    }
    %scan3A_20 = arith.constant 32 : i32
    "tpu.region"() ({
      %run_scoped3A = tpu.sem_alloc : memref<!tpu.dma_semaphore, #tpu.memory_space<semaphore_mem>>
      %dma_start3A_21 = tpu.memref_slice %arg6[%mul3A_2] : memref<16384xf32, #tpu.memory_space<hbm>> -> memref<512xf32, #tpu.memory_space<hbm>>
      %dma_start3A_22 = tpu.memref_slice %arg6[%mul3A_2] : memref<16384xf32, #tpu.memory_space<hbm>> -> memref<512xf32, #tpu.memory_space<hbm>>
      tpu.enqueue_dma source(%arg11 : memref<512xf32, #tpu.memory_space<vmem>>) target(%dma_start3A_22 : memref<512xf32, #tpu.memory_space<hbm>>) target_semaphore(%run_scoped3A : memref<!tpu.dma_semaphore, #tpu.memory_space<semaphore_mem>>)
      %dma_wait3A_23 = tpu.memref_slice %arg6[%mul3A_2] : memref<16384xf32, #tpu.memory_space<hbm>> -> memref<512xf32, #tpu.memory_space<hbm>>
      %dma_wait3A_24 = tpu.memref_slice %arg6[%mul3A_2] : memref<16384xf32, #tpu.memory_space<hbm>> -> memref<512xf32, #tpu.memory_space<hbm>>
      tpu.wait_dma2 semaphore(%run_scoped3A : memref<!tpu.dma_semaphore, #tpu.memory_space<semaphore_mem>>) src(%arg11 : memref<512xf32, #tpu.memory_space<vmem>>) dst(%dma_wait3A_24 : memref<512xf32, #tpu.memory_space<hbm>>)
      tpu.yield
    }) : () -> ()
    return
  }
}

module attributes {stable_mosaic.version = 14 : i64} {
  func.func @_fold_body(%arg0: i32, %arg1: memref<1x1000xf32, #tpu.memory_space<vmem>>, %arg2: memref<200x1xf32, #tpu.memory_space<vmem>>, %arg3: memref<200x1000xf32, #tpu.memory_space<vmem>>, %arg4: memref<200x1000xf32, #tpu.memory_space<vmem>>, %arg5: memref<16384xi32, #tpu.memory_space<vmem>>, %arg6: memref<16384xi32, #tpu.memory_space<vmem>>, %arg7: memref<16384xi32, #tpu.memory_space<vmem>>, %arg8: memref<204800xf32, #tpu.memory_space<vmem>>, %arg9: memref<204800xf32, #tpu.memory_space<vmem>>, %arg10: memref<16384xi32, #tpu.memory_space<vmem>>, %arg11: memref<16384xi32, #tpu.memory_space<vmem>>) attributes {dimension_semantics = [#tpu.dimension_semantics<arbitrary>], iteration_bounds = array<i64: 5>, scalar_prefetch = 0 : i64, scratch_operands = 0 : i64, tpu.core_type = #tpu.core_type<tc>, window_params = [{pipeline_mode = #tpu.pipeline_mode<synchronous>, transform_indices = @transform_0, window_bounds = array<i64: 1, 1000>}, {transform_indices = @transform_1, window_bounds = array<i64: 200, 1>}, {transform_indices = @transform_2, window_bounds = array<i64: 200, 1000>}, {transform_indices = @transform_3, window_bounds = array<i64: 200, 1000>}, {pipeline_mode = #tpu.pipeline_mode<synchronous>, transform_indices = @transform_4, window_bounds = array<i64: 16384>}, {pipeline_mode = #tpu.pipeline_mode<synchronous>, transform_indices = @transform_5, window_bounds = array<i64: 16384>}, {pipeline_mode = #tpu.pipeline_mode<synchronous>, transform_indices = @transform_6, window_bounds = array<i64: 16384>}, {transform_indices = @transform_7, window_bounds = array<i64: 204800>}, {transform_indices = @transform_8, window_bounds = array<i64: 204800>}, {pipeline_mode = #tpu.pipeline_mode<synchronous>, transform_indices = @transform_9, window_bounds = array<i64: 16384>}, {pipeline_mode = #tpu.pipeline_mode<synchronous>, transform_indices = @transform_10, window_bounds = array<i64: 16384>}]} {
    %get3A = arith.constant 0 : index
    %get3A_0 = vector.load %arg6[%get3A] : memref<16384xi32, #tpu.memory_space<vmem>>, vector<16384xi32>
    %get3A_1 = arith.constant 0 : index
    %get3A_2 = vector.load %arg7[%get3A_1] : memref<16384xi32, #tpu.memory_space<vmem>>, vector<16384xi32>
    %mul3A = arith.constant 1024 : i32
    %mul3A_3 = vector.broadcast %mul3A : i32 to vector<16384xi32>
    %mul3A_4 = arith.muli %get3A_2, %mul3A_3 : vector<16384xi32>
    %add3A = arith.addi %mul3A_4, %get3A_0 : vector<16384xi32>
    %swap3A = arith.constant 0 : index
    %swap3A_5 = vector.load %arg10[%swap3A] : memref<16384xi32, #tpu.memory_space<vmem>>, vector<16384xi32>
    tpu.vector_store %arg10[%swap3A], %add3A {strides = array<i32>} : memref<16384xi32, #tpu.memory_space<vmem>>, vector<16384xi32>,
    %mul3A_6 = arith.constant 1024 : i32
    %mul3A_7 = vector.broadcast %mul3A_6 : i32 to vector<16384xi32>
    %mul3A_8 = arith.muli %get3A_0, %mul3A_7 : vector<16384xi32>
    %get3A_9 = arith.constant 0 : index
    %get3A_10 = vector.load %arg5[%get3A_9] : memref<16384xi32, #tpu.memory_space<vmem>>, vector<16384xi32>
    %add3A_11 = arith.addi %mul3A_8, %get3A_10 : vector<16384xi32>
    %swap3A_12 = arith.constant 0 : index
    %swap3A_13 = vector.load %arg11[%swap3A_12] : memref<16384xi32, #tpu.memory_space<vmem>>, vector<16384xi32>
    tpu.vector_store %arg11[%swap3A_12], %add3A_11 {strides = array<i32>} : memref<16384xi32, #tpu.memory_space<vmem>>, vector<16384xi32>,
    %get3A_14 = arith.constant 0 : index
    %get3A_15 = arith.constant 0 : index
    %get3A_16 = vector.load %arg3[%get3A_14, %get3A_15] : memref<200x1000xf32, #tpu.memory_space<vmem>>, vector<200x1000xf32>
    %reduce_max3A = arith.constant dense<0xFF800000> : vector<200xf32>
    %reduce_max3A_17 = vector.multi_reduction <maximumf>, %get3A_16, %reduce_max3A [1] : vector<200x1000xf32> to vector<200xf32>
    %broadcast_in_dim3A = vector.shape_cast %reduce_max3A_17 : vector<200xf32> to vector<200x1xf32>
    %sub3A = vector.broadcast %broadcast_in_dim3A : vector<200x1xf32> to vector<200x1000xf32>
    %sub3A_18 = arith.subf %get3A_16, %sub3A : vector<200x1000xf32>
    %exp3A = math.exp %sub3A_18 : vector<200x1000xf32>
    %reduce_sum3A = arith.constant dense<0.000000e+00> : vector<200xf32>
    %reduce_sum3A_19 = vector.multi_reduction <add>, %exp3A, %reduce_sum3A [1] : vector<200x1000xf32> to vector<200xf32>
    %broadcast_in_dim3A_20 = vector.shape_cast %reduce_sum3A_19 : vector<200xf32> to vector<200x1xf32>
    %log3A = math.log %broadcast_in_dim3A_20 : vector<200x1xf32>
    %add3A_21 = arith.addf %broadcast_in_dim3A, %log3A : vector<200x1xf32>
    %get3A_22 = arith.constant 0 : index
    %get3A_23 = arith.constant 0 : index
    %get3A_24 = vector.load %arg4[%get3A_22, %get3A_23] : memref<200x1000xf32, #tpu.memory_space<vmem>>, vector<200x1000xf32>
    %reduce_max3A_25 = arith.constant dense<0xFF800000> : vector<200xf32>
    %reduce_max3A_26 = vector.multi_reduction <maximumf>, %get3A_24, %reduce_max3A_25 [1] : vector<200x1000xf32> to vector<200xf32>
    %broadcast_in_dim3A_27 = vector.shape_cast %reduce_max3A_26 : vector<200xf32> to vector<200x1xf32>
    %sub3A_28 = vector.broadcast %broadcast_in_dim3A_27 : vector<200x1xf32> to vector<200x1000xf32>
    %sub3A_29 = arith.subf %get3A_24, %sub3A_28 : vector<200x1000xf32>
    %exp3A_30 = math.exp %sub3A_29 : vector<200x1000xf32>
    %reduce_sum3A_31 = arith.constant dense<0.000000e+00> : vector<200xf32>
    %reduce_sum3A_32 = vector.multi_reduction <add>, %exp3A_30, %reduce_sum3A_31 [1] : vector<200x1000xf32> to vector<200xf32>
    %broadcast_in_dim3A_33 = vector.shape_cast %reduce_sum3A_32 : vector<200xf32> to vector<200x1xf32>
    %log3A_34 = math.log %broadcast_in_dim3A_33 : vector<200x1xf32>
    %add3A_35 = arith.addf %broadcast_in_dim3A_27, %log3A_34 : vector<200x1xf32>
    %get3A_36 = arith.constant 0 : index
    %get3A_37 = arith.constant 0 : index
    %get3A_38 = vector.load %arg1[%get3A_36, %get3A_37] : memref<1x1000xf32, #tpu.memory_space<vmem>>, vector<1x1000xf32>
    %reduce_max3A_39 = vector.shape_cast %get3A_38 : vector<1x1000xf32> to vector<1x1x1000xf32>
    %reduce_max3A_40 = arith.constant dense<0xFF800000> : vector<1xf32>
    %reduce_max3A_41 = vector.multi_reduction <maximumf>, %reduce_max3A_39, %reduce_max3A_40 [1, 2] : vector<1x1x1000xf32> to vector<1xf32>
    %reduce_max3A_42 = vector.shape_cast %reduce_max3A_41 : vector<1xf32> to vector<1x1x1xf32>
    %reduce_max3A_43 = vector.extract %reduce_max3A_42[0, 0, 0] : f32 from vector<1x1x1xf32>
    %sub3A_44 = vector.broadcast %reduce_max3A_43 : f32 to vector<1x1000xf32>
    %sub3A_45 = arith.subf %get3A_38, %sub3A_44 : vector<1x1000xf32>
    %exp3A_46 = math.exp %sub3A_45 : vector<1x1000xf32>
    %reduce_sum3A_47 = vector.shape_cast %exp3A_46 : vector<1x1000xf32> to vector<1x1x1000xf32>
    %reduce_sum3A_48 = arith.constant dense<0.000000e+00> : vector<1xf32>
    %reduce_sum3A_49 = vector.multi_reduction <add>, %reduce_sum3A_47, %reduce_sum3A_48 [1, 2] : vector<1x1x1000xf32> to vector<1xf32>
    %reduce_sum3A_50 = vector.shape_cast %reduce_sum3A_49 : vector<1xf32> to vector<1x1x1xf32>
    %reduce_sum3A_51 = vector.extract %reduce_sum3A_50[0, 0, 0] : f32 from vector<1x1x1xf32>
    %log3A_52 = math.log %reduce_sum3A_51 : f32
    %add3A_53 = arith.addf %reduce_max3A_43, %log3A_52 : f32
    %get3A_54 = arith.constant 0 : index
    %get3A_55 = arith.constant 0 : index
    %get3A_56 = vector.load %arg2[%get3A_54, %get3A_55] : memref<200x1xf32, #tpu.memory_space<vmem>>, vector<200x1xf32>
    %sub3A_57 = vector.broadcast %add3A_53 : f32 to vector<200x1xf32>
    %sub3A_58 = arith.subf %get3A_56, %sub3A_57 : vector<200x1xf32>
    %sub3A_59 = arith.subf %sub3A_58, %add3A_21 : vector<200x1xf32>
    %add3A_60 = vector.broadcast %sub3A_59 : vector<200x1xf32> to vector<200x1000xf32>
    %add3A_61 = arith.addf %get3A_16, %add3A_60 : vector<200x1000xf32>
    %sub3A_62 = vector.broadcast %add3A_35 : vector<200x1xf32> to vector<200x1000xf32>
    %sub3A_63 = arith.subf %get3A_24, %sub3A_62 : vector<200x1000xf32>
    %slice3A = vector.extract_strided_slice %add3A_61 {offsets = [0, 0], sizes = [1, 1000], strides = [1, 1]} : vector<200x1000xf32> to vector<1x1000xf32>
    %squeeze3A = vector.shape_cast %slice3A : vector<1x1000xf32> to vector<1000xf32>
    %swap3A_64 = arith.constant 0 : index
    %swap3A_65 = vector.load %arg8[%swap3A_64] : memref<204800xf32, #tpu.memory_space<vmem>>, vector<1000xf32>
    tpu.vector_store %arg8[%swap3A_64], %squeeze3A {strides = array<i32>} : memref<204800xf32, #tpu.memory_space<vmem>>, vector<1000xf32>,
    %slice3A_66 = vector.extract_strided_slice %sub3A_63 {offsets = [0, 0], sizes = [1, 1000], strides = [1, 1]} : vector<200x1000xf32> to vector<1x1000xf32>
    %squeeze3A_67 = vector.shape_cast %slice3A_66 : vector<1x1000xf32> to vector<1000xf32>
    %swap3A_68 = arith.constant 0 : index
    %swap3A_69 = vector.load %arg9[%swap3A_68] : memref<204800xf32, #tpu.memory_space<vmem>>, vector<1000xf32>
    tpu.vector_store %arg9[%swap3A_68], %squeeze3A_67 {strides = array<i32>} : memref<204800xf32, #tpu.memory_space<vmem>>, vector<1000xf32>,
    %slice3A_70 = vector.extract_strided_slice %add3A_61 {offsets = [1, 0], sizes = [1, 1000], strides = [1, 1]} : vector<200x1000xf32> to vector<1x1000xf32>
    %squeeze3A_71 = vector.shape_cast %slice3A_70 : vector<1x1000xf32> to vector<1000xf32>
    %swap3A_72 = arith.constant 1024 : index
    %swap3A_73 = vector.load %arg8[%swap3A_72] : memref<204800xf32, #tpu.memory_space<vmem>>, vector<1000xf32>
    tpu.vector_store %arg8[%swap3A_72], %squeeze3A_71 {strides = array<i32>} : memref<204800xf32, #tpu.memory_space<vmem>>, vector<1000xf32>,
    %slice3A_74 = vector.extract_strided_slice %sub3A_63 {offsets = [1, 0], sizes = [1, 1000], strides = [1, 1]} : vector<200x1000xf32> to vector<1x1000xf32>
    %squeeze3A_75 = vector.shape_cast %slice3A_74 : vector<1x1000xf32> to vector<1000xf32>
    %swap3A_76 = arith.constant 1024 : index
    %swap3A_77 = vector.load %arg9[%swap3A_76] : memref<204800xf32, #tpu.memory_space<vmem>>, vector<1000xf32>
    tpu.vector_store %arg9[%swap3A_76], %squeeze3A_75 {strides = array<i32>} : memref<204800xf32, #tpu.memory_space<vmem>>, vector<1000xf32>,
    %slice3A_78 = vector.extract_strided_slice %add3A_61 {offsets = [2, 0], sizes = [1, 1000], strides = [1, 1]} : vector<200x1000xf32> to vector<1x1000xf32>
    %squeeze3A_79 = vector.shape_cast %slice3A_78 : vector<1x1000xf32> to vector<1000xf32>
    %swap3A_80 = arith.constant 2048 : index
    %swap3A_81 = vector.load %arg8[%swap3A_80] : memref<204800xf32, #tpu.memory_space<vmem>>, vector<1000xf32>
    tpu.vector_store %arg8[%swap3A_80], %squeeze3A_79 {strides = array<i32>} : memref<204800xf32, #tpu.memory_space<vmem>>, vector<1000xf32>,
    %slice3A_82 = vector.extract_strided_slice %sub3A_63 {offsets = [2, 0], sizes = [1, 1000], strides = [1, 1]} : vector<200x1000xf32> to vector<1x1000xf32>
    %squeeze3A_83 = vector.shape_cast %slice3A_82 : vector<1x1000xf32> to vector<1000xf32>
    %swap3A_84 = arith.constant 2048 : index
    %swap3A_85 = vector.load %arg9[%swap3A_84] : memref<204800xf32, #tpu.memory_space<vmem>>, vector<1000xf32>
    tpu.vector_store %arg9[%swap3A_84], %squeeze3A_83 {strides = array<i32>} : memref<204800xf32, #tpu.memory_space<vmem>>, vector<1000xf32>,
    %slice3A_86 = vector.extract_strided_slice %add3A_61 {offsets = [3, 0], sizes = [1, 1000], strides = [1, 1]} : vector<200x1000xf32> to vector<1x1000xf32>
    %squeeze3A_87 = vector.shape_cast %slice3A_86 : vector<1x1000xf32> to vector<1000xf32>
    %swap3A_88 = arith.constant 3072 : index
    %swap3A_89 = vector.load %arg8[%swap3A_88] : memref<204800xf32, #tpu.memory_space<vmem>>, vector<1000xf32>
    tpu.vector_store %arg8[%swap3A_88], %squeeze3A_87 {strides = array<i32>} : memref<204800xf32, #tpu.memory_space<vmem>>, vector<1000xf32>,
    %slice3A_90 = vector.extract_strided_slice %sub3A_63 {offsets = [3, 0], sizes = [1, 1000], strides = [1, 1]} : vector<200x1000xf32> to vector<1x1000xf32>
    %squeeze3A_91 = vector.shape_cast %slice3A_90 : vector<1x1000xf32> to vector<1000xf32>
    %swap3A_92 = arith.constant 3072 : index
    %swap3A_93 = vector.load %arg9[%swap3A_92] : memref<204800xf32, #tpu.memory_space<vmem>>, vector<1000xf32>
    tpu.vector_store %arg9[%swap3A_92], %squeeze3A_91 {strides = array<i32>} : memref<204800xf32, #tpu.memory_space<vmem>>, vector<1000xf32>,
    %slice3A_94 = vector.extract_strided_slice %add3A_61 {offsets = [4, 0], sizes = [1, 1000], strides = [1, 1]} : vector<200x1000xf32> to vector<1x1000xf32>
    %squeeze3A_95 = vector.shape_cast %slice3A_94 : vector<1x1000xf32> to vector<1000xf32>
    %swap3A_96 = arith.constant 4096 : index
    %swap3A_97 = vector.load %arg8[%swap3A_96] : memref<204800xf32, #tpu.memory_space<vmem>>, vector<1000xf32>
    tpu.vector_store %arg8[%swap3A_96], %squeeze3A_95 {strides = array<i32>} : memref<204800xf32, #tpu.memory_space<vmem>>, vector<1000xf32>,
    %slice3A_98 = vector.extract_strided_slice %sub3A_63 {offsets = [4, 0], sizes = [1, 1000], strides = [1, 1]} : vector<200x1000xf32> to vector<1x1000xf32>
    %squeeze3A_99 = vector.shape_cast %slice3A_98 : vector<1x1000xf32> to vector<1000xf32>
    %swap3A_100 = arith.constant 4096 : index
    %swap3A_101 = vector.load %arg9[%swap3A_100] : memref<204800xf32, #tpu.memory_space<vmem>>, vector<1000xf32>
    tpu.vector_store %arg9[%swap3A_100], %squeeze3A_99 {strides = array<i32>} : memref<204800xf32, #tpu.memory_space<vmem>>, vector<1000xf32>,
    %slice3A_102 = vector.extract_strided_slice %add3A_61 {offsets = [5, 0], sizes = [1, 1000], strides = [1, 1]} : vector<200x1000xf32> to vector<1x1000xf32>
    %squeeze3A_103 = vector.shape_cast %slice3A_102 : vector<1x1000xf32> to vector<1000xf32>
    %swap3A_104 = arith.constant 5120 : index
    %swap3A_105 = vector.load %arg8[%swap3A_104] : memref<204800xf32, #tpu.memory_space<vmem>>, vector<1000xf32>
    tpu.vector_store %arg8[%swap3A_104], %squeeze3A_103 {strides = array<i32>} : memref<204800xf32, #tpu.memory_space<vmem>>, vector<1000xf32>,
    %slice3A_106 = vector.extract_strided_slice %sub3A_63 {offsets = [5, 0], sizes = [1, 1000], strides = [1, 1]} : vector<200x1000xf32> to vector<1x1000xf32>
    %squeeze3A_107 = vector.shape_cast %slice3A_106 : vector<1x1000xf32> to vector<1000xf32>
    %swap3A_108 = arith.constant 5120 : index
    %swap3A_109 = vector.load %arg9[%swap3A_108] : memref<204800xf32, #tpu.memory_space<vmem>>, vector<1000xf32>
    tpu.vector_store %arg9[%swap3A_108], %squeeze3A_107 {strides = array<i32>} : memref<204800xf32, #tpu.memory_space<vmem>>, vector<1000xf32>,
    %slice3A_110 = vector.extract_strided_slice %add3A_61 {offsets = [6, 0], sizes = [1, 1000], strides = [1, 1]} : vector<200x1000xf32> to vector<1x1000xf32>
    %squeeze3A_111 = vector.shape_cast %slice3A_110 : vector<1x1000xf32> to vector<1000xf32>
    %swap3A_112 = arith.constant 6144 : index
    %swap3A_113 = vector.load %arg8[%swap3A_112] : memref<204800xf32, #tpu.memory_space<vmem>>, vector<1000xf32>
    tpu.vector_store %arg8[%swap3A_112], %squeeze3A_111 {strides = array<i32>} : memref<204800xf32, #tpu.memory_space<vmem>>, vector<1000xf32>,
    %slice3A_114 = vector.extract_strided_slice %sub3A_63 {offsets = [6, 0], sizes = [1, 1000], strides = [1, 1]} : vector<200x1000xf32> to vector<1x1000xf32>
    %squeeze3A_115 = vector.shape_cast %slice3A_114 : vector<1x1000xf32> to vector<1000xf32>
    %swap3A_116 = arith.constant 6144 : index
    %swap3A_117 = vector.load %arg9[%swap3A_116] : memref<204800xf32, #tpu.memory_space<vmem>>, vector<1000xf32>
    tpu.vector_store %arg9[%swap3A_116], %squeeze3A_115 {strides = array<i32>} : memref<204800xf32, #tpu.memory_space<vmem>>, vector<1000xf32>,
    %slice3A_118 = vector.extract_strided_slice %add3A_61 {offsets = [7, 0], sizes = [1, 1000], strides = [1, 1]} : vector<200x1000xf32> to vector<1x1000xf32>
    %squeeze3A_119 = vector.shape_cast %slice3A_118 : vector<1x1000xf32> to vector<1000xf32>
    %swap3A_120 = arith.constant 7168 : index
    %swap3A_121 = vector.load %arg8[%swap3A_120] : memref<204800xf32, #tpu.memory_space<vmem>>, vector<1000xf32>
    tpu.vector_store %arg8[%swap3A_120], %squeeze3A_119 {strides = array<i32>} : memref<204800xf32, #tpu.memory_space<vmem>>, vector<1000xf32>,
    %slice3A_122 = vector.extract_strided_slice %sub3A_63 {offsets = [7, 0], sizes = [1, 1000], strides = [1, 1]} : vector<200x1000xf32> to vector<1x1000xf32>
    %squeeze3A_123 = vector.shape_cast %slice3A_122 : vector<1x1000xf32> to vector<1000xf32>
    %swap3A_124 = arith.constant 7168 : index
    %swap3A_125 = vector.load %arg9[%swap3A_124] : memref<204800xf32, #tpu.memory_space<vmem>>, vector<1000xf32>
    tpu.vector_store %arg9[%swap3A_124], %squeeze3A_123 {strides = array<i32>} : memref<204800xf32, #tpu.memory_space<vmem>>, vector<1000xf32>,
    %slice3A_126 = vector.extract_strided_slice %add3A_61 {offsets = [8, 0], sizes = [1, 1000], strides = [1, 1]} : vector<200x1000xf32> to vector<1x1000xf32>
    %squeeze3A_127 = vector.shape_cast %slice3A_126 : vector<1x1000xf32> to vector<1000xf32>
    %swap3A_128 = arith.constant 8192 : index
    %swap3A_129 = vector.load %arg8[%swap3A_128] : memref<204800xf32, #tpu.memory_space<vmem>>, vector<1000xf32>
    tpu.vector_store %arg8[%swap3A_128], %squeeze3A_127 {strides = array<i32>} : memref<204800xf32, #tpu.memory_space<vmem>>, vector<1000xf32>,
    %slice3A_130 = vector.extract_strided_slice %sub3A_63 {offsets = [8, 0], sizes = [1, 1000], strides = [1, 1]} : vector<200x1000xf32> to vector<1x1000xf32>
    %squeeze3A_131 = vector.shape_cast %slice3A_130 : vector<1x1000xf32> to vector<1000xf32>
    %swap3A_132 = arith.constant 8192 : index
    %swap3A_133 = vector.load %arg9[%swap3A_132] : memref<204800xf32, #tpu.memory_space<vmem>>, vector<1000xf32>
    tpu.vector_store %arg9[%swap3A_132], %squeeze3A_131 {strides = array<i32>} : memref<204800xf32, #tpu.memory_space<vmem>>, vector<1000xf32>,
    %slice3A_134 = vector.extract_strided_slice %add3A_61 {offsets = [9, 0], sizes = [1, 1000], strides = [1, 1]} : vector<200x1000xf32> to vector<1x1000xf32>
    %squeeze3A_135 = vector.shape_cast %slice3A_134 : vector<1x1000xf32> to vector<1000xf32>
    %swap3A_136 = arith.constant 9216 : index
    %swap3A_137 = vector.load %arg8[%swap3A_136] : memref<204800xf32, #tpu.memory_space<vmem>>, vector<1000xf32>
    tpu.vector_store %arg8[%swap3A_136], %squeeze3A_135 {strides = array<i32>} : memref<204800xf32, #tpu.memory_space<vmem>>, vector<1000xf32>,
    %slice3A_138 = vector.extract_strided_slice %sub3A_63 {offsets = [9, 0], sizes = [1, 1000], strides = [1, 1]} : vector<200x1000xf32> to vector<1x1000xf32>
    %squeeze3A_139 = vector.shape_cast %slice3A_138 : vector<1x1000xf32> to vector<1000xf32>
    %swap3A_140 = arith.constant 9216 : index
    %swap3A_141 = vector.load %arg9[%swap3A_140] : memref<204800xf32, #tpu.memory_space<vmem>>, vector<1000xf32>
    tpu.vector_store %arg9[%swap3A_140], %squeeze3A_139 {strides = array<i32>} : memref<204800xf32, #tpu.memory_space<vmem>>, vector<1000xf32>,
    %slice3A_142 = vector.extract_strided_slice %add3A_61 {offsets = [10, 0], sizes = [1, 1000], strides = [1, 1]} : vector<200x1000xf32> to vector<1x1000xf32>
    %squeeze3A_143 = vector.shape_cast %slice3A_142 : vector<1x1000xf32> to vector<1000xf32>
    %swap3A_144 = arith.constant 10240 : index
    %swap3A_145 = vector.load %arg8[%swap3A_144] : memref<204800xf32, #tpu.memory_space<vmem>>, vector<1000xf32>
    tpu.vector_store %arg8[%swap3A_144], %squeeze3A_143 {strides = array<i32>} : memref<204800xf32, #tpu.memory_space<vmem>>, vector<1000xf32>,
    %slice3A_146 = vector.extract_strided_slice %sub3A_63 {offsets = [10, 0], sizes = [1, 1000], strides = [1, 1]} : vector<200x1000xf32> to vector<1x1000xf32>
    %squeeze3A_147 = vector.shape_cast %slice3A_146 : vector<1x1000xf32> to vector<1000xf32>
    %swap3A_148 = arith.constant 10240 : index
    %swap3A_149 = vector.load %arg9[%swap3A_148] : memref<204800xf32, #tpu.memory_space<vmem>>, vector<1000xf32>
    tpu.vector_store %arg9[%swap3A_148], %squeeze3A_147 {strides = array<i32>} : memref<204800xf32, #tpu.memory_space<vmem>>, vector<1000xf32>,
    %slice3A_150 = vector.extract_strided_slice %add3A_61 {offsets = [11, 0], sizes = [1, 1000], strides = [1, 1]} : vector<200x1000xf32> to vector<1x1000xf32>
    %squeeze3A_151 = vector.shape_cast %slice3A_150 : vector<1x1000xf32> to vector<1000xf32>
    %swap3A_152 = arith.constant 11264 : index
    %swap3A_153 = vector.load %arg8[%swap3A_152] : memref<204800xf32, #tpu.memory_space<vmem>>, vector<1000xf32>
    tpu.vector_store %arg8[%swap3A_152], %squeeze3A_151 {strides = array<i32>} : memref<204800xf32, #tpu.memory_space<vmem>>, vector<1000xf32>,
    %slice3A_154 = vector.extract_strided_slice %sub3A_63 {offsets = [11, 0], sizes = [1, 1000], strides = [1, 1]} : vector<200x1000xf32> to vector<1x1000xf32>
    %squeeze3A_155 = vector.shape_cast %slice3A_154 : vector<1x1000xf32> to vector<1000xf32>
    %swap3A_156 = arith.constant 11264 : index
    %swap3A_157 = vector.load %arg9[%swap3A_156] : memref<204800xf32, #tpu.memory_space<vmem>>, vector<1000xf32>
    tpu.vector_store %arg9[%swap3A_156], %squeeze3A_155 {strides = array<i32>} : memref<204800xf32, #tpu.memory_space<vmem>>, vector<1000xf32>,
    %slice3A_158 = vector.extract_strided_slice %add3A_61 {offsets = [12, 0], sizes = [1, 1000], strides = [1, 1]} : vector<200x1000xf32> to vector<1x1000xf32>
    %squeeze3A_159 = vector.shape_cast %slice3A_158 : vector<1x1000xf32> to vector<1000xf32>
    %swap3A_160 = arith.constant 12288 : index
    %swap3A_161 = vector.load %arg8[%swap3A_160] : memref<204800xf32, #tpu.memory_space<vmem>>, vector<1000xf32>
    tpu.vector_store %arg8[%swap3A_160], %squeeze3A_159 {strides = array<i32>} : memref<204800xf32, #tpu.memory_space<vmem>>, vector<1000xf32>,
    %slice3A_162 = vector.extract_strided_slice %sub3A_63 {offsets = [12, 0], sizes = [1, 1000], strides = [1, 1]} : vector<200x1000xf32> to vector<1x1000xf32>
    %squeeze3A_163 = vector.shape_cast %slice3A_162 : vector<1x1000xf32> to vector<1000xf32>
    %swap3A_164 = arith.constant 12288 : index
    %swap3A_165 = vector.load %arg9[%swap3A_164] : memref<204800xf32, #tpu.memory_space<vmem>>, vector<1000xf32>
    tpu.vector_store %arg9[%swap3A_164], %squeeze3A_163 {strides = array<i32>} : memref<204800xf32, #tpu.memory_space<vmem>>, vector<1000xf32>,
    %slice3A_166 = vector.extract_strided_slice %add3A_61 {offsets = [13, 0], sizes = [1, 1000], strides = [1, 1]} : vector<200x1000xf32> to vector<1x1000xf32>
    %squeeze3A_167 = vector.shape_cast %slice3A_166 : vector<1x1000xf32> to vector<1000xf32>
    %swap3A_168 = arith.constant 13312 : index
    %swap3A_169 = vector.load %arg8[%swap3A_168] : memref<204800xf32, #tpu.memory_space<vmem>>, vector<1000xf32>
    tpu.vector_store %arg8[%swap3A_168], %squeeze3A_167 {strides = array<i32>} : memref<204800xf32, #tpu.memory_space<vmem>>, vector<1000xf32>,
    %slice3A_170 = vector.extract_strided_slice %sub3A_63 {offsets = [13, 0], sizes = [1, 1000], strides = [1, 1]} : vector<200x1000xf32> to vector<1x1000xf32>
    %squeeze3A_171 = vector.shape_cast %slice3A_170 : vector<1x1000xf32> to vector<1000xf32>
    %swap3A_172 = arith.constant 13312 : index
    %swap3A_173 = vector.load %arg9[%swap3A_172] : memref<204800xf32, #tpu.memory_space<vmem>>, vector<1000xf32>
    tpu.vector_store %arg9[%swap3A_172], %squeeze3A_171 {strides = array<i32>} : memref<204800xf32, #tpu.memory_space<vmem>>, vector<1000xf32>,
    %slice3A_174 = vector.extract_strided_slice %add3A_61 {offsets = [14, 0], sizes = [1, 1000], strides = [1, 1]} : vector<200x1000xf32> to vector<1x1000xf32>
    %squeeze3A_175 = vector.shape_cast %slice3A_174 : vector<1x1000xf32> to vector<1000xf32>
    %swap3A_176 = arith.constant 14336 : index
    %swap3A_177 = vector.load %arg8[%swap3A_176] : memref<204800xf32, #tpu.memory_space<vmem>>, vector<1000xf32>
    tpu.vector_store %arg8[%swap3A_176], %squeeze3A_175 {strides = array<i32>} : memref<204800xf32, #tpu.memory_space<vmem>>, vector<1000xf32>,
    %slice3A_178 = vector.extract_strided_slice %sub3A_63 {offsets = [14, 0], sizes = [1, 1000], strides = [1, 1]} : vector<200x1000xf32> to vector<1x1000xf32>
    %squeeze3A_179 = vector.shape_cast %slice3A_178 : vector<1x1000xf32> to vector<1000xf32>
    %swap3A_180 = arith.constant 14336 : index
    %swap3A_181 = vector.load %arg9[%swap3A_180] : memref<204800xf32, #tpu.memory_space<vmem>>, vector<1000xf32>
    tpu.vector_store %arg9[%swap3A_180], %squeeze3A_179 {strides = array<i32>} : memref<204800xf32, #tpu.memory_space<vmem>>, vector<1000xf32>,
    %slice3A_182 = vector.extract_strided_slice %add3A_61 {offsets = [15, 0], sizes = [1, 1000], strides = [1, 1]} : vector<200x1000xf32> to vector<1x1000xf32>
    %squeeze3A_183 = vector.shape_cast %slice3A_182 : vector<1x1000xf32> to vector<1000xf32>
    %swap3A_184 = arith.constant 15360 : index
    %swap3A_185 = vector.load %arg8[%swap3A_184] : memref<204800xf32, #tpu.memory_space<vmem>>, vector<1000xf32>
    tpu.vector_store %arg8[%swap3A_184], %squeeze3A_183 {strides = array<i32>} : memref<204800xf32, #tpu.memory_space<vmem>>, vector<1000xf32>,
    %slice3A_186 = vector.extract_strided_slice %sub3A_63 {offsets = [15, 0], sizes = [1, 1000], strides = [1, 1]} : vector<200x1000xf32> to vector<1x1000xf32>
    %squeeze3A_187 = vector.shape_cast %slice3A_186 : vector<1x1000xf32> to vector<1000xf32>
    %swap3A_188 = arith.constant 15360 : index
    %swap3A_189 = vector.load %arg9[%swap3A_188] : memref<204800xf32, #tpu.memory_space<vmem>>, vector<1000xf32>
    tpu.vector_store %arg9[%swap3A_188], %squeeze3A_187 {strides = array<i32>} : memref<204800xf32, #tpu.memory_space<vmem>>, vector<1000xf32>,
    %slice3A_190 = vector.extract_strided_slice %add3A_61 {offsets = [16, 0], sizes = [1, 1000], strides = [1, 1]} : vector<200x1000xf32> to vector<1x1000xf32>
    %squeeze3A_191 = vector.shape_cast %slice3A_190 : vector<1x1000xf32> to vector<1000xf32>
    %swap3A_192 = arith.constant 16384 : index
    %swap3A_193 = vector.load %arg8[%swap3A_192] : memref<204800xf32, #tpu.memory_space<vmem>>, vector<1000xf32>
    tpu.vector_store %arg8[%swap3A_192], %squeeze3A_191 {strides = array<i32>} : memref<204800xf32, #tpu.memory_space<vmem>>, vector<1000xf32>,
    %slice3A_194 = vector.extract_strided_slice %sub3A_63 {offsets = [16, 0], sizes = [1, 1000], strides = [1, 1]} : vector<200x1000xf32> to vector<1x1000xf32>
    %squeeze3A_195 = vector.shape_cast %slice3A_194 : vector<1x1000xf32> to vector<1000xf32>
    %swap3A_196 = arith.constant 16384 : index
    %swap3A_197 = vector.load %arg9[%swap3A_196] : memref<204800xf32, #tpu.memory_space<vmem>>, vector<1000xf32>
    tpu.vector_store %arg9[%swap3A_196], %squeeze3A_195 {strides = array<i32>} : memref<204800xf32, #tpu.memory_space<vmem>>, vector<1000xf32>,
    %slice3A_198 = vector.extract_strided_slice %add3A_61 {offsets = [17, 0], sizes = [1, 1000], strides = [1, 1]} : vector<200x1000xf32> to vector<1x1000xf32>
    %squeeze3A_199 = vector.shape_cast %slice3A_198 : vector<1x1000xf32> to vector<1000xf32>
    %swap3A_200 = arith.constant 17408 : index
    %swap3A_201 = vector.load %arg8[%swap3A_200] : memref<204800xf32, #tpu.memory_space<vmem>>, vector<1000xf32>
    tpu.vector_store %arg8[%swap3A_200], %squeeze3A_199 {strides = array<i32>} : memref<204800xf32, #tpu.memory_space<vmem>>, vector<1000xf32>,
    %slice3A_202 = vector.extract_strided_slice %sub3A_63 {offsets = [17, 0], sizes = [1, 1000], strides = [1, 1]} : vector<200x1000xf32> to vector<1x1000xf32>
    %squeeze3A_203 = vector.shape_cast %slice3A_202 : vector<1x1000xf32> to vector<1000xf32>
    %swap3A_204 = arith.constant 17408 : index
    %swap3A_205 = vector.load %arg9[%swap3A_204] : memref<204800xf32, #tpu.memory_space<vmem>>, vector<1000xf32>
    tpu.vector_store %arg9[%swap3A_204], %squeeze3A_203 {strides = array<i32>} : memref<204800xf32, #tpu.memory_space<vmem>>, vector<1000xf32>,
    %slice3A_206 = vector.extract_strided_slice %add3A_61 {offsets = [18, 0], sizes = [1, 1000], strides = [1, 1]} : vector<200x1000xf32> to vector<1x1000xf32>
    %squeeze3A_207 = vector.shape_cast %slice3A_206 : vector<1x1000xf32> to vector<1000xf32>
    %swap3A_208 = arith.constant 18432 : index
    %swap3A_209 = vector.load %arg8[%swap3A_208] : memref<204800xf32, #tpu.memory_space<vmem>>, vector<1000xf32>
    tpu.vector_store %arg8[%swap3A_208], %squeeze3A_207 {strides = array<i32>} : memref<204800xf32, #tpu.memory_space<vmem>>, vector<1000xf32>,
    %slice3A_210 = vector.extract_strided_slice %sub3A_63 {offsets = [18, 0], sizes = [1, 1000], strides = [1, 1]} : vector<200x1000xf32> to vector<1x1000xf32>
    %squeeze3A_211 = vector.shape_cast %slice3A_210 : vector<1x1000xf32> to vector<1000xf32>
    %swap3A_212 = arith.constant 18432 : index
    %swap3A_213 = vector.load %arg9[%swap3A_212] : memref<204800xf32, #tpu.memory_space<vmem>>, vector<1000xf32>
    tpu.vector_store %arg9[%swap3A_212], %squeeze3A_211 {strides = array<i32>} : memref<204800xf32, #tpu.memory_space<vmem>>, vector<1000xf32>,
    %slice3A_214 = vector.extract_strided_slice %add3A_61 {offsets = [19, 0], sizes = [1, 1000], strides = [1, 1]} : vector<200x1000xf32> to vector<1x1000xf32>
    %squeeze3A_215 = vector.shape_cast %slice3A_214 : vector<1x1000xf32> to vector<1000xf32>
    %swap3A_216 = arith.constant 19456 : index
    %swap3A_217 = vector.load %arg8[%swap3A_216] : memref<204800xf32, #tpu.memory_space<vmem>>, vector<1000xf32>
    tpu.vector_store %arg8[%swap3A_216], %squeeze3A_215 {strides = array<i32>} : memref<204800xf32, #tpu.memory_space<vmem>>, vector<1000xf32>,
    %slice3A_218 = vector.extract_strided_slice %sub3A_63 {offsets = [19, 0], sizes = [1, 1000], strides = [1, 1]} : vector<200x1000xf32> to vector<1x1000xf32>
    %squeeze3A_219 = vector.shape_cast %slice3A_218 : vector<1x1000xf32> to vector<1000xf32>
    %swap3A_220 = arith.constant 19456 : index
    %swap3A_221 = vector.load %arg9[%swap3A_220] : memref<204800xf32, #tpu.memory_space<vmem>>, vector<1000xf32>
    tpu.vector_store %arg9[%swap3A_220], %squeeze3A_219 {strides = array<i32>} : memref<204800xf32, #tpu.memory_space<vmem>>, vector<1000xf32>,
    %slice3A_222 = vector.extract_strided_slice %add3A_61 {offsets = [20, 0], sizes = [1, 1000], strides = [1, 1]} : vector<200x1000xf32> to vector<1x1000xf32>
    %squeeze3A_223 = vector.shape_cast %slice3A_222 : vector<1x1000xf32> to vector<1000xf32>
    %swap3A_224 = arith.constant 20480 : index
    %swap3A_225 = vector.load %arg8[%swap3A_224] : memref<204800xf32, #tpu.memory_space<vmem>>, vector<1000xf32>
    tpu.vector_store %arg8[%swap3A_224], %squeeze3A_223 {strides = array<i32>} : memref<204800xf32, #tpu.memory_space<vmem>>, vector<1000xf32>,
    %slice3A_226 = vector.extract_strided_slice %sub3A_63 {offsets = [20, 0], sizes = [1, 1000], strides = [1, 1]} : vector<200x1000xf32> to vector<1x1000xf32>
    %squeeze3A_227 = vector.shape_cast %slice3A_226 : vector<1x1000xf32> to vector<1000xf32>
    %swap3A_228 = arith.constant 20480 : index
    %swap3A_229 = vector.load %arg9[%swap3A_228] : memref<204800xf32, #tpu.memory_space<vmem>>, vector<1000xf32>
    tpu.vector_store %arg9[%swap3A_228], %squeeze3A_227 {strides = array<i32>} : memref<204800xf32, #tpu.memory_space<vmem>>, vector<1000xf32>,
    %slice3A_230 = vector.extract_strided_slice %add3A_61 {offsets = [21, 0], sizes = [1, 1000], strides = [1, 1]} : vector<200x1000xf32> to vector<1x1000xf32>
    %squeeze3A_231 = vector.shape_cast %slice3A_230 : vector<1x1000xf32> to vector<1000xf32>
    %swap3A_232 = arith.constant 21504 : index
    %swap3A_233 = vector.load %arg8[%swap3A_232] : memref<204800xf32, #tpu.memory_space<vmem>>, vector<1000xf32>
    tpu.vector_store %arg8[%swap3A_232], %squeeze3A_231 {strides = array<i32>} : memref<204800xf32, #tpu.memory_space<vmem>>, vector<1000xf32>,
    %slice3A_234 = vector.extract_strided_slice %sub3A_63 {offsets = [21, 0], sizes = [1, 1000], strides = [1, 1]} : vector<200x1000xf32> to vector<1x1000xf32>
    %squeeze3A_235 = vector.shape_cast %slice3A_234 : vector<1x1000xf32> to vector<1000xf32>
    %swap3A_236 = arith.constant 21504 : index
    %swap3A_237 = vector.load %arg9[%swap3A_236] : memref<204800xf32, #tpu.memory_space<vmem>>, vector<1000xf32>
    tpu.vector_store %arg9[%swap3A_236], %squeeze3A_235 {strides = array<i32>} : memref<204800xf32, #tpu.memory_space<vmem>>, vector<1000xf32>,
    %slice3A_238 = vector.extract_strided_slice %add3A_61 {offsets = [22, 0], sizes = [1, 1000], strides = [1, 1]} : vector<200x1000xf32> to vector<1x1000xf32>
    %squeeze3A_239 = vector.shape_cast %slice3A_238 : vector<1x1000xf32> to vector<1000xf32>
    %swap3A_240 = arith.constant 22528 : index
    %swap3A_241 = vector.load %arg8[%swap3A_240] : memref<204800xf32, #tpu.memory_space<vmem>>, vector<1000xf32>
    tpu.vector_store %arg8[%swap3A_240], %squeeze3A_239 {strides = array<i32>} : memref<204800xf32, #tpu.memory_space<vmem>>, vector<1000xf32>,
    %slice3A_242 = vector.extract_strided_slice %sub3A_63 {offsets = [22, 0], sizes = [1, 1000], strides = [1, 1]} : vector<200x1000xf32> to vector<1x1000xf32>
    %squeeze3A_243 = vector.shape_cast %slice3A_242 : vector<1x1000xf32> to vector<1000xf32>
    %swap3A_244 = arith.constant 22528 : index
    %swap3A_245 = vector.load %arg9[%swap3A_244] : memref<204800xf32, #tpu.memory_space<vmem>>, vector<1000xf32>
    tpu.vector_store %arg9[%swap3A_244], %squeeze3A_243 {strides = array<i32>} : memref<204800xf32, #tpu.memory_space<vmem>>, vector<1000xf32>,
    %slice3A_246 = vector.extract_strided_slice %add3A_61 {offsets = [23, 0], sizes = [1, 1000], strides = [1, 1]} : vector<200x1000xf32> to vector<1x1000xf32>
    %squeeze3A_247 = vector.shape_cast %slice3A_246 : vector<1x1000xf32> to vector<1000xf32>
    %swap3A_248 = arith.constant 23552 : index
    %swap3A_249 = vector.load %arg8[%swap3A_248] : memref<204800xf32, #tpu.memory_space<vmem>>, vector<1000xf32>
    tpu.vector_store %arg8[%swap3A_248], %squeeze3A_247 {strides = array<i32>} : memref<204800xf32, #tpu.memory_space<vmem>>, vector<1000xf32>,
    %slice3A_250 = vector.extract_strided_slice %sub3A_63 {offsets = [23, 0], sizes = [1, 1000], strides = [1, 1]} : vector<200x1000xf32> to vector<1x1000xf32>
    %squeeze3A_251 = vector.shape_cast %slice3A_250 : vector<1x1000xf32> to vector<1000xf32>
    %swap3A_252 = arith.constant 23552 : index
    %swap3A_253 = vector.load %arg9[%swap3A_252] : memref<204800xf32, #tpu.memory_space<vmem>>, vector<1000xf32>
    tpu.vector_store %arg9[%swap3A_252], %squeeze3A_251 {strides = array<i32>} : memref<204800xf32, #tpu.memory_space<vmem>>, vector<1000xf32>,
    %slice3A_254 = vector.extract_strided_slice %add3A_61 {offsets = [24, 0], sizes = [1, 1000], strides = [1, 1]} : vector<200x1000xf32> to vector<1x1000xf32>
    %squeeze3A_255 = vector.shape_cast %slice3A_254 : vector<1x1000xf32> to vector<1000xf32>
    %swap3A_256 = arith.constant 24576 : index
    %swap3A_257 = vector.load %arg8[%swap3A_256] : memref<204800xf32, #tpu.memory_space<vmem>>, vector<1000xf32>
    tpu.vector_store %arg8[%swap3A_256], %squeeze3A_255 {strides = array<i32>} : memref<204800xf32, #tpu.memory_space<vmem>>, vector<1000xf32>,
    %slice3A_258 = vector.extract_strided_slice %sub3A_63 {offsets = [24, 0], sizes = [1, 1000], strides = [1, 1]} : vector<200x1000xf32> to vector<1x1000xf32>
    %squeeze3A_259 = vector.shape_cast %slice3A_258 : vector<1x1000xf32> to vector<1000xf32>
    %swap3A_260 = arith.constant 24576 : index
    %swap3A_261 = vector.load %arg9[%swap3A_260] : memref<204800xf32, #tpu.memory_space<vmem>>, vector<1000xf32>
    tpu.vector_store %arg9[%swap3A_260], %squeeze3A_259 {strides = array<i32>} : memref<204800xf32, #tpu.memory_space<vmem>>, vector<1000xf32>,
    %slice3A_262 = vector.extract_strided_slice %add3A_61 {offsets = [25, 0], sizes = [1, 1000], strides = [1, 1]} : vector<200x1000xf32> to vector<1x1000xf32>
    %squeeze3A_263 = vector.shape_cast %slice3A_262 : vector<1x1000xf32> to vector<1000xf32>
    %swap3A_264 = arith.constant 25600 : index
    %swap3A_265 = vector.load %arg8[%swap3A_264] : memref<204800xf32, #tpu.memory_space<vmem>>, vector<1000xf32>
    tpu.vector_store %arg8[%swap3A_264], %squeeze3A_263 {strides = array<i32>} : memref<204800xf32, #tpu.memory_space<vmem>>, vector<1000xf32>,
    %slice3A_266 = vector.extract_strided_slice %sub3A_63 {offsets = [25, 0], sizes = [1, 1000], strides = [1, 1]} : vector<200x1000xf32> to vector<1x1000xf32>
    %squeeze3A_267 = vector.shape_cast %slice3A_266 : vector<1x1000xf32> to vector<1000xf32>
    %swap3A_268 = arith.constant 25600 : index
    %swap3A_269 = vector.load %arg9[%swap3A_268] : memref<204800xf32, #tpu.memory_space<vmem>>, vector<1000xf32>
    tpu.vector_store %arg9[%swap3A_268], %squeeze3A_267 {strides = array<i32>} : memref<204800xf32, #tpu.memory_space<vmem>>, vector<1000xf32>,
    %slice3A_270 = vector.extract_strided_slice %add3A_61 {offsets = [26, 0], sizes = [1, 1000], strides = [1, 1]} : vector<200x1000xf32> to vector<1x1000xf32>
    %squeeze3A_271 = vector.shape_cast %slice3A_270 : vector<1x1000xf32> to vector<1000xf32>
    %swap3A_272 = arith.constant 26624 : index
    %swap3A_273 = vector.load %arg8[%swap3A_272] : memref<204800xf32, #tpu.memory_space<vmem>>, vector<1000xf32>
    tpu.vector_store %arg8[%swap3A_272], %squeeze3A_271 {strides = array<i32>} : memref<204800xf32, #tpu.memory_space<vmem>>, vector<1000xf32>,
    %slice3A_274 = vector.extract_strided_slice %sub3A_63 {offsets = [26, 0], sizes = [1, 1000], strides = [1, 1]} : vector<200x1000xf32> to vector<1x1000xf32>
    %squeeze3A_275 = vector.shape_cast %slice3A_274 : vector<1x1000xf32> to vector<1000xf32>
    %swap3A_276 = arith.constant 26624 : index
    %swap3A_277 = vector.load %arg9[%swap3A_276] : memref<204800xf32, #tpu.memory_space<vmem>>, vector<1000xf32>
    tpu.vector_store %arg9[%swap3A_276], %squeeze3A_275 {strides = array<i32>} : memref<204800xf32, #tpu.memory_space<vmem>>, vector<1000xf32>,
    %slice3A_278 = vector.extract_strided_slice %add3A_61 {offsets = [27, 0], sizes = [1, 1000], strides = [1, 1]} : vector<200x1000xf32> to vector<1x1000xf32>
    %squeeze3A_279 = vector.shape_cast %slice3A_278 : vector<1x1000xf32> to vector<1000xf32>
    %swap3A_280 = arith.constant 27648 : index
    %swap3A_281 = vector.load %arg8[%swap3A_280] : memref<204800xf32, #tpu.memory_space<vmem>>, vector<1000xf32>
    tpu.vector_store %arg8[%swap3A_280], %squeeze3A_279 {strides = array<i32>} : memref<204800xf32, #tpu.memory_space<vmem>>, vector<1000xf32>,
    %slice3A_282 = vector.extract_strided_slice %sub3A_63 {offsets = [27, 0], sizes = [1, 1000], strides = [1, 1]} : vector<200x1000xf32> to vector<1x1000xf32>
    %squeeze3A_283 = vector.shape_cast %slice3A_282 : vector<1x1000xf32> to vector<1000xf32>
    %swap3A_284 = arith.constant 27648 : index
    %swap3A_285 = vector.load %arg9[%swap3A_284] : memref<204800xf32, #tpu.memory_space<vmem>>, vector<1000xf32>
    tpu.vector_store %arg9[%swap3A_284], %squeeze3A_283 {strides = array<i32>} : memref<204800xf32, #tpu.memory_space<vmem>>, vector<1000xf32>,
    %slice3A_286 = vector.extract_strided_slice %add3A_61 {offsets = [28, 0], sizes = [1, 1000], strides = [1, 1]} : vector<200x1000xf32> to vector<1x1000xf32>
    %squeeze3A_287 = vector.shape_cast %slice3A_286 : vector<1x1000xf32> to vector<1000xf32>
    %swap3A_288 = arith.constant 28672 : index
    %swap3A_289 = vector.load %arg8[%swap3A_288] : memref<204800xf32, #tpu.memory_space<vmem>>, vector<1000xf32>
    tpu.vector_store %arg8[%swap3A_288], %squeeze3A_287 {strides = array<i32>} : memref<204800xf32, #tpu.memory_space<vmem>>, vector<1000xf32>,
    %slice3A_290 = vector.extract_strided_slice %sub3A_63 {offsets = [28, 0], sizes = [1, 1000], strides = [1, 1]} : vector<200x1000xf32> to vector<1x1000xf32>
    %squeeze3A_291 = vector.shape_cast %slice3A_290 : vector<1x1000xf32> to vector<1000xf32>
    %swap3A_292 = arith.constant 28672 : index
    %swap3A_293 = vector.load %arg9[%swap3A_292] : memref<204800xf32, #tpu.memory_space<vmem>>, vector<1000xf32>
    tpu.vector_store %arg9[%swap3A_292], %squeeze3A_291 {strides = array<i32>} : memref<204800xf32, #tpu.memory_space<vmem>>, vector<1000xf32>,
    %slice3A_294 = vector.extract_strided_slice %add3A_61 {offsets = [29, 0], sizes = [1, 1000], strides = [1, 1]} : vector<200x1000xf32> to vector<1x1000xf32>
    %squeeze3A_295 = vector.shape_cast %slice3A_294 : vector<1x1000xf32> to vector<1000xf32>
    %swap3A_296 = arith.constant 29696 : index
    %swap3A_297 = vector.load %arg8[%swap3A_296] : memref<204800xf32, #tpu.memory_space<vmem>>, vector<1000xf32>
    tpu.vector_store %arg8[%swap3A_296], %squeeze3A_295 {strides = array<i32>} : memref<204800xf32, #tpu.memory_space<vmem>>, vector<1000xf32>,
    %slice3A_298 = vector.extract_strided_slice %sub3A_63 {offsets = [29, 0], sizes = [1, 1000], strides = [1, 1]} : vector<200x1000xf32> to vector<1x1000xf32>
    %squeeze3A_299 = vector.shape_cast %slice3A_298 : vector<1x1000xf32> to vector<1000xf32>
    %swap3A_300 = arith.constant 29696 : index
    %swap3A_301 = vector.load %arg9[%swap3A_300] : memref<204800xf32, #tpu.memory_space<vmem>>, vector<1000xf32>
    tpu.vector_store %arg9[%swap3A_300], %squeeze3A_299 {strides = array<i32>} : memref<204800xf32, #tpu.memory_space<vmem>>, vector<1000xf32>,
    %slice3A_302 = vector.extract_strided_slice %add3A_61 {offsets = [30, 0], sizes = [1, 1000], strides = [1, 1]} : vector<200x1000xf32> to vector<1x1000xf32>
    %squeeze3A_303 = vector.shape_cast %slice3A_302 : vector<1x1000xf32> to vector<1000xf32>
    %swap3A_304 = arith.constant 30720 : index
    %swap3A_305 = vector.load %arg8[%swap3A_304] : memref<204800xf32, #tpu.memory_space<vmem>>, vector<1000xf32>
    tpu.vector_store %arg8[%swap3A_304], %squeeze3A_303 {strides = array<i32>} : memref<204800xf32, #tpu.memory_space<vmem>>, vector<1000xf32>,
    %slice3A_306 = vector.extract_strided_slice %sub3A_63 {offsets = [30, 0], sizes = [1, 1000], strides = [1, 1]} : vector<200x1000xf32> to vector<1x1000xf32>
    %squeeze3A_307 = vector.shape_cast %slice3A_306 : vector<1x1000xf32> to vector<1000xf32>
    %swap3A_308 = arith.constant 30720 : index
    %swap3A_309 = vector.load %arg9[%swap3A_308] : memref<204800xf32, #tpu.memory_space<vmem>>, vector<1000xf32>
    tpu.vector_store %arg9[%swap3A_308], %squeeze3A_307 {strides = array<i32>} : memref<204800xf32, #tpu.memory_space<vmem>>, vector<1000xf32>,
    %slice3A_310 = vector.extract_strided_slice %add3A_61 {offsets = [31, 0], sizes = [1, 1000], strides = [1, 1]} : vector<200x1000xf32> to vector<1x1000xf32>
    %squeeze3A_311 = vector.shape_cast %slice3A_310 : vector<1x1000xf32> to vector<1000xf32>
    %swap3A_312 = arith.constant 31744 : index
    %swap3A_313 = vector.load %arg8[%swap3A_312] : memref<204800xf32, #tpu.memory_space<vmem>>, vector<1000xf32>
    tpu.vector_store %arg8[%swap3A_312], %squeeze3A_311 {strides = array<i32>} : memref<204800xf32, #tpu.memory_space<vmem>>, vector<1000xf32>,
    %slice3A_314 = vector.extract_strided_slice %sub3A_63 {offsets = [31, 0], sizes = [1, 1000], strides = [1, 1]} : vector<200x1000xf32> to vector<1x1000xf32>
    %squeeze3A_315 = vector.shape_cast %slice3A_314 : vector<1x1000xf32> to vector<1000xf32>
    %swap3A_316 = arith.constant 31744 : index
    %swap3A_317 = vector.load %arg9[%swap3A_316] : memref<204800xf32, #tpu.memory_space<vmem>>, vector<1000xf32>
    tpu.vector_store %arg9[%swap3A_316], %squeeze3A_315 {strides = array<i32>} : memref<204800xf32, #tpu.memory_space<vmem>>, vector<1000xf32>,
    %slice3A_318 = vector.extract_strided_slice %add3A_61 {offsets = [32, 0], sizes = [1, 1000], strides = [1, 1]} : vector<200x1000xf32> to vector<1x1000xf32>
    %squeeze3A_319 = vector.shape_cast %slice3A_318 : vector<1x1000xf32> to vector<1000xf32>
    %swap3A_320 = arith.constant 32768 : index
    %swap3A_321 = vector.load %arg8[%swap3A_320] : memref<204800xf32, #tpu.memory_space<vmem>>, vector<1000xf32>
    tpu.vector_store %arg8[%swap3A_320], %squeeze3A_319 {strides = array<i32>} : memref<204800xf32, #tpu.memory_space<vmem>>, vector<1000xf32>,
    %slice3A_322 = vector.extract_strided_slice %sub3A_63 {offsets = [32, 0], sizes = [1, 1000], strides = [1, 1]} : vector<200x1000xf32> to vector<1x1000xf32>
    %squeeze3A_323 = vector.shape_cast %slice3A_322 : vector<1x1000xf32> to vector<1000xf32>
    %swap3A_324 = arith.constant 32768 : index
    %swap3A_325 = vector.load %arg9[%swap3A_324] : memref<204800xf32, #tpu.memory_space<vmem>>, vector<1000xf32>
    tpu.vector_store %arg9[%swap3A_324], %squeeze3A_323 {strides = array<i32>} : memref<204800xf32, #tpu.memory_space<vmem>>, vector<1000xf32>,
    %slice3A_326 = vector.extract_strided_slice %add3A_61 {offsets = [33, 0], sizes = [1, 1000], strides = [1, 1]} : vector<200x1000xf32> to vector<1x1000xf32>
    %squeeze3A_327 = vector.shape_cast %slice3A_326 : vector<1x1000xf32> to vector<1000xf32>
    %swap3A_328 = arith.constant 33792 : index
    %swap3A_329 = vector.load %arg8[%swap3A_328] : memref<204800xf32, #tpu.memory_space<vmem>>, vector<1000xf32>
    tpu.vector_store %arg8[%swap3A_328], %squeeze3A_327 {strides = array<i32>} : memref<204800xf32, #tpu.memory_space<vmem>>, vector<1000xf32>,
    %slice3A_330 = vector.extract_strided_slice %sub3A_63 {offsets = [33, 0], sizes = [1, 1000], strides = [1, 1]} : vector<200x1000xf32> to vector<1x1000xf32>
    %squeeze3A_331 = vector.shape_cast %slice3A_330 : vector<1x1000xf32> to vector<1000xf32>
    %swap3A_332 = arith.constant 33792 : index
    %swap3A_333 = vector.load %arg9[%swap3A_332] : memref<204800xf32, #tpu.memory_space<vmem>>, vector<1000xf32>
    tpu.vector_store %arg9[%swap3A_332], %squeeze3A_331 {strides = array<i32>} : memref<204800xf32, #tpu.memory_space<vmem>>, vector<1000xf32>,
    %slice3A_334 = vector.extract_strided_slice %add3A_61 {offsets = [34, 0], sizes = [1, 1000], strides = [1, 1]} : vector<200x1000xf32> to vector<1x1000xf32>
    %squeeze3A_335 = vector.shape_cast %slice3A_334 : vector<1x1000xf32> to vector<1000xf32>
    %swap3A_336 = arith.constant 34816 : index
    %swap3A_337 = vector.load %arg8[%swap3A_336] : memref<204800xf32, #tpu.memory_space<vmem>>, vector<1000xf32>
    tpu.vector_store %arg8[%swap3A_336], %squeeze3A_335 {strides = array<i32>} : memref<204800xf32, #tpu.memory_space<vmem>>, vector<1000xf32>,
    %slice3A_338 = vector.extract_strided_slice %sub3A_63 {offsets = [34, 0], sizes = [1, 1000], strides = [1, 1]} : vector<200x1000xf32> to vector<1x1000xf32>
    %squeeze3A_339 = vector.shape_cast %slice3A_338 : vector<1x1000xf32> to vector<1000xf32>
    %swap3A_340 = arith.constant 34816 : index
    %swap3A_341 = vector.load %arg9[%swap3A_340] : memref<204800xf32, #tpu.memory_space<vmem>>, vector<1000xf32>
    tpu.vector_store %arg9[%swap3A_340], %squeeze3A_339 {strides = array<i32>} : memref<204800xf32, #tpu.memory_space<vmem>>, vector<1000xf32>,
    %slice3A_342 = vector.extract_strided_slice %add3A_61 {offsets = [35, 0], sizes = [1, 1000], strides = [1, 1]} : vector<200x1000xf32> to vector<1x1000xf32>
    %squeeze3A_343 = vector.shape_cast %slice3A_342 : vector<1x1000xf32> to vector<1000xf32>
    %swap3A_344 = arith.constant 35840 : index
    %swap3A_345 = vector.load %arg8[%swap3A_344] : memref<204800xf32, #tpu.memory_space<vmem>>, vector<1000xf32>
    tpu.vector_store %arg8[%swap3A_344], %squeeze3A_343 {strides = array<i32>} : memref<204800xf32, #tpu.memory_space<vmem>>, vector<1000xf32>,
    %slice3A_346 = vector.extract_strided_slice %sub3A_63 {offsets = [35, 0], sizes = [1, 1000], strides = [1, 1]} : vector<200x1000xf32> to vector<1x1000xf32>
    %squeeze3A_347 = vector.shape_cast %slice3A_346 : vector<1x1000xf32> to vector<1000xf32>
    %swap3A_348 = arith.constant 35840 : index
    %swap3A_349 = vector.load %arg9[%swap3A_348] : memref<204800xf32, #tpu.memory_space<vmem>>, vector<1000xf32>
    tpu.vector_store %arg9[%swap3A_348], %squeeze3A_347 {strides = array<i32>} : memref<204800xf32, #tpu.memory_space<vmem>>, vector<1000xf32>,
    %slice3A_350 = vector.extract_strided_slice %add3A_61 {offsets = [36, 0], sizes = [1, 1000], strides = [1, 1]} : vector<200x1000xf32> to vector<1x1000xf32>
    %squeeze3A_351 = vector.shape_cast %slice3A_350 : vector<1x1000xf32> to vector<1000xf32>
    %swap3A_352 = arith.constant 36864 : index
    %swap3A_353 = vector.load %arg8[%swap3A_352] : memref<204800xf32, #tpu.memory_space<vmem>>, vector<1000xf32>
    tpu.vector_store %arg8[%swap3A_352], %squeeze3A_351 {strides = array<i32>} : memref<204800xf32, #tpu.memory_space<vmem>>, vector<1000xf32>,
    %slice3A_354 = vector.extract_strided_slice %sub3A_63 {offsets = [36, 0], sizes = [1, 1000], strides = [1, 1]} : vector<200x1000xf32> to vector<1x1000xf32>
    %squeeze3A_355 = vector.shape_cast %slice3A_354 : vector<1x1000xf32> to vector<1000xf32>
    %swap3A_356 = arith.constant 36864 : index
    %swap3A_357 = vector.load %arg9[%swap3A_356] : memref<204800xf32, #tpu.memory_space<vmem>>, vector<1000xf32>
    tpu.vector_store %arg9[%swap3A_356], %squeeze3A_355 {strides = array<i32>} : memref<204800xf32, #tpu.memory_space<vmem>>, vector<1000xf32>,
    %slice3A_358 = vector.extract_strided_slice %add3A_61 {offsets = [37, 0], sizes = [1, 1000], strides = [1, 1]} : vector<200x1000xf32> to vector<1x1000xf32>
    %squeeze3A_359 = vector.shape_cast %slice3A_358 : vector<1x1000xf32> to vector<1000xf32>
    %swap3A_360 = arith.constant 37888 : index
    %swap3A_361 = vector.load %arg8[%swap3A_360] : memref<204800xf32, #tpu.memory_space<vmem>>, vector<1000xf32>
    tpu.vector_store %arg8[%swap3A_360], %squeeze3A_359 {strides = array<i32>} : memref<204800xf32, #tpu.memory_space<vmem>>, vector<1000xf32>,
    %slice3A_362 = vector.extract_strided_slice %sub3A_63 {offsets = [37, 0], sizes = [1, 1000], strides = [1, 1]} : vector<200x1000xf32> to vector<1x1000xf32>
    %squeeze3A_363 = vector.shape_cast %slice3A_362 : vector<1x1000xf32> to vector<1000xf32>
    %swap3A_364 = arith.constant 37888 : index
    %swap3A_365 = vector.load %arg9[%swap3A_364] : memref<204800xf32, #tpu.memory_space<vmem>>, vector<1000xf32>
    tpu.vector_store %arg9[%swap3A_364], %squeeze3A_363 {strides = array<i32>} : memref<204800xf32, #tpu.memory_space<vmem>>, vector<1000xf32>,
    %slice3A_366 = vector.extract_strided_slice %add3A_61 {offsets = [38, 0], sizes = [1, 1000], strides = [1, 1]} : vector<200x1000xf32> to vector<1x1000xf32>
    %squeeze3A_367 = vector.shape_cast %slice3A_366 : vector<1x1000xf32> to vector<1000xf32>
    %swap3A_368 = arith.constant 38912 : index
    %swap3A_369 = vector.load %arg8[%swap3A_368] : memref<204800xf32, #tpu.memory_space<vmem>>, vector<1000xf32>
    tpu.vector_store %arg8[%swap3A_368], %squeeze3A_367 {strides = array<i32>} : memref<204800xf32, #tpu.memory_space<vmem>>, vector<1000xf32>,
    %slice3A_370 = vector.extract_strided_slice %sub3A_63 {offsets = [38, 0], sizes = [1, 1000], strides = [1, 1]} : vector<200x1000xf32> to vector<1x1000xf32>
    %squeeze3A_371 = vector.shape_cast %slice3A_370 : vector<1x1000xf32> to vector<1000xf32>
    %swap3A_372 = arith.constant 38912 : index
    %swap3A_373 = vector.load %arg9[%swap3A_372] : memref<204800xf32, #tpu.memory_space<vmem>>, vector<1000xf32>
    tpu.vector_store %arg9[%swap3A_372], %squeeze3A_371 {strides = array<i32>} : memref<204800xf32, #tpu.memory_space<vmem>>, vector<1000xf32>,
    %slice3A_374 = vector.extract_strided_slice %add3A_61 {offsets = [39, 0], sizes = [1, 1000], strides = [1, 1]} : vector<200x1000xf32> to vector<1x1000xf32>
    %squeeze3A_375 = vector.shape_cast %slice3A_374 : vector<1x1000xf32> to vector<1000xf32>
    %swap3A_376 = arith.constant 39936 : index
    %swap3A_377 = vector.load %arg8[%swap3A_376] : memref<204800xf32, #tpu.memory_space<vmem>>, vector<1000xf32>
    tpu.vector_store %arg8[%swap3A_376], %squeeze3A_375 {strides = array<i32>} : memref<204800xf32, #tpu.memory_space<vmem>>, vector<1000xf32>,
    %slice3A_378 = vector.extract_strided_slice %sub3A_63 {offsets = [39, 0], sizes = [1, 1000], strides = [1, 1]} : vector<200x1000xf32> to vector<1x1000xf32>
    %squeeze3A_379 = vector.shape_cast %slice3A_378 : vector<1x1000xf32> to vector<1000xf32>
    %swap3A_380 = arith.constant 39936 : index
    %swap3A_381 = vector.load %arg9[%swap3A_380] : memref<204800xf32, #tpu.memory_space<vmem>>, vector<1000xf32>
    tpu.vector_store %arg9[%swap3A_380], %squeeze3A_379 {strides = array<i32>} : memref<204800xf32, #tpu.memory_space<vmem>>, vector<1000xf32>,
    %slice3A_382 = vector.extract_strided_slice %add3A_61 {offsets = [40, 0], sizes = [1, 1000], strides = [1, 1]} : vector<200x1000xf32> to vector<1x1000xf32>
    %squeeze3A_383 = vector.shape_cast %slice3A_382 : vector<1x1000xf32> to vector<1000xf32>
    %swap3A_384 = arith.constant 40960 : index
    %swap3A_385 = vector.load %arg8[%swap3A_384] : memref<204800xf32, #tpu.memory_space<vmem>>, vector<1000xf32>
    tpu.vector_store %arg8[%swap3A_384], %squeeze3A_383 {strides = array<i32>} : memref<204800xf32, #tpu.memory_space<vmem>>, vector<1000xf32>,
    %slice3A_386 = vector.extract_strided_slice %sub3A_63 {offsets = [40, 0], sizes = [1, 1000], strides = [1, 1]} : vector<200x1000xf32> to vector<1x1000xf32>
    %squeeze3A_387 = vector.shape_cast %slice3A_386 : vector<1x1000xf32> to vector<1000xf32>
    %swap3A_388 = arith.constant 40960 : index
    %swap3A_389 = vector.load %arg9[%swap3A_388] : memref<204800xf32, #tpu.memory_space<vmem>>, vector<1000xf32>
    tpu.vector_store %arg9[%swap3A_388], %squeeze3A_387 {strides = array<i32>} : memref<204800xf32, #tpu.memory_space<vmem>>, vector<1000xf32>,
    %slice3A_390 = vector.extract_strided_slice %add3A_61 {offsets = [41, 0], sizes = [1, 1000], strides = [1, 1]} : vector<200x1000xf32> to vector<1x1000xf32>
    %squeeze3A_391 = vector.shape_cast %slice3A_390 : vector<1x1000xf32> to vector<1000xf32>
    %swap3A_392 = arith.constant 41984 : index
    %swap3A_393 = vector.load %arg8[%swap3A_392] : memref<204800xf32, #tpu.memory_space<vmem>>, vector<1000xf32>
    tpu.vector_store %arg8[%swap3A_392], %squeeze3A_391 {strides = array<i32>} : memref<204800xf32, #tpu.memory_space<vmem>>, vector<1000xf32>,
    %slice3A_394 = vector.extract_strided_slice %sub3A_63 {offsets = [41, 0], sizes = [1, 1000], strides = [1, 1]} : vector<200x1000xf32> to vector<1x1000xf32>
    %squeeze3A_395 = vector.shape_cast %slice3A_394 : vector<1x1000xf32> to vector<1000xf32>
    %swap3A_396 = arith.constant 41984 : index
    %swap3A_397 = vector.load %arg9[%swap3A_396] : memref<204800xf32, #tpu.memory_space<vmem>>, vector<1000xf32>
    tpu.vector_store %arg9[%swap3A_396], %squeeze3A_395 {strides = array<i32>} : memref<204800xf32, #tpu.memory_space<vmem>>, vector<1000xf32>,
    %slice3A_398 = vector.extract_strided_slice %add3A_61 {offsets = [42, 0], sizes = [1, 1000], strides = [1, 1]} : vector<200x1000xf32> to vector<1x1000xf32>
    %squeeze3A_399 = vector.shape_cast %slice3A_398 : vector<1x1000xf32> to vector<1000xf32>
    %swap3A_400 = arith.constant 43008 : index
    %swap3A_401 = vector.load %arg8[%swap3A_400] : memref<204800xf32, #tpu.memory_space<vmem>>, vector<1000xf32>
    tpu.vector_store %arg8[%swap3A_400], %squeeze3A_399 {strides = array<i32>} : memref<204800xf32, #tpu.memory_space<vmem>>, vector<1000xf32>,
    %slice3A_402 = vector.extract_strided_slice %sub3A_63 {offsets = [42, 0], sizes = [1, 1000], strides = [1, 1]} : vector<200x1000xf32> to vector<1x1000xf32>
    %squeeze3A_403 = vector.shape_cast %slice3A_402 : vector<1x1000xf32> to vector<1000xf32>
    %swap3A_404 = arith.constant 43008 : index
    %swap3A_405 = vector.load %arg9[%swap3A_404] : memref<204800xf32, #tpu.memory_space<vmem>>, vector<1000xf32>
    tpu.vector_store %arg9[%swap3A_404], %squeeze3A_403 {strides = array<i32>} : memref<204800xf32, #tpu.memory_space<vmem>>, vector<1000xf32>,
    %slice3A_406 = vector.extract_strided_slice %add3A_61 {offsets = [43, 0], sizes = [1, 1000], strides = [1, 1]} : vector<200x1000xf32> to vector<1x1000xf32>
    %squeeze3A_407 = vector.shape_cast %slice3A_406 : vector<1x1000xf32> to vector<1000xf32>
    %swap3A_408 = arith.constant 44032 : index
    %swap3A_409 = vector.load %arg8[%swap3A_408] : memref<204800xf32, #tpu.memory_space<vmem>>, vector<1000xf32>
    tpu.vector_store %arg8[%swap3A_408], %squeeze3A_407 {strides = array<i32>} : memref<204800xf32, #tpu.memory_space<vmem>>, vector<1000xf32>,
    %slice3A_410 = vector.extract_strided_slice %sub3A_63 {offsets = [43, 0], sizes = [1, 1000], strides = [1, 1]} : vector<200x1000xf32> to vector<1x1000xf32>
    %squeeze3A_411 = vector.shape_cast %slice3A_410 : vector<1x1000xf32> to vector<1000xf32>
    %swap3A_412 = arith.constant 44032 : index
    %swap3A_413 = vector.load %arg9[%swap3A_412] : memref<204800xf32, #tpu.memory_space<vmem>>, vector<1000xf32>
    tpu.vector_store %arg9[%swap3A_412], %squeeze3A_411 {strides = array<i32>} : memref<204800xf32, #tpu.memory_space<vmem>>, vector<1000xf32>,
    %slice3A_414 = vector.extract_strided_slice %add3A_61 {offsets = [44, 0], sizes = [1, 1000], strides = [1, 1]} : vector<200x1000xf32> to vector<1x1000xf32>
    %squeeze3A_415 = vector.shape_cast %slice3A_414 : vector<1x1000xf32> to vector<1000xf32>
    %swap3A_416 = arith.constant 45056 : index
    %swap3A_417 = vector.load %arg8[%swap3A_416] : memref<204800xf32, #tpu.memory_space<vmem>>, vector<1000xf32>
    tpu.vector_store %arg8[%swap3A_416], %squeeze3A_415 {strides = array<i32>} : memref<204800xf32, #tpu.memory_space<vmem>>, vector<1000xf32>,
    %slice3A_418 = vector.extract_strided_slice %sub3A_63 {offsets = [44, 0], sizes = [1, 1000], strides = [1, 1]} : vector<200x1000xf32> to vector<1x1000xf32>
    %squeeze3A_419 = vector.shape_cast %slice3A_418 : vector<1x1000xf32> to vector<1000xf32>
    %swap3A_420 = arith.constant 45056 : index
    %swap3A_421 = vector.load %arg9[%swap3A_420] : memref<204800xf32, #tpu.memory_space<vmem>>, vector<1000xf32>
    tpu.vector_store %arg9[%swap3A_420], %squeeze3A_419 {strides = array<i32>} : memref<204800xf32, #tpu.memory_space<vmem>>, vector<1000xf32>,
    %slice3A_422 = vector.extract_strided_slice %add3A_61 {offsets = [45, 0], sizes = [1, 1000], strides = [1, 1]} : vector<200x1000xf32> to vector<1x1000xf32>
    %squeeze3A_423 = vector.shape_cast %slice3A_422 : vector<1x1000xf32> to vector<1000xf32>
    %swap3A_424 = arith.constant 46080 : index
    %swap3A_425 = vector.load %arg8[%swap3A_424] : memref<204800xf32, #tpu.memory_space<vmem>>, vector<1000xf32>
    tpu.vector_store %arg8[%swap3A_424], %squeeze3A_423 {strides = array<i32>} : memref<204800xf32, #tpu.memory_space<vmem>>, vector<1000xf32>,
    %slice3A_426 = vector.extract_strided_slice %sub3A_63 {offsets = [45, 0], sizes = [1, 1000], strides = [1, 1]} : vector<200x1000xf32> to vector<1x1000xf32>
    %squeeze3A_427 = vector.shape_cast %slice3A_426 : vector<1x1000xf32> to vector<1000xf32>
    %swap3A_428 = arith.constant 46080 : index
    %swap3A_429 = vector.load %arg9[%swap3A_428] : memref<204800xf32, #tpu.memory_space<vmem>>, vector<1000xf32>
    tpu.vector_store %arg9[%swap3A_428], %squeeze3A_427 {strides = array<i32>} : memref<204800xf32, #tpu.memory_space<vmem>>, vector<1000xf32>,
    %slice3A_430 = vector.extract_strided_slice %add3A_61 {offsets = [46, 0], sizes = [1, 1000], strides = [1, 1]} : vector<200x1000xf32> to vector<1x1000xf32>
    %squeeze3A_431 = vector.shape_cast %slice3A_430 : vector<1x1000xf32> to vector<1000xf32>
    %swap3A_432 = arith.constant 47104 : index
    %swap3A_433 = vector.load %arg8[%swap3A_432] : memref<204800xf32, #tpu.memory_space<vmem>>, vector<1000xf32>
    tpu.vector_store %arg8[%swap3A_432], %squeeze3A_431 {strides = array<i32>} : memref<204800xf32, #tpu.memory_space<vmem>>, vector<1000xf32>,
    %slice3A_434 = vector.extract_strided_slice %sub3A_63 {offsets = [46, 0], sizes = [1, 1000], strides = [1, 1]} : vector<200x1000xf32> to vector<1x1000xf32>
    %squeeze3A_435 = vector.shape_cast %slice3A_434 : vector<1x1000xf32> to vector<1000xf32>
    %swap3A_436 = arith.constant 47104 : index
    %swap3A_437 = vector.load %arg9[%swap3A_436] : memref<204800xf32, #tpu.memory_space<vmem>>, vector<1000xf32>
    tpu.vector_store %arg9[%swap3A_436], %squeeze3A_435 {strides = array<i32>} : memref<204800xf32, #tpu.memory_space<vmem>>, vector<1000xf32>,
    %slice3A_438 = vector.extract_strided_slice %add3A_61 {offsets = [47, 0], sizes = [1, 1000], strides = [1, 1]} : vector<200x1000xf32> to vector<1x1000xf32>
    %squeeze3A_439 = vector.shape_cast %slice3A_438 : vector<1x1000xf32> to vector<1000xf32>
    %swap3A_440 = arith.constant 48128 : index
    %swap3A_441 = vector.load %arg8[%swap3A_440] : memref<204800xf32, #tpu.memory_space<vmem>>, vector<1000xf32>
    tpu.vector_store %arg8[%swap3A_440], %squeeze3A_439 {strides = array<i32>} : memref<204800xf32, #tpu.memory_space<vmem>>, vector<1000xf32>,
    %slice3A_442 = vector.extract_strided_slice %sub3A_63 {offsets = [47, 0], sizes = [1, 1000], strides = [1, 1]} : vector<200x1000xf32> to vector<1x1000xf32>
    %squeeze3A_443 = vector.shape_cast %slice3A_442 : vector<1x1000xf32> to vector<1000xf32>
    %swap3A_444 = arith.constant 48128 : index
    %swap3A_445 = vector.load %arg9[%swap3A_444] : memref<204800xf32, #tpu.memory_space<vmem>>, vector<1000xf32>
    tpu.vector_store %arg9[%swap3A_444], %squeeze3A_443 {strides = array<i32>} : memref<204800xf32, #tpu.memory_space<vmem>>, vector<1000xf32>,
    %slice3A_446 = vector.extract_strided_slice %add3A_61 {offsets = [48, 0], sizes = [1, 1000], strides = [1, 1]} : vector<200x1000xf32> to vector<1x1000xf32>
    %squeeze3A_447 = vector.shape_cast %slice3A_446 : vector<1x1000xf32> to vector<1000xf32>
    %swap3A_448 = arith.constant 49152 : index
    %swap3A_449 = vector.load %arg8[%swap3A_448] : memref<204800xf32, #tpu.memory_space<vmem>>, vector<1000xf32>
    tpu.vector_store %arg8[%swap3A_448], %squeeze3A_447 {strides = array<i32>} : memref<204800xf32, #tpu.memory_space<vmem>>, vector<1000xf32>,
    %slice3A_450 = vector.extract_strided_slice %sub3A_63 {offsets = [48, 0], sizes = [1, 1000], strides = [1, 1]} : vector<200x1000xf32> to vector<1x1000xf32>
    %squeeze3A_451 = vector.shape_cast %slice3A_450 : vector<1x1000xf32> to vector<1000xf32>
    %swap3A_452 = arith.constant 49152 : index
    %swap3A_453 = vector.load %arg9[%swap3A_452] : memref<204800xf32, #tpu.memory_space<vmem>>, vector<1000xf32>
    tpu.vector_store %arg9[%swap3A_452], %squeeze3A_451 {strides = array<i32>} : memref<204800xf32, #tpu.memory_space<vmem>>, vector<1000xf32>,
    %slice3A_454 = vector.extract_strided_slice %add3A_61 {offsets = [49, 0], sizes = [1, 1000], strides = [1, 1]} : vector<200x1000xf32> to vector<1x1000xf32>
    %squeeze3A_455 = vector.shape_cast %slice3A_454 : vector<1x1000xf32> to vector<1000xf32>
    %swap3A_456 = arith.constant 50176 : index
    %swap3A_457 = vector.load %arg8[%swap3A_456] : memref<204800xf32, #tpu.memory_space<vmem>>, vector<1000xf32>
    tpu.vector_store %arg8[%swap3A_456], %squeeze3A_455 {strides = array<i32>} : memref<204800xf32, #tpu.memory_space<vmem>>, vector<1000xf32>,
    %slice3A_458 = vector.extract_strided_slice %sub3A_63 {offsets = [49, 0], sizes = [1, 1000], strides = [1, 1]} : vector<200x1000xf32> to vector<1x1000xf32>
    %squeeze3A_459 = vector.shape_cast %slice3A_458 : vector<1x1000xf32> to vector<1000xf32>
    %swap3A_460 = arith.constant 50176 : index
    %swap3A_461 = vector.load %arg9[%swap3A_460] : memref<204800xf32, #tpu.memory_space<vmem>>, vector<1000xf32>
    tpu.vector_store %arg9[%swap3A_460], %squeeze3A_459 {strides = array<i32>} : memref<204800xf32, #tpu.memory_space<vmem>>, vector<1000xf32>,
    %slice3A_462 = vector.extract_strided_slice %add3A_61 {offsets = [50, 0], sizes = [1, 1000], strides = [1, 1]} : vector<200x1000xf32> to vector<1x1000xf32>
    %squeeze3A_463 = vector.shape_cast %slice3A_462 : vector<1x1000xf32> to vector<1000xf32>
    %swap3A_464 = arith.constant 51200 : index
    %swap3A_465 = vector.load %arg8[%swap3A_464] : memref<204800xf32, #tpu.memory_space<vmem>>, vector<1000xf32>
    tpu.vector_store %arg8[%swap3A_464], %squeeze3A_463 {strides = array<i32>} : memref<204800xf32, #tpu.memory_space<vmem>>, vector<1000xf32>,
    %slice3A_466 = vector.extract_strided_slice %sub3A_63 {offsets = [50, 0], sizes = [1, 1000], strides = [1, 1]} : vector<200x1000xf32> to vector<1x1000xf32>
    %squeeze3A_467 = vector.shape_cast %slice3A_466 : vector<1x1000xf32> to vector<1000xf32>
    %swap3A_468 = arith.constant 51200 : index
    %swap3A_469 = vector.load %arg9[%swap3A_468] : memref<204800xf32, #tpu.memory_space<vmem>>, vector<1000xf32>
    tpu.vector_store %arg9[%swap3A_468], %squeeze3A_467 {strides = array<i32>} : memref<204800xf32, #tpu.memory_space<vmem>>, vector<1000xf32>,
    %slice3A_470 = vector.extract_strided_slice %add3A_61 {offsets = [51, 0], sizes = [1, 1000], strides = [1, 1]} : vector<200x1000xf32> to vector<1x1000xf32>
    %squeeze3A_471 = vector.shape_cast %slice3A_470 : vector<1x1000xf32> to vector<1000xf32>
    %swap3A_472 = arith.constant 52224 : index
    %swap3A_473 = vector.load %arg8[%swap3A_472] : memref<204800xf32, #tpu.memory_space<vmem>>, vector<1000xf32>
    tpu.vector_store %arg8[%swap3A_472], %squeeze3A_471 {strides = array<i32>} : memref<204800xf32, #tpu.memory_space<vmem>>, vector<1000xf32>,
    %slice3A_474 = vector.extract_strided_slice %sub3A_63 {offsets = [51, 0], sizes = [1, 1000], strides = [1, 1]} : vector<200x1000xf32> to vector<1x1000xf32>
    %squeeze3A_475 = vector.shape_cast %slice3A_474 : vector<1x1000xf32> to vector<1000xf32>
    %swap3A_476 = arith.constant 52224 : index
    %swap3A_477 = vector.load %arg9[%swap3A_476] : memref<204800xf32, #tpu.memory_space<vmem>>, vector<1000xf32>
    tpu.vector_store %arg9[%swap3A_476], %squeeze3A_475 {strides = array<i32>} : memref<204800xf32, #tpu.memory_space<vmem>>, vector<1000xf32>,
    %slice3A_478 = vector.extract_strided_slice %add3A_61 {offsets = [52, 0], sizes = [1, 1000], strides = [1, 1]} : vector<200x1000xf32> to vector<1x1000xf32>
    %squeeze3A_479 = vector.shape_cast %slice3A_478 : vector<1x1000xf32> to vector<1000xf32>
    %swap3A_480 = arith.constant 53248 : index
    %swap3A_481 = vector.load %arg8[%swap3A_480] : memref<204800xf32, #tpu.memory_space<vmem>>, vector<1000xf32>
    tpu.vector_store %arg8[%swap3A_480], %squeeze3A_479 {strides = array<i32>} : memref<204800xf32, #tpu.memory_space<vmem>>, vector<1000xf32>,
    %slice3A_482 = vector.extract_strided_slice %sub3A_63 {offsets = [52, 0], sizes = [1, 1000], strides = [1, 1]} : vector<200x1000xf32> to vector<1x1000xf32>
    %squeeze3A_483 = vector.shape_cast %slice3A_482 : vector<1x1000xf32> to vector<1000xf32>
    %swap3A_484 = arith.constant 53248 : index
    %swap3A_485 = vector.load %arg9[%swap3A_484] : memref<204800xf32, #tpu.memory_space<vmem>>, vector<1000xf32>
    tpu.vector_store %arg9[%swap3A_484], %squeeze3A_483 {strides = array<i32>} : memref<204800xf32, #tpu.memory_space<vmem>>, vector<1000xf32>,
    %slice3A_486 = vector.extract_strided_slice %add3A_61 {offsets = [53, 0], sizes = [1, 1000], strides = [1, 1]} : vector<200x1000xf32> to vector<1x1000xf32>
    %squeeze3A_487 = vector.shape_cast %slice3A_486 : vector<1x1000xf32> to vector<1000xf32>
    %swap3A_488 = arith.constant 54272 : index
    %swap3A_489 = vector.load %arg8[%swap3A_488] : memref<204800xf32, #tpu.memory_space<vmem>>, vector<1000xf32>
    tpu.vector_store %arg8[%swap3A_488], %squeeze3A_487 {strides = array<i32>} : memref<204800xf32, #tpu.memory_space<vmem>>, vector<1000xf32>,
    %slice3A_490 = vector.extract_strided_slice %sub3A_63 {offsets = [53, 0], sizes = [1, 1000], strides = [1, 1]} : vector<200x1000xf32> to vector<1x1000xf32>
    %squeeze3A_491 = vector.shape_cast %slice3A_490 : vector<1x1000xf32> to vector<1000xf32>
    %swap3A_492 = arith.constant 54272 : index
    %swap3A_493 = vector.load %arg9[%swap3A_492] : memref<204800xf32, #tpu.memory_space<vmem>>, vector<1000xf32>
    tpu.vector_store %arg9[%swap3A_492], %squeeze3A_491 {strides = array<i32>} : memref<204800xf32, #tpu.memory_space<vmem>>, vector<1000xf32>,
    %slice3A_494 = vector.extract_strided_slice %add3A_61 {offsets = [54, 0], sizes = [1, 1000], strides = [1, 1]} : vector<200x1000xf32> to vector<1x1000xf32>
    %squeeze3A_495 = vector.shape_cast %slice3A_494 : vector<1x1000xf32> to vector<1000xf32>
    %swap3A_496 = arith.constant 55296 : index
    %swap3A_497 = vector.load %arg8[%swap3A_496] : memref<204800xf32, #tpu.memory_space<vmem>>, vector<1000xf32>
    tpu.vector_store %arg8[%swap3A_496], %squeeze3A_495 {strides = array<i32>} : memref<204800xf32, #tpu.memory_space<vmem>>, vector<1000xf32>,
    %slice3A_498 = vector.extract_strided_slice %sub3A_63 {offsets = [54, 0], sizes = [1, 1000], strides = [1, 1]} : vector<200x1000xf32> to vector<1x1000xf32>
    %squeeze3A_499 = vector.shape_cast %slice3A_498 : vector<1x1000xf32> to vector<1000xf32>
    %swap3A_500 = arith.constant 55296 : index
    %swap3A_501 = vector.load %arg9[%swap3A_500] : memref<204800xf32, #tpu.memory_space<vmem>>, vector<1000xf32>
    tpu.vector_store %arg9[%swap3A_500], %squeeze3A_499 {strides = array<i32>} : memref<204800xf32, #tpu.memory_space<vmem>>, vector<1000xf32>,
    %slice3A_502 = vector.extract_strided_slice %add3A_61 {offsets = [55, 0], sizes = [1, 1000], strides = [1, 1]} : vector<200x1000xf32> to vector<1x1000xf32>
    %squeeze3A_503 = vector.shape_cast %slice3A_502 : vector<1x1000xf32> to vector<1000xf32>
    %swap3A_504 = arith.constant 56320 : index
    %swap3A_505 = vector.load %arg8[%swap3A_504] : memref<204800xf32, #tpu.memory_space<vmem>>, vector<1000xf32>
    tpu.vector_store %arg8[%swap3A_504], %squeeze3A_503 {strides = array<i32>} : memref<204800xf32, #tpu.memory_space<vmem>>, vector<1000xf32>,
    %slice3A_506 = vector.extract_strided_slice %sub3A_63 {offsets = [55, 0], sizes = [1, 1000], strides = [1, 1]} : vector<200x1000xf32> to vector<1x1000xf32>
    %squeeze3A_507 = vector.shape_cast %slice3A_506 : vector<1x1000xf32> to vector<1000xf32>
    %swap3A_508 = arith.constant 56320 : index
    %swap3A_509 = vector.load %arg9[%swap3A_508] : memref<204800xf32, #tpu.memory_space<vmem>>, vector<1000xf32>
    tpu.vector_store %arg9[%swap3A_508], %squeeze3A_507 {strides = array<i32>} : memref<204800xf32, #tpu.memory_space<vmem>>, vector<1000xf32>,
    %slice3A_510 = vector.extract_strided_slice %add3A_61 {offsets = [56, 0], sizes = [1, 1000], strides = [1, 1]} : vector<200x1000xf32> to vector<1x1000xf32>
    %squeeze3A_511 = vector.shape_cast %slice3A_510 : vector<1x1000xf32> to vector<1000xf32>
    %swap3A_512 = arith.constant 57344 : index
    %swap3A_513 = vector.load %arg8[%swap3A_512] : memref<204800xf32, #tpu.memory_space<vmem>>, vector<1000xf32>
    tpu.vector_store %arg8[%swap3A_512], %squeeze3A_511 {strides = array<i32>} : memref<204800xf32, #tpu.memory_space<vmem>>, vector<1000xf32>,
    %slice3A_514 = vector.extract_strided_slice %sub3A_63 {offsets = [56, 0], sizes = [1, 1000], strides = [1, 1]} : vector<200x1000xf32> to vector<1x1000xf32>
    %squeeze3A_515 = vector.shape_cast %slice3A_514 : vector<1x1000xf32> to vector<1000xf32>
    %swap3A_516 = arith.constant 57344 : index
    %swap3A_517 = vector.load %arg9[%swap3A_516] : memref<204800xf32, #tpu.memory_space<vmem>>, vector<1000xf32>
    tpu.vector_store %arg9[%swap3A_516], %squeeze3A_515 {strides = array<i32>} : memref<204800xf32, #tpu.memory_space<vmem>>, vector<1000xf32>,
    %slice3A_518 = vector.extract_strided_slice %add3A_61 {offsets = [57, 0], sizes = [1, 1000], strides = [1, 1]} : vector<200x1000xf32> to vector<1x1000xf32>
    %squeeze3A_519 = vector.shape_cast %slice3A_518 : vector<1x1000xf32> to vector<1000xf32>
    %swap3A_520 = arith.constant 58368 : index
    %swap3A_521 = vector.load %arg8[%swap3A_520] : memref<204800xf32, #tpu.memory_space<vmem>>, vector<1000xf32>
    tpu.vector_store %arg8[%swap3A_520], %squeeze3A_519 {strides = array<i32>} : memref<204800xf32, #tpu.memory_space<vmem>>, vector<1000xf32>,
    %slice3A_522 = vector.extract_strided_slice %sub3A_63 {offsets = [57, 0], sizes = [1, 1000], strides = [1, 1]} : vector<200x1000xf32> to vector<1x1000xf32>
    %squeeze3A_523 = vector.shape_cast %slice3A_522 : vector<1x1000xf32> to vector<1000xf32>
    %swap3A_524 = arith.constant 58368 : index
    %swap3A_525 = vector.load %arg9[%swap3A_524] : memref<204800xf32, #tpu.memory_space<vmem>>, vector<1000xf32>
    tpu.vector_store %arg9[%swap3A_524], %squeeze3A_523 {strides = array<i32>} : memref<204800xf32, #tpu.memory_space<vmem>>, vector<1000xf32>,
    %slice3A_526 = vector.extract_strided_slice %add3A_61 {offsets = [58, 0], sizes = [1, 1000], strides = [1, 1]} : vector<200x1000xf32> to vector<1x1000xf32>
    %squeeze3A_527 = vector.shape_cast %slice3A_526 : vector<1x1000xf32> to vector<1000xf32>
    %swap3A_528 = arith.constant 59392 : index
    %swap3A_529 = vector.load %arg8[%swap3A_528] : memref<204800xf32, #tpu.memory_space<vmem>>, vector<1000xf32>
    tpu.vector_store %arg8[%swap3A_528], %squeeze3A_527 {strides = array<i32>} : memref<204800xf32, #tpu.memory_space<vmem>>, vector<1000xf32>,
    %slice3A_530 = vector.extract_strided_slice %sub3A_63 {offsets = [58, 0], sizes = [1, 1000], strides = [1, 1]} : vector<200x1000xf32> to vector<1x1000xf32>
    %squeeze3A_531 = vector.shape_cast %slice3A_530 : vector<1x1000xf32> to vector<1000xf32>
    %swap3A_532 = arith.constant 59392 : index
    %swap3A_533 = vector.load %arg9[%swap3A_532] : memref<204800xf32, #tpu.memory_space<vmem>>, vector<1000xf32>
    tpu.vector_store %arg9[%swap3A_532], %squeeze3A_531 {strides = array<i32>} : memref<204800xf32, #tpu.memory_space<vmem>>, vector<1000xf32>,
    %slice3A_534 = vector.extract_strided_slice %add3A_61 {offsets = [59, 0], sizes = [1, 1000], strides = [1, 1]} : vector<200x1000xf32> to vector<1x1000xf32>
    %squeeze3A_535 = vector.shape_cast %slice3A_534 : vector<1x1000xf32> to vector<1000xf32>
    %swap3A_536 = arith.constant 60416 : index
    %swap3A_537 = vector.load %arg8[%swap3A_536] : memref<204800xf32, #tpu.memory_space<vmem>>, vector<1000xf32>
    tpu.vector_store %arg8[%swap3A_536], %squeeze3A_535 {strides = array<i32>} : memref<204800xf32, #tpu.memory_space<vmem>>, vector<1000xf32>,
    %slice3A_538 = vector.extract_strided_slice %sub3A_63 {offsets = [59, 0], sizes = [1, 1000], strides = [1, 1]} : vector<200x1000xf32> to vector<1x1000xf32>
    %squeeze3A_539 = vector.shape_cast %slice3A_538 : vector<1x1000xf32> to vector<1000xf32>
    %swap3A_540 = arith.constant 60416 : index
    %swap3A_541 = vector.load %arg9[%swap3A_540] : memref<204800xf32, #tpu.memory_space<vmem>>, vector<1000xf32>
    tpu.vector_store %arg9[%swap3A_540], %squeeze3A_539 {strides = array<i32>} : memref<204800xf32, #tpu.memory_space<vmem>>, vector<1000xf32>,
    %slice3A_542 = vector.extract_strided_slice %add3A_61 {offsets = [60, 0], sizes = [1, 1000], strides = [1, 1]} : vector<200x1000xf32> to vector<1x1000xf32>
    %squeeze3A_543 = vector.shape_cast %slice3A_542 : vector<1x1000xf32> to vector<1000xf32>
    %swap3A_544 = arith.constant 61440 : index
    %swap3A_545 = vector.load %arg8[%swap3A_544] : memref<204800xf32, #tpu.memory_space<vmem>>, vector<1000xf32>
    tpu.vector_store %arg8[%swap3A_544], %squeeze3A_543 {strides = array<i32>} : memref<204800xf32, #tpu.memory_space<vmem>>, vector<1000xf32>,
    %slice3A_546 = vector.extract_strided_slice %sub3A_63 {offsets = [60, 0], sizes = [1, 1000], strides = [1, 1]} : vector<200x1000xf32> to vector<1x1000xf32>
    %squeeze3A_547 = vector.shape_cast %slice3A_546 : vector<1x1000xf32> to vector<1000xf32>
    %swap3A_548 = arith.constant 61440 : index
    %swap3A_549 = vector.load %arg9[%swap3A_548] : memref<204800xf32, #tpu.memory_space<vmem>>, vector<1000xf32>
    tpu.vector_store %arg9[%swap3A_548], %squeeze3A_547 {strides = array<i32>} : memref<204800xf32, #tpu.memory_space<vmem>>, vector<1000xf32>,
    %slice3A_550 = vector.extract_strided_slice %add3A_61 {offsets = [61, 0], sizes = [1, 1000], strides = [1, 1]} : vector<200x1000xf32> to vector<1x1000xf32>
    %squeeze3A_551 = vector.shape_cast %slice3A_550 : vector<1x1000xf32> to vector<1000xf32>
    %swap3A_552 = arith.constant 62464 : index
    %swap3A_553 = vector.load %arg8[%swap3A_552] : memref<204800xf32, #tpu.memory_space<vmem>>, vector<1000xf32>
    tpu.vector_store %arg8[%swap3A_552], %squeeze3A_551 {strides = array<i32>} : memref<204800xf32, #tpu.memory_space<vmem>>, vector<1000xf32>,
    %slice3A_554 = vector.extract_strided_slice %sub3A_63 {offsets = [61, 0], sizes = [1, 1000], strides = [1, 1]} : vector<200x1000xf32> to vector<1x1000xf32>
    %squeeze3A_555 = vector.shape_cast %slice3A_554 : vector<1x1000xf32> to vector<1000xf32>
    %swap3A_556 = arith.constant 62464 : index
    %swap3A_557 = vector.load %arg9[%swap3A_556] : memref<204800xf32, #tpu.memory_space<vmem>>, vector<1000xf32>
    tpu.vector_store %arg9[%swap3A_556], %squeeze3A_555 {strides = array<i32>} : memref<204800xf32, #tpu.memory_space<vmem>>, vector<1000xf32>,
    %slice3A_558 = vector.extract_strided_slice %add3A_61 {offsets = [62, 0], sizes = [1, 1000], strides = [1, 1]} : vector<200x1000xf32> to vector<1x1000xf32>
    %squeeze3A_559 = vector.shape_cast %slice3A_558 : vector<1x1000xf32> to vector<1000xf32>
    %swap3A_560 = arith.constant 63488 : index
    %swap3A_561 = vector.load %arg8[%swap3A_560] : memref<204800xf32, #tpu.memory_space<vmem>>, vector<1000xf32>
    tpu.vector_store %arg8[%swap3A_560], %squeeze3A_559 {strides = array<i32>} : memref<204800xf32, #tpu.memory_space<vmem>>, vector<1000xf32>,
    %slice3A_562 = vector.extract_strided_slice %sub3A_63 {offsets = [62, 0], sizes = [1, 1000], strides = [1, 1]} : vector<200x1000xf32> to vector<1x1000xf32>
    %squeeze3A_563 = vector.shape_cast %slice3A_562 : vector<1x1000xf32> to vector<1000xf32>
    %swap3A_564 = arith.constant 63488 : index
    %swap3A_565 = vector.load %arg9[%swap3A_564] : memref<204800xf32, #tpu.memory_space<vmem>>, vector<1000xf32>
    tpu.vector_store %arg9[%swap3A_564], %squeeze3A_563 {strides = array<i32>} : memref<204800xf32, #tpu.memory_space<vmem>>, vector<1000xf32>,
    %slice3A_566 = vector.extract_strided_slice %add3A_61 {offsets = [63, 0], sizes = [1, 1000], strides = [1, 1]} : vector<200x1000xf32> to vector<1x1000xf32>
    %squeeze3A_567 = vector.shape_cast %slice3A_566 : vector<1x1000xf32> to vector<1000xf32>
    %swap3A_568 = arith.constant 64512 : index
    %swap3A_569 = vector.load %arg8[%swap3A_568] : memref<204800xf32, #tpu.memory_space<vmem>>, vector<1000xf32>
    tpu.vector_store %arg8[%swap3A_568], %squeeze3A_567 {strides = array<i32>} : memref<204800xf32, #tpu.memory_space<vmem>>, vector<1000xf32>,
    %slice3A_570 = vector.extract_strided_slice %sub3A_63 {offsets = [63, 0], sizes = [1, 1000], strides = [1, 1]} : vector<200x1000xf32> to vector<1x1000xf32>
    %squeeze3A_571 = vector.shape_cast %slice3A_570 : vector<1x1000xf32> to vector<1000xf32>
    %swap3A_572 = arith.constant 64512 : index
    %swap3A_573 = vector.load %arg9[%swap3A_572] : memref<204800xf32, #tpu.memory_space<vmem>>, vector<1000xf32>
    tpu.vector_store %arg9[%swap3A_572], %squeeze3A_571 {strides = array<i32>} : memref<204800xf32, #tpu.memory_space<vmem>>, vector<1000xf32>,
    %slice3A_574 = vector.extract_strided_slice %add3A_61 {offsets = [64, 0], sizes = [1, 1000], strides = [1, 1]} : vector<200x1000xf32> to vector<1x1000xf32>
    %squeeze3A_575 = vector.shape_cast %slice3A_574 : vector<1x1000xf32> to vector<1000xf32>
    %swap3A_576 = arith.constant 65536 : index
    %swap3A_577 = vector.load %arg8[%swap3A_576] : memref<204800xf32, #tpu.memory_space<vmem>>, vector<1000xf32>
    tpu.vector_store %arg8[%swap3A_576], %squeeze3A_575 {strides = array<i32>} : memref<204800xf32, #tpu.memory_space<vmem>>, vector<1000xf32>,
    %slice3A_578 = vector.extract_strided_slice %sub3A_63 {offsets = [64, 0], sizes = [1, 1000], strides = [1, 1]} : vector<200x1000xf32> to vector<1x1000xf32>
    %squeeze3A_579 = vector.shape_cast %slice3A_578 : vector<1x1000xf32> to vector<1000xf32>
    %swap3A_580 = arith.constant 65536 : index
    %swap3A_581 = vector.load %arg9[%swap3A_580] : memref<204800xf32, #tpu.memory_space<vmem>>, vector<1000xf32>
    tpu.vector_store %arg9[%swap3A_580], %squeeze3A_579 {strides = array<i32>} : memref<204800xf32, #tpu.memory_space<vmem>>, vector<1000xf32>,
    %slice3A_582 = vector.extract_strided_slice %add3A_61 {offsets = [65, 0], sizes = [1, 1000], strides = [1, 1]} : vector<200x1000xf32> to vector<1x1000xf32>
    %squeeze3A_583 = vector.shape_cast %slice3A_582 : vector<1x1000xf32> to vector<1000xf32>
    %swap3A_584 = arith.constant 66560 : index
    %swap3A_585 = vector.load %arg8[%swap3A_584] : memref<204800xf32, #tpu.memory_space<vmem>>, vector<1000xf32>
    tpu.vector_store %arg8[%swap3A_584], %squeeze3A_583 {strides = array<i32>} : memref<204800xf32, #tpu.memory_space<vmem>>, vector<1000xf32>,
    %slice3A_586 = vector.extract_strided_slice %sub3A_63 {offsets = [65, 0], sizes = [1, 1000], strides = [1, 1]} : vector<200x1000xf32> to vector<1x1000xf32>
    %squeeze3A_587 = vector.shape_cast %slice3A_586 : vector<1x1000xf32> to vector<1000xf32>
    %swap3A_588 = arith.constant 66560 : index
    %swap3A_589 = vector.load %arg9[%swap3A_588] : memref<204800xf32, #tpu.memory_space<vmem>>, vector<1000xf32>
    tpu.vector_store %arg9[%swap3A_588], %squeeze3A_587 {strides = array<i32>} : memref<204800xf32, #tpu.memory_space<vmem>>, vector<1000xf32>,
    %slice3A_590 = vector.extract_strided_slice %add3A_61 {offsets = [66, 0], sizes = [1, 1000], strides = [1, 1]} : vector<200x1000xf32> to vector<1x1000xf32>
    %squeeze3A_591 = vector.shape_cast %slice3A_590 : vector<1x1000xf32> to vector<1000xf32>
    %swap3A_592 = arith.constant 67584 : index
    %swap3A_593 = vector.load %arg8[%swap3A_592] : memref<204800xf32, #tpu.memory_space<vmem>>, vector<1000xf32>
    tpu.vector_store %arg8[%swap3A_592], %squeeze3A_591 {strides = array<i32>} : memref<204800xf32, #tpu.memory_space<vmem>>, vector<1000xf32>,
    %slice3A_594 = vector.extract_strided_slice %sub3A_63 {offsets = [66, 0], sizes = [1, 1000], strides = [1, 1]} : vector<200x1000xf32> to vector<1x1000xf32>
    %squeeze3A_595 = vector.shape_cast %slice3A_594 : vector<1x1000xf32> to vector<1000xf32>
    %swap3A_596 = arith.constant 67584 : index
    %swap3A_597 = vector.load %arg9[%swap3A_596] : memref<204800xf32, #tpu.memory_space<vmem>>, vector<1000xf32>
    tpu.vector_store %arg9[%swap3A_596], %squeeze3A_595 {strides = array<i32>} : memref<204800xf32, #tpu.memory_space<vmem>>, vector<1000xf32>,
    %slice3A_598 = vector.extract_strided_slice %add3A_61 {offsets = [67, 0], sizes = [1, 1000], strides = [1, 1]} : vector<200x1000xf32> to vector<1x1000xf32>
    %squeeze3A_599 = vector.shape_cast %slice3A_598 : vector<1x1000xf32> to vector<1000xf32>
    %swap3A_600 = arith.constant 68608 : index
    %swap3A_601 = vector.load %arg8[%swap3A_600] : memref<204800xf32, #tpu.memory_space<vmem>>, vector<1000xf32>
    tpu.vector_store %arg8[%swap3A_600], %squeeze3A_599 {strides = array<i32>} : memref<204800xf32, #tpu.memory_space<vmem>>, vector<1000xf32>,
    %slice3A_602 = vector.extract_strided_slice %sub3A_63 {offsets = [67, 0], sizes = [1, 1000], strides = [1, 1]} : vector<200x1000xf32> to vector<1x1000xf32>
    %squeeze3A_603 = vector.shape_cast %slice3A_602 : vector<1x1000xf32> to vector<1000xf32>
    %swap3A_604 = arith.constant 68608 : index
    %swap3A_605 = vector.load %arg9[%swap3A_604] : memref<204800xf32, #tpu.memory_space<vmem>>, vector<1000xf32>
    tpu.vector_store %arg9[%swap3A_604], %squeeze3A_603 {strides = array<i32>} : memref<204800xf32, #tpu.memory_space<vmem>>, vector<1000xf32>,
    %slice3A_606 = vector.extract_strided_slice %add3A_61 {offsets = [68, 0], sizes = [1, 1000], strides = [1, 1]} : vector<200x1000xf32> to vector<1x1000xf32>
    %squeeze3A_607 = vector.shape_cast %slice3A_606 : vector<1x1000xf32> to vector<1000xf32>
    %swap3A_608 = arith.constant 69632 : index
    %swap3A_609 = vector.load %arg8[%swap3A_608] : memref<204800xf32, #tpu.memory_space<vmem>>, vector<1000xf32>
    tpu.vector_store %arg8[%swap3A_608], %squeeze3A_607 {strides = array<i32>} : memref<204800xf32, #tpu.memory_space<vmem>>, vector<1000xf32>,
    %slice3A_610 = vector.extract_strided_slice %sub3A_63 {offsets = [68, 0], sizes = [1, 1000], strides = [1, 1]} : vector<200x1000xf32> to vector<1x1000xf32>
    %squeeze3A_611 = vector.shape_cast %slice3A_610 : vector<1x1000xf32> to vector<1000xf32>
    %swap3A_612 = arith.constant 69632 : index
    %swap3A_613 = vector.load %arg9[%swap3A_612] : memref<204800xf32, #tpu.memory_space<vmem>>, vector<1000xf32>
    tpu.vector_store %arg9[%swap3A_612], %squeeze3A_611 {strides = array<i32>} : memref<204800xf32, #tpu.memory_space<vmem>>, vector<1000xf32>,
    %slice3A_614 = vector.extract_strided_slice %add3A_61 {offsets = [69, 0], sizes = [1, 1000], strides = [1, 1]} : vector<200x1000xf32> to vector<1x1000xf32>
    %squeeze3A_615 = vector.shape_cast %slice3A_614 : vector<1x1000xf32> to vector<1000xf32>
    %swap3A_616 = arith.constant 70656 : index
    %swap3A_617 = vector.load %arg8[%swap3A_616] : memref<204800xf32, #tpu.memory_space<vmem>>, vector<1000xf32>
    tpu.vector_store %arg8[%swap3A_616], %squeeze3A_615 {strides = array<i32>} : memref<204800xf32, #tpu.memory_space<vmem>>, vector<1000xf32>,
    %slice3A_618 = vector.extract_strided_slice %sub3A_63 {offsets = [69, 0], sizes = [1, 1000], strides = [1, 1]} : vector<200x1000xf32> to vector<1x1000xf32>
    %squeeze3A_619 = vector.shape_cast %slice3A_618 : vector<1x1000xf32> to vector<1000xf32>
    %swap3A_620 = arith.constant 70656 : index
    %swap3A_621 = vector.load %arg9[%swap3A_620] : memref<204800xf32, #tpu.memory_space<vmem>>, vector<1000xf32>
    tpu.vector_store %arg9[%swap3A_620], %squeeze3A_619 {strides = array<i32>} : memref<204800xf32, #tpu.memory_space<vmem>>, vector<1000xf32>,
    %slice3A_622 = vector.extract_strided_slice %add3A_61 {offsets = [70, 0], sizes = [1, 1000], strides = [1, 1]} : vector<200x1000xf32> to vector<1x1000xf32>
    %squeeze3A_623 = vector.shape_cast %slice3A_622 : vector<1x1000xf32> to vector<1000xf32>
    %swap3A_624 = arith.constant 71680 : index
    %swap3A_625 = vector.load %arg8[%swap3A_624] : memref<204800xf32, #tpu.memory_space<vmem>>, vector<1000xf32>
    tpu.vector_store %arg8[%swap3A_624], %squeeze3A_623 {strides = array<i32>} : memref<204800xf32, #tpu.memory_space<vmem>>, vector<1000xf32>,
    %slice3A_626 = vector.extract_strided_slice %sub3A_63 {offsets = [70, 0], sizes = [1, 1000], strides = [1, 1]} : vector<200x1000xf32> to vector<1x1000xf32>
    %squeeze3A_627 = vector.shape_cast %slice3A_626 : vector<1x1000xf32> to vector<1000xf32>
    %swap3A_628 = arith.constant 71680 : index
    %swap3A_629 = vector.load %arg9[%swap3A_628] : memref<204800xf32, #tpu.memory_space<vmem>>, vector<1000xf32>
    tpu.vector_store %arg9[%swap3A_628], %squeeze3A_627 {strides = array<i32>} : memref<204800xf32, #tpu.memory_space<vmem>>, vector<1000xf32>,
    %slice3A_630 = vector.extract_strided_slice %add3A_61 {offsets = [71, 0], sizes = [1, 1000], strides = [1, 1]} : vector<200x1000xf32> to vector<1x1000xf32>
    %squeeze3A_631 = vector.shape_cast %slice3A_630 : vector<1x1000xf32> to vector<1000xf32>
    %swap3A_632 = arith.constant 72704 : index
    %swap3A_633 = vector.load %arg8[%swap3A_632] : memref<204800xf32, #tpu.memory_space<vmem>>, vector<1000xf32>
    tpu.vector_store %arg8[%swap3A_632], %squeeze3A_631 {strides = array<i32>} : memref<204800xf32, #tpu.memory_space<vmem>>, vector<1000xf32>,
    %slice3A_634 = vector.extract_strided_slice %sub3A_63 {offsets = [71, 0], sizes = [1, 1000], strides = [1, 1]} : vector<200x1000xf32> to vector<1x1000xf32>
    %squeeze3A_635 = vector.shape_cast %slice3A_634 : vector<1x1000xf32> to vector<1000xf32>
    %swap3A_636 = arith.constant 72704 : index
    %swap3A_637 = vector.load %arg9[%swap3A_636] : memref<204800xf32, #tpu.memory_space<vmem>>, vector<1000xf32>
    tpu.vector_store %arg9[%swap3A_636], %squeeze3A_635 {strides = array<i32>} : memref<204800xf32, #tpu.memory_space<vmem>>, vector<1000xf32>,
    %slice3A_638 = vector.extract_strided_slice %add3A_61 {offsets = [72, 0], sizes = [1, 1000], strides = [1, 1]} : vector<200x1000xf32> to vector<1x1000xf32>
    %squeeze3A_639 = vector.shape_cast %slice3A_638 : vector<1x1000xf32> to vector<1000xf32>
    %swap3A_640 = arith.constant 73728 : index
    %swap3A_641 = vector.load %arg8[%swap3A_640] : memref<204800xf32, #tpu.memory_space<vmem>>, vector<1000xf32>
    tpu.vector_store %arg8[%swap3A_640], %squeeze3A_639 {strides = array<i32>} : memref<204800xf32, #tpu.memory_space<vmem>>, vector<1000xf32>,
    %slice3A_642 = vector.extract_strided_slice %sub3A_63 {offsets = [72, 0], sizes = [1, 1000], strides = [1, 1]} : vector<200x1000xf32> to vector<1x1000xf32>
    %squeeze3A_643 = vector.shape_cast %slice3A_642 : vector<1x1000xf32> to vector<1000xf32>
    %swap3A_644 = arith.constant 73728 : index
    %swap3A_645 = vector.load %arg9[%swap3A_644] : memref<204800xf32, #tpu.memory_space<vmem>>, vector<1000xf32>
    tpu.vector_store %arg9[%swap3A_644], %squeeze3A_643 {strides = array<i32>} : memref<204800xf32, #tpu.memory_space<vmem>>, vector<1000xf32>,
    %slice3A_646 = vector.extract_strided_slice %add3A_61 {offsets = [73, 0], sizes = [1, 1000], strides = [1, 1]} : vector<200x1000xf32> to vector<1x1000xf32>
    %squeeze3A_647 = vector.shape_cast %slice3A_646 : vector<1x1000xf32> to vector<1000xf32>
    %swap3A_648 = arith.constant 74752 : index
    %swap3A_649 = vector.load %arg8[%swap3A_648] : memref<204800xf32, #tpu.memory_space<vmem>>, vector<1000xf32>
    tpu.vector_store %arg8[%swap3A_648], %squeeze3A_647 {strides = array<i32>} : memref<204800xf32, #tpu.memory_space<vmem>>, vector<1000xf32>,
    %slice3A_650 = vector.extract_strided_slice %sub3A_63 {offsets = [73, 0], sizes = [1, 1000], strides = [1, 1]} : vector<200x1000xf32> to vector<1x1000xf32>
    %squeeze3A_651 = vector.shape_cast %slice3A_650 : vector<1x1000xf32> to vector<1000xf32>
    %swap3A_652 = arith.constant 74752 : index
    %swap3A_653 = vector.load %arg9[%swap3A_652] : memref<204800xf32, #tpu.memory_space<vmem>>, vector<1000xf32>
    tpu.vector_store %arg9[%swap3A_652], %squeeze3A_651 {strides = array<i32>} : memref<204800xf32, #tpu.memory_space<vmem>>, vector<1000xf32>,
    %slice3A_654 = vector.extract_strided_slice %add3A_61 {offsets = [74, 0], sizes = [1, 1000], strides = [1, 1]} : vector<200x1000xf32> to vector<1x1000xf32>
    %squeeze3A_655 = vector.shape_cast %slice3A_654 : vector<1x1000xf32> to vector<1000xf32>
    %swap3A_656 = arith.constant 75776 : index
    %swap3A_657 = vector.load %arg8[%swap3A_656] : memref<204800xf32, #tpu.memory_space<vmem>>, vector<1000xf32>
    tpu.vector_store %arg8[%swap3A_656], %squeeze3A_655 {strides = array<i32>} : memref<204800xf32, #tpu.memory_space<vmem>>, vector<1000xf32>,
    %slice3A_658 = vector.extract_strided_slice %sub3A_63 {offsets = [74, 0], sizes = [1, 1000], strides = [1, 1]} : vector<200x1000xf32> to vector<1x1000xf32>
    %squeeze3A_659 = vector.shape_cast %slice3A_658 : vector<1x1000xf32> to vector<1000xf32>
    %swap3A_660 = arith.constant 75776 : index
    %swap3A_661 = vector.load %arg9[%swap3A_660] : memref<204800xf32, #tpu.memory_space<vmem>>, vector<1000xf32>
    tpu.vector_store %arg9[%swap3A_660], %squeeze3A_659 {strides = array<i32>} : memref<204800xf32, #tpu.memory_space<vmem>>, vector<1000xf32>,
    %slice3A_662 = vector.extract_strided_slice %add3A_61 {offsets = [75, 0], sizes = [1, 1000], strides = [1, 1]} : vector<200x1000xf32> to vector<1x1000xf32>
    %squeeze3A_663 = vector.shape_cast %slice3A_662 : vector<1x1000xf32> to vector<1000xf32>
    %swap3A_664 = arith.constant 76800 : index
    %swap3A_665 = vector.load %arg8[%swap3A_664] : memref<204800xf32, #tpu.memory_space<vmem>>, vector<1000xf32>
    tpu.vector_store %arg8[%swap3A_664], %squeeze3A_663 {strides = array<i32>} : memref<204800xf32, #tpu.memory_space<vmem>>, vector<1000xf32>,
    %slice3A_666 = vector.extract_strided_slice %sub3A_63 {offsets = [75, 0], sizes = [1, 1000], strides = [1, 1]} : vector<200x1000xf32> to vector<1x1000xf32>
    %squeeze3A_667 = vector.shape_cast %slice3A_666 : vector<1x1000xf32> to vector<1000xf32>
    %swap3A_668 = arith.constant 76800 : index
    %swap3A_669 = vector.load %arg9[%swap3A_668] : memref<204800xf32, #tpu.memory_space<vmem>>, vector<1000xf32>
    tpu.vector_store %arg9[%swap3A_668], %squeeze3A_667 {strides = array<i32>} : memref<204800xf32, #tpu.memory_space<vmem>>, vector<1000xf32>,
    %slice3A_670 = vector.extract_strided_slice %add3A_61 {offsets = [76, 0], sizes = [1, 1000], strides = [1, 1]} : vector<200x1000xf32> to vector<1x1000xf32>
    %squeeze3A_671 = vector.shape_cast %slice3A_670 : vector<1x1000xf32> to vector<1000xf32>
    %swap3A_672 = arith.constant 77824 : index
    %swap3A_673 = vector.load %arg8[%swap3A_672] : memref<204800xf32, #tpu.memory_space<vmem>>, vector<1000xf32>
    tpu.vector_store %arg8[%swap3A_672], %squeeze3A_671 {strides = array<i32>} : memref<204800xf32, #tpu.memory_space<vmem>>, vector<1000xf32>,
    %slice3A_674 = vector.extract_strided_slice %sub3A_63 {offsets = [76, 0], sizes = [1, 1000], strides = [1, 1]} : vector<200x1000xf32> to vector<1x1000xf32>
    %squeeze3A_675 = vector.shape_cast %slice3A_674 : vector<1x1000xf32> to vector<1000xf32>
    %swap3A_676 = arith.constant 77824 : index
    %swap3A_677 = vector.load %arg9[%swap3A_676] : memref<204800xf32, #tpu.memory_space<vmem>>, vector<1000xf32>
    tpu.vector_store %arg9[%swap3A_676], %squeeze3A_675 {strides = array<i32>} : memref<204800xf32, #tpu.memory_space<vmem>>, vector<1000xf32>,
    %slice3A_678 = vector.extract_strided_slice %add3A_61 {offsets = [77, 0], sizes = [1, 1000], strides = [1, 1]} : vector<200x1000xf32> to vector<1x1000xf32>
    %squeeze3A_679 = vector.shape_cast %slice3A_678 : vector<1x1000xf32> to vector<1000xf32>
    %swap3A_680 = arith.constant 78848 : index
    %swap3A_681 = vector.load %arg8[%swap3A_680] : memref<204800xf32, #tpu.memory_space<vmem>>, vector<1000xf32>
    tpu.vector_store %arg8[%swap3A_680], %squeeze3A_679 {strides = array<i32>} : memref<204800xf32, #tpu.memory_space<vmem>>, vector<1000xf32>,
    %slice3A_682 = vector.extract_strided_slice %sub3A_63 {offsets = [77, 0], sizes = [1, 1000], strides = [1, 1]} : vector<200x1000xf32> to vector<1x1000xf32>
    %squeeze3A_683 = vector.shape_cast %slice3A_682 : vector<1x1000xf32> to vector<1000xf32>
    %swap3A_684 = arith.constant 78848 : index
    %swap3A_685 = vector.load %arg9[%swap3A_684] : memref<204800xf32, #tpu.memory_space<vmem>>, vector<1000xf32>
    tpu.vector_store %arg9[%swap3A_684], %squeeze3A_683 {strides = array<i32>} : memref<204800xf32, #tpu.memory_space<vmem>>, vector<1000xf32>,
    %slice3A_686 = vector.extract_strided_slice %add3A_61 {offsets = [78, 0], sizes = [1, 1000], strides = [1, 1]} : vector<200x1000xf32> to vector<1x1000xf32>
    %squeeze3A_687 = vector.shape_cast %slice3A_686 : vector<1x1000xf32> to vector<1000xf32>
    %swap3A_688 = arith.constant 79872 : index
    %swap3A_689 = vector.load %arg8[%swap3A_688] : memref<204800xf32, #tpu.memory_space<vmem>>, vector<1000xf32>
    tpu.vector_store %arg8[%swap3A_688], %squeeze3A_687 {strides = array<i32>} : memref<204800xf32, #tpu.memory_space<vmem>>, vector<1000xf32>,
    %slice3A_690 = vector.extract_strided_slice %sub3A_63 {offsets = [78, 0], sizes = [1, 1000], strides = [1, 1]} : vector<200x1000xf32> to vector<1x1000xf32>
    %squeeze3A_691 = vector.shape_cast %slice3A_690 : vector<1x1000xf32> to vector<1000xf32>
    %swap3A_692 = arith.constant 79872 : index
    %swap3A_693 = vector.load %arg9[%swap3A_692] : memref<204800xf32, #tpu.memory_space<vmem>>, vector<1000xf32>
    tpu.vector_store %arg9[%swap3A_692], %squeeze3A_691 {strides = array<i32>} : memref<204800xf32, #tpu.memory_space<vmem>>, vector<1000xf32>,
    %slice3A_694 = vector.extract_strided_slice %add3A_61 {offsets = [79, 0], sizes = [1, 1000], strides = [1, 1]} : vector<200x1000xf32> to vector<1x1000xf32>
    %squeeze3A_695 = vector.shape_cast %slice3A_694 : vector<1x1000xf32> to vector<1000xf32>
    %swap3A_696 = arith.constant 80896 : index
    %swap3A_697 = vector.load %arg8[%swap3A_696] : memref<204800xf32, #tpu.memory_space<vmem>>, vector<1000xf32>
    tpu.vector_store %arg8[%swap3A_696], %squeeze3A_695 {strides = array<i32>} : memref<204800xf32, #tpu.memory_space<vmem>>, vector<1000xf32>,
    %slice3A_698 = vector.extract_strided_slice %sub3A_63 {offsets = [79, 0], sizes = [1, 1000], strides = [1, 1]} : vector<200x1000xf32> to vector<1x1000xf32>
    %squeeze3A_699 = vector.shape_cast %slice3A_698 : vector<1x1000xf32> to vector<1000xf32>
    %swap3A_700 = arith.constant 80896 : index
    %swap3A_701 = vector.load %arg9[%swap3A_700] : memref<204800xf32, #tpu.memory_space<vmem>>, vector<1000xf32>
    tpu.vector_store %arg9[%swap3A_700], %squeeze3A_699 {strides = array<i32>} : memref<204800xf32, #tpu.memory_space<vmem>>, vector<1000xf32>,
    %slice3A_702 = vector.extract_strided_slice %add3A_61 {offsets = [80, 0], sizes = [1, 1000], strides = [1, 1]} : vector<200x1000xf32> to vector<1x1000xf32>
    %squeeze3A_703 = vector.shape_cast %slice3A_702 : vector<1x1000xf32> to vector<1000xf32>
    %swap3A_704 = arith.constant 81920 : index
    %swap3A_705 = vector.load %arg8[%swap3A_704] : memref<204800xf32, #tpu.memory_space<vmem>>, vector<1000xf32>
    tpu.vector_store %arg8[%swap3A_704], %squeeze3A_703 {strides = array<i32>} : memref<204800xf32, #tpu.memory_space<vmem>>, vector<1000xf32>,
    %slice3A_706 = vector.extract_strided_slice %sub3A_63 {offsets = [80, 0], sizes = [1, 1000], strides = [1, 1]} : vector<200x1000xf32> to vector<1x1000xf32>
    %squeeze3A_707 = vector.shape_cast %slice3A_706 : vector<1x1000xf32> to vector<1000xf32>
    %swap3A_708 = arith.constant 81920 : index
    %swap3A_709 = vector.load %arg9[%swap3A_708] : memref<204800xf32, #tpu.memory_space<vmem>>, vector<1000xf32>
    tpu.vector_store %arg9[%swap3A_708], %squeeze3A_707 {strides = array<i32>} : memref<204800xf32, #tpu.memory_space<vmem>>, vector<1000xf32>,
    %slice3A_710 = vector.extract_strided_slice %add3A_61 {offsets = [81, 0], sizes = [1, 1000], strides = [1, 1]} : vector<200x1000xf32> to vector<1x1000xf32>
    %squeeze3A_711 = vector.shape_cast %slice3A_710 : vector<1x1000xf32> to vector<1000xf32>
    %swap3A_712 = arith.constant 82944 : index
    %swap3A_713 = vector.load %arg8[%swap3A_712] : memref<204800xf32, #tpu.memory_space<vmem>>, vector<1000xf32>
    tpu.vector_store %arg8[%swap3A_712], %squeeze3A_711 {strides = array<i32>} : memref<204800xf32, #tpu.memory_space<vmem>>, vector<1000xf32>,
    %slice3A_714 = vector.extract_strided_slice %sub3A_63 {offsets = [81, 0], sizes = [1, 1000], strides = [1, 1]} : vector<200x1000xf32> to vector<1x1000xf32>
    %squeeze3A_715 = vector.shape_cast %slice3A_714 : vector<1x1000xf32> to vector<1000xf32>
    %swap3A_716 = arith.constant 82944 : index
    %swap3A_717 = vector.load %arg9[%swap3A_716] : memref<204800xf32, #tpu.memory_space<vmem>>, vector<1000xf32>
    tpu.vector_store %arg9[%swap3A_716], %squeeze3A_715 {strides = array<i32>} : memref<204800xf32, #tpu.memory_space<vmem>>, vector<1000xf32>,
    %slice3A_718 = vector.extract_strided_slice %add3A_61 {offsets = [82, 0], sizes = [1, 1000], strides = [1, 1]} : vector<200x1000xf32> to vector<1x1000xf32>
    %squeeze3A_719 = vector.shape_cast %slice3A_718 : vector<1x1000xf32> to vector<1000xf32>
    %swap3A_720 = arith.constant 83968 : index
    %swap3A_721 = vector.load %arg8[%swap3A_720] : memref<204800xf32, #tpu.memory_space<vmem>>, vector<1000xf32>
    tpu.vector_store %arg8[%swap3A_720], %squeeze3A_719 {strides = array<i32>} : memref<204800xf32, #tpu.memory_space<vmem>>, vector<1000xf32>,
    %slice3A_722 = vector.extract_strided_slice %sub3A_63 {offsets = [82, 0], sizes = [1, 1000], strides = [1, 1]} : vector<200x1000xf32> to vector<1x1000xf32>
    %squeeze3A_723 = vector.shape_cast %slice3A_722 : vector<1x1000xf32> to vector<1000xf32>
    %swap3A_724 = arith.constant 83968 : index
    %swap3A_725 = vector.load %arg9[%swap3A_724] : memref<204800xf32, #tpu.memory_space<vmem>>, vector<1000xf32>
    tpu.vector_store %arg9[%swap3A_724], %squeeze3A_723 {strides = array<i32>} : memref<204800xf32, #tpu.memory_space<vmem>>, vector<1000xf32>,
    %slice3A_726 = vector.extract_strided_slice %add3A_61 {offsets = [83, 0], sizes = [1, 1000], strides = [1, 1]} : vector<200x1000xf32> to vector<1x1000xf32>
    %squeeze3A_727 = vector.shape_cast %slice3A_726 : vector<1x1000xf32> to vector<1000xf32>
    %swap3A_728 = arith.constant 84992 : index
    %swap3A_729 = vector.load %arg8[%swap3A_728] : memref<204800xf32, #tpu.memory_space<vmem>>, vector<1000xf32>
    tpu.vector_store %arg8[%swap3A_728], %squeeze3A_727 {strides = array<i32>} : memref<204800xf32, #tpu.memory_space<vmem>>, vector<1000xf32>,
    %slice3A_730 = vector.extract_strided_slice %sub3A_63 {offsets = [83, 0], sizes = [1, 1000], strides = [1, 1]} : vector<200x1000xf32> to vector<1x1000xf32>
    %squeeze3A_731 = vector.shape_cast %slice3A_730 : vector<1x1000xf32> to vector<1000xf32>
    %swap3A_732 = arith.constant 84992 : index
    %swap3A_733 = vector.load %arg9[%swap3A_732] : memref<204800xf32, #tpu.memory_space<vmem>>, vector<1000xf32>
    tpu.vector_store %arg9[%swap3A_732], %squeeze3A_731 {strides = array<i32>} : memref<204800xf32, #tpu.memory_space<vmem>>, vector<1000xf32>,
    %slice3A_734 = vector.extract_strided_slice %add3A_61 {offsets = [84, 0], sizes = [1, 1000], strides = [1, 1]} : vector<200x1000xf32> to vector<1x1000xf32>
    %squeeze3A_735 = vector.shape_cast %slice3A_734 : vector<1x1000xf32> to vector<1000xf32>
    %swap3A_736 = arith.constant 86016 : index
    %swap3A_737 = vector.load %arg8[%swap3A_736] : memref<204800xf32, #tpu.memory_space<vmem>>, vector<1000xf32>
    tpu.vector_store %arg8[%swap3A_736], %squeeze3A_735 {strides = array<i32>} : memref<204800xf32, #tpu.memory_space<vmem>>, vector<1000xf32>,
    %slice3A_738 = vector.extract_strided_slice %sub3A_63 {offsets = [84, 0], sizes = [1, 1000], strides = [1, 1]} : vector<200x1000xf32> to vector<1x1000xf32>
    %squeeze3A_739 = vector.shape_cast %slice3A_738 : vector<1x1000xf32> to vector<1000xf32>
    %swap3A_740 = arith.constant 86016 : index
    %swap3A_741 = vector.load %arg9[%swap3A_740] : memref<204800xf32, #tpu.memory_space<vmem>>, vector<1000xf32>
    tpu.vector_store %arg9[%swap3A_740], %squeeze3A_739 {strides = array<i32>} : memref<204800xf32, #tpu.memory_space<vmem>>, vector<1000xf32>,
    %slice3A_742 = vector.extract_strided_slice %add3A_61 {offsets = [85, 0], sizes = [1, 1000], strides = [1, 1]} : vector<200x1000xf32> to vector<1x1000xf32>
    %squeeze3A_743 = vector.shape_cast %slice3A_742 : vector<1x1000xf32> to vector<1000xf32>
    %swap3A_744 = arith.constant 87040 : index
    %swap3A_745 = vector.load %arg8[%swap3A_744] : memref<204800xf32, #tpu.memory_space<vmem>>, vector<1000xf32>
    tpu.vector_store %arg8[%swap3A_744], %squeeze3A_743 {strides = array<i32>} : memref<204800xf32, #tpu.memory_space<vmem>>, vector<1000xf32>,
    %slice3A_746 = vector.extract_strided_slice %sub3A_63 {offsets = [85, 0], sizes = [1, 1000], strides = [1, 1]} : vector<200x1000xf32> to vector<1x1000xf32>
    %squeeze3A_747 = vector.shape_cast %slice3A_746 : vector<1x1000xf32> to vector<1000xf32>
    %swap3A_748 = arith.constant 87040 : index
    %swap3A_749 = vector.load %arg9[%swap3A_748] : memref<204800xf32, #tpu.memory_space<vmem>>, vector<1000xf32>
    tpu.vector_store %arg9[%swap3A_748], %squeeze3A_747 {strides = array<i32>} : memref<204800xf32, #tpu.memory_space<vmem>>, vector<1000xf32>,
    %slice3A_750 = vector.extract_strided_slice %add3A_61 {offsets = [86, 0], sizes = [1, 1000], strides = [1, 1]} : vector<200x1000xf32> to vector<1x1000xf32>
    %squeeze3A_751 = vector.shape_cast %slice3A_750 : vector<1x1000xf32> to vector<1000xf32>
    %swap3A_752 = arith.constant 88064 : index
    %swap3A_753 = vector.load %arg8[%swap3A_752] : memref<204800xf32, #tpu.memory_space<vmem>>, vector<1000xf32>
    tpu.vector_store %arg8[%swap3A_752], %squeeze3A_751 {strides = array<i32>} : memref<204800xf32, #tpu.memory_space<vmem>>, vector<1000xf32>,
    %slice3A_754 = vector.extract_strided_slice %sub3A_63 {offsets = [86, 0], sizes = [1, 1000], strides = [1, 1]} : vector<200x1000xf32> to vector<1x1000xf32>
    %squeeze3A_755 = vector.shape_cast %slice3A_754 : vector<1x1000xf32> to vector<1000xf32>
    %swap3A_756 = arith.constant 88064 : index
    %swap3A_757 = vector.load %arg9[%swap3A_756] : memref<204800xf32, #tpu.memory_space<vmem>>, vector<1000xf32>
    tpu.vector_store %arg9[%swap3A_756], %squeeze3A_755 {strides = array<i32>} : memref<204800xf32, #tpu.memory_space<vmem>>, vector<1000xf32>,
    %slice3A_758 = vector.extract_strided_slice %add3A_61 {offsets = [87, 0], sizes = [1, 1000], strides = [1, 1]} : vector<200x1000xf32> to vector<1x1000xf32>
    %squeeze3A_759 = vector.shape_cast %slice3A_758 : vector<1x1000xf32> to vector<1000xf32>
    %swap3A_760 = arith.constant 89088 : index
    %swap3A_761 = vector.load %arg8[%swap3A_760] : memref<204800xf32, #tpu.memory_space<vmem>>, vector<1000xf32>
    tpu.vector_store %arg8[%swap3A_760], %squeeze3A_759 {strides = array<i32>} : memref<204800xf32, #tpu.memory_space<vmem>>, vector<1000xf32>,
    %slice3A_762 = vector.extract_strided_slice %sub3A_63 {offsets = [87, 0], sizes = [1, 1000], strides = [1, 1]} : vector<200x1000xf32> to vector<1x1000xf32>
    %squeeze3A_763 = vector.shape_cast %slice3A_762 : vector<1x1000xf32> to vector<1000xf32>
    %swap3A_764 = arith.constant 89088 : index
    %swap3A_765 = vector.load %arg9[%swap3A_764] : memref<204800xf32, #tpu.memory_space<vmem>>, vector<1000xf32>
    tpu.vector_store %arg9[%swap3A_764], %squeeze3A_763 {strides = array<i32>} : memref<204800xf32, #tpu.memory_space<vmem>>, vector<1000xf32>,
    %slice3A_766 = vector.extract_strided_slice %add3A_61 {offsets = [88, 0], sizes = [1, 1000], strides = [1, 1]} : vector<200x1000xf32> to vector<1x1000xf32>
    %squeeze3A_767 = vector.shape_cast %slice3A_766 : vector<1x1000xf32> to vector<1000xf32>
    %swap3A_768 = arith.constant 90112 : index
    %swap3A_769 = vector.load %arg8[%swap3A_768] : memref<204800xf32, #tpu.memory_space<vmem>>, vector<1000xf32>
    tpu.vector_store %arg8[%swap3A_768], %squeeze3A_767 {strides = array<i32>} : memref<204800xf32, #tpu.memory_space<vmem>>, vector<1000xf32>,
    %slice3A_770 = vector.extract_strided_slice %sub3A_63 {offsets = [88, 0], sizes = [1, 1000], strides = [1, 1]} : vector<200x1000xf32> to vector<1x1000xf32>
    %squeeze3A_771 = vector.shape_cast %slice3A_770 : vector<1x1000xf32> to vector<1000xf32>
    %swap3A_772 = arith.constant 90112 : index
    %swap3A_773 = vector.load %arg9[%swap3A_772] : memref<204800xf32, #tpu.memory_space<vmem>>, vector<1000xf32>
    tpu.vector_store %arg9[%swap3A_772], %squeeze3A_771 {strides = array<i32>} : memref<204800xf32, #tpu.memory_space<vmem>>, vector<1000xf32>,
    %slice3A_774 = vector.extract_strided_slice %add3A_61 {offsets = [89, 0], sizes = [1, 1000], strides = [1, 1]} : vector<200x1000xf32> to vector<1x1000xf32>
    %squeeze3A_775 = vector.shape_cast %slice3A_774 : vector<1x1000xf32> to vector<1000xf32>
    %swap3A_776 = arith.constant 91136 : index
    %swap3A_777 = vector.load %arg8[%swap3A_776] : memref<204800xf32, #tpu.memory_space<vmem>>, vector<1000xf32>
    tpu.vector_store %arg8[%swap3A_776], %squeeze3A_775 {strides = array<i32>} : memref<204800xf32, #tpu.memory_space<vmem>>, vector<1000xf32>,
    %slice3A_778 = vector.extract_strided_slice %sub3A_63 {offsets = [89, 0], sizes = [1, 1000], strides = [1, 1]} : vector<200x1000xf32> to vector<1x1000xf32>
    %squeeze3A_779 = vector.shape_cast %slice3A_778 : vector<1x1000xf32> to vector<1000xf32>
    %swap3A_780 = arith.constant 91136 : index
    %swap3A_781 = vector.load %arg9[%swap3A_780] : memref<204800xf32, #tpu.memory_space<vmem>>, vector<1000xf32>
    tpu.vector_store %arg9[%swap3A_780], %squeeze3A_779 {strides = array<i32>} : memref<204800xf32, #tpu.memory_space<vmem>>, vector<1000xf32>,
    %slice3A_782 = vector.extract_strided_slice %add3A_61 {offsets = [90, 0], sizes = [1, 1000], strides = [1, 1]} : vector<200x1000xf32> to vector<1x1000xf32>
    %squeeze3A_783 = vector.shape_cast %slice3A_782 : vector<1x1000xf32> to vector<1000xf32>
    %swap3A_784 = arith.constant 92160 : index
    %swap3A_785 = vector.load %arg8[%swap3A_784] : memref<204800xf32, #tpu.memory_space<vmem>>, vector<1000xf32>
    tpu.vector_store %arg8[%swap3A_784], %squeeze3A_783 {strides = array<i32>} : memref<204800xf32, #tpu.memory_space<vmem>>, vector<1000xf32>,
    %slice3A_786 = vector.extract_strided_slice %sub3A_63 {offsets = [90, 0], sizes = [1, 1000], strides = [1, 1]} : vector<200x1000xf32> to vector<1x1000xf32>
    %squeeze3A_787 = vector.shape_cast %slice3A_786 : vector<1x1000xf32> to vector<1000xf32>
    %swap3A_788 = arith.constant 92160 : index
    %swap3A_789 = vector.load %arg9[%swap3A_788] : memref<204800xf32, #tpu.memory_space<vmem>>, vector<1000xf32>
    tpu.vector_store %arg9[%swap3A_788], %squeeze3A_787 {strides = array<i32>} : memref<204800xf32, #tpu.memory_space<vmem>>, vector<1000xf32>,
    %slice3A_790 = vector.extract_strided_slice %add3A_61 {offsets = [91, 0], sizes = [1, 1000], strides = [1, 1]} : vector<200x1000xf32> to vector<1x1000xf32>
    %squeeze3A_791 = vector.shape_cast %slice3A_790 : vector<1x1000xf32> to vector<1000xf32>
    %swap3A_792 = arith.constant 93184 : index
    %swap3A_793 = vector.load %arg8[%swap3A_792] : memref<204800xf32, #tpu.memory_space<vmem>>, vector<1000xf32>
    tpu.vector_store %arg8[%swap3A_792], %squeeze3A_791 {strides = array<i32>} : memref<204800xf32, #tpu.memory_space<vmem>>, vector<1000xf32>,
    %slice3A_794 = vector.extract_strided_slice %sub3A_63 {offsets = [91, 0], sizes = [1, 1000], strides = [1, 1]} : vector<200x1000xf32> to vector<1x1000xf32>
    %squeeze3A_795 = vector.shape_cast %slice3A_794 : vector<1x1000xf32> to vector<1000xf32>
    %swap3A_796 = arith.constant 93184 : index
    %swap3A_797 = vector.load %arg9[%swap3A_796] : memref<204800xf32, #tpu.memory_space<vmem>>, vector<1000xf32>
    tpu.vector_store %arg9[%swap3A_796], %squeeze3A_795 {strides = array<i32>} : memref<204800xf32, #tpu.memory_space<vmem>>, vector<1000xf32>,
    %slice3A_798 = vector.extract_strided_slice %add3A_61 {offsets = [92, 0], sizes = [1, 1000], strides = [1, 1]} : vector<200x1000xf32> to vector<1x1000xf32>
    %squeeze3A_799 = vector.shape_cast %slice3A_798 : vector<1x1000xf32> to vector<1000xf32>
    %swap3A_800 = arith.constant 94208 : index
    %swap3A_801 = vector.load %arg8[%swap3A_800] : memref<204800xf32, #tpu.memory_space<vmem>>, vector<1000xf32>
    tpu.vector_store %arg8[%swap3A_800], %squeeze3A_799 {strides = array<i32>} : memref<204800xf32, #tpu.memory_space<vmem>>, vector<1000xf32>,
    %slice3A_802 = vector.extract_strided_slice %sub3A_63 {offsets = [92, 0], sizes = [1, 1000], strides = [1, 1]} : vector<200x1000xf32> to vector<1x1000xf32>
    %squeeze3A_803 = vector.shape_cast %slice3A_802 : vector<1x1000xf32> to vector<1000xf32>
    %swap3A_804 = arith.constant 94208 : index
    %swap3A_805 = vector.load %arg9[%swap3A_804] : memref<204800xf32, #tpu.memory_space<vmem>>, vector<1000xf32>
    tpu.vector_store %arg9[%swap3A_804], %squeeze3A_803 {strides = array<i32>} : memref<204800xf32, #tpu.memory_space<vmem>>, vector<1000xf32>,
    %slice3A_806 = vector.extract_strided_slice %add3A_61 {offsets = [93, 0], sizes = [1, 1000], strides = [1, 1]} : vector<200x1000xf32> to vector<1x1000xf32>
    %squeeze3A_807 = vector.shape_cast %slice3A_806 : vector<1x1000xf32> to vector<1000xf32>
    %swap3A_808 = arith.constant 95232 : index
    %swap3A_809 = vector.load %arg8[%swap3A_808] : memref<204800xf32, #tpu.memory_space<vmem>>, vector<1000xf32>
    tpu.vector_store %arg8[%swap3A_808], %squeeze3A_807 {strides = array<i32>} : memref<204800xf32, #tpu.memory_space<vmem>>, vector<1000xf32>,
    %slice3A_810 = vector.extract_strided_slice %sub3A_63 {offsets = [93, 0], sizes = [1, 1000], strides = [1, 1]} : vector<200x1000xf32> to vector<1x1000xf32>
    %squeeze3A_811 = vector.shape_cast %slice3A_810 : vector<1x1000xf32> to vector<1000xf32>
    %swap3A_812 = arith.constant 95232 : index
    %swap3A_813 = vector.load %arg9[%swap3A_812] : memref<204800xf32, #tpu.memory_space<vmem>>, vector<1000xf32>
    tpu.vector_store %arg9[%swap3A_812], %squeeze3A_811 {strides = array<i32>} : memref<204800xf32, #tpu.memory_space<vmem>>, vector<1000xf32>,
    %slice3A_814 = vector.extract_strided_slice %add3A_61 {offsets = [94, 0], sizes = [1, 1000], strides = [1, 1]} : vector<200x1000xf32> to vector<1x1000xf32>
    %squeeze3A_815 = vector.shape_cast %slice3A_814 : vector<1x1000xf32> to vector<1000xf32>
    %swap3A_816 = arith.constant 96256 : index
    %swap3A_817 = vector.load %arg8[%swap3A_816] : memref<204800xf32, #tpu.memory_space<vmem>>, vector<1000xf32>
    tpu.vector_store %arg8[%swap3A_816], %squeeze3A_815 {strides = array<i32>} : memref<204800xf32, #tpu.memory_space<vmem>>, vector<1000xf32>,
    %slice3A_818 = vector.extract_strided_slice %sub3A_63 {offsets = [94, 0], sizes = [1, 1000], strides = [1, 1]} : vector<200x1000xf32> to vector<1x1000xf32>
    %squeeze3A_819 = vector.shape_cast %slice3A_818 : vector<1x1000xf32> to vector<1000xf32>
    %swap3A_820 = arith.constant 96256 : index
    %swap3A_821 = vector.load %arg9[%swap3A_820] : memref<204800xf32, #tpu.memory_space<vmem>>, vector<1000xf32>
    tpu.vector_store %arg9[%swap3A_820], %squeeze3A_819 {strides = array<i32>} : memref<204800xf32, #tpu.memory_space<vmem>>, vector<1000xf32>,
    %slice3A_822 = vector.extract_strided_slice %add3A_61 {offsets = [95, 0], sizes = [1, 1000], strides = [1, 1]} : vector<200x1000xf32> to vector<1x1000xf32>
    %squeeze3A_823 = vector.shape_cast %slice3A_822 : vector<1x1000xf32> to vector<1000xf32>
    %swap3A_824 = arith.constant 97280 : index
    %swap3A_825 = vector.load %arg8[%swap3A_824] : memref<204800xf32, #tpu.memory_space<vmem>>, vector<1000xf32>
    tpu.vector_store %arg8[%swap3A_824], %squeeze3A_823 {strides = array<i32>} : memref<204800xf32, #tpu.memory_space<vmem>>, vector<1000xf32>,
    %slice3A_826 = vector.extract_strided_slice %sub3A_63 {offsets = [95, 0], sizes = [1, 1000], strides = [1, 1]} : vector<200x1000xf32> to vector<1x1000xf32>
    %squeeze3A_827 = vector.shape_cast %slice3A_826 : vector<1x1000xf32> to vector<1000xf32>
    %swap3A_828 = arith.constant 97280 : index
    %swap3A_829 = vector.load %arg9[%swap3A_828] : memref<204800xf32, #tpu.memory_space<vmem>>, vector<1000xf32>
    tpu.vector_store %arg9[%swap3A_828], %squeeze3A_827 {strides = array<i32>} : memref<204800xf32, #tpu.memory_space<vmem>>, vector<1000xf32>,
    %slice3A_830 = vector.extract_strided_slice %add3A_61 {offsets = [96, 0], sizes = [1, 1000], strides = [1, 1]} : vector<200x1000xf32> to vector<1x1000xf32>
    %squeeze3A_831 = vector.shape_cast %slice3A_830 : vector<1x1000xf32> to vector<1000xf32>
    %swap3A_832 = arith.constant 98304 : index
    %swap3A_833 = vector.load %arg8[%swap3A_832] : memref<204800xf32, #tpu.memory_space<vmem>>, vector<1000xf32>
    tpu.vector_store %arg8[%swap3A_832], %squeeze3A_831 {strides = array<i32>} : memref<204800xf32, #tpu.memory_space<vmem>>, vector<1000xf32>,
    %slice3A_834 = vector.extract_strided_slice %sub3A_63 {offsets = [96, 0], sizes = [1, 1000], strides = [1, 1]} : vector<200x1000xf32> to vector<1x1000xf32>
    %squeeze3A_835 = vector.shape_cast %slice3A_834 : vector<1x1000xf32> to vector<1000xf32>
    %swap3A_836 = arith.constant 98304 : index
    %swap3A_837 = vector.load %arg9[%swap3A_836] : memref<204800xf32, #tpu.memory_space<vmem>>, vector<1000xf32>
    tpu.vector_store %arg9[%swap3A_836], %squeeze3A_835 {strides = array<i32>} : memref<204800xf32, #tpu.memory_space<vmem>>, vector<1000xf32>,
    %slice3A_838 = vector.extract_strided_slice %add3A_61 {offsets = [97, 0], sizes = [1, 1000], strides = [1, 1]} : vector<200x1000xf32> to vector<1x1000xf32>
    %squeeze3A_839 = vector.shape_cast %slice3A_838 : vector<1x1000xf32> to vector<1000xf32>
    %swap3A_840 = arith.constant 99328 : index
    %swap3A_841 = vector.load %arg8[%swap3A_840] : memref<204800xf32, #tpu.memory_space<vmem>>, vector<1000xf32>
    tpu.vector_store %arg8[%swap3A_840], %squeeze3A_839 {strides = array<i32>} : memref<204800xf32, #tpu.memory_space<vmem>>, vector<1000xf32>,
    %slice3A_842 = vector.extract_strided_slice %sub3A_63 {offsets = [97, 0], sizes = [1, 1000], strides = [1, 1]} : vector<200x1000xf32> to vector<1x1000xf32>
    %squeeze3A_843 = vector.shape_cast %slice3A_842 : vector<1x1000xf32> to vector<1000xf32>
    %swap3A_844 = arith.constant 99328 : index
    %swap3A_845 = vector.load %arg9[%swap3A_844] : memref<204800xf32, #tpu.memory_space<vmem>>, vector<1000xf32>
    tpu.vector_store %arg9[%swap3A_844], %squeeze3A_843 {strides = array<i32>} : memref<204800xf32, #tpu.memory_space<vmem>>, vector<1000xf32>,
    %slice3A_846 = vector.extract_strided_slice %add3A_61 {offsets = [98, 0], sizes = [1, 1000], strides = [1, 1]} : vector<200x1000xf32> to vector<1x1000xf32>
    %squeeze3A_847 = vector.shape_cast %slice3A_846 : vector<1x1000xf32> to vector<1000xf32>
    %swap3A_848 = arith.constant 100352 : index
    %swap3A_849 = vector.load %arg8[%swap3A_848] : memref<204800xf32, #tpu.memory_space<vmem>>, vector<1000xf32>
    tpu.vector_store %arg8[%swap3A_848], %squeeze3A_847 {strides = array<i32>} : memref<204800xf32, #tpu.memory_space<vmem>>, vector<1000xf32>,
    %slice3A_850 = vector.extract_strided_slice %sub3A_63 {offsets = [98, 0], sizes = [1, 1000], strides = [1, 1]} : vector<200x1000xf32> to vector<1x1000xf32>
    %squeeze3A_851 = vector.shape_cast %slice3A_850 : vector<1x1000xf32> to vector<1000xf32>
    %swap3A_852 = arith.constant 100352 : index
    %swap3A_853 = vector.load %arg9[%swap3A_852] : memref<204800xf32, #tpu.memory_space<vmem>>, vector<1000xf32>
    tpu.vector_store %arg9[%swap3A_852], %squeeze3A_851 {strides = array<i32>} : memref<204800xf32, #tpu.memory_space<vmem>>, vector<1000xf32>,
    %slice3A_854 = vector.extract_strided_slice %add3A_61 {offsets = [99, 0], sizes = [1, 1000], strides = [1, 1]} : vector<200x1000xf32> to vector<1x1000xf32>
    %squeeze3A_855 = vector.shape_cast %slice3A_854 : vector<1x1000xf32> to vector<1000xf32>
    %swap3A_856 = arith.constant 101376 : index
    %swap3A_857 = vector.load %arg8[%swap3A_856] : memref<204800xf32, #tpu.memory_space<vmem>>, vector<1000xf32>
    tpu.vector_store %arg8[%swap3A_856], %squeeze3A_855 {strides = array<i32>} : memref<204800xf32, #tpu.memory_space<vmem>>, vector<1000xf32>,
    %slice3A_858 = vector.extract_strided_slice %sub3A_63 {offsets = [99, 0], sizes = [1, 1000], strides = [1, 1]} : vector<200x1000xf32> to vector<1x1000xf32>
    %squeeze3A_859 = vector.shape_cast %slice3A_858 : vector<1x1000xf32> to vector<1000xf32>
    %swap3A_860 = arith.constant 101376 : index
    %swap3A_861 = vector.load %arg9[%swap3A_860] : memref<204800xf32, #tpu.memory_space<vmem>>, vector<1000xf32>
    tpu.vector_store %arg9[%swap3A_860], %squeeze3A_859 {strides = array<i32>} : memref<204800xf32, #tpu.memory_space<vmem>>, vector<1000xf32>,
    %slice3A_862 = vector.extract_strided_slice %add3A_61 {offsets = [100, 0], sizes = [1, 1000], strides = [1, 1]} : vector<200x1000xf32> to vector<1x1000xf32>
    %squeeze3A_863 = vector.shape_cast %slice3A_862 : vector<1x1000xf32> to vector<1000xf32>
    %swap3A_864 = arith.constant 102400 : index
    %swap3A_865 = vector.load %arg8[%swap3A_864] : memref<204800xf32, #tpu.memory_space<vmem>>, vector<1000xf32>
    tpu.vector_store %arg8[%swap3A_864], %squeeze3A_863 {strides = array<i32>} : memref<204800xf32, #tpu.memory_space<vmem>>, vector<1000xf32>,
    %slice3A_866 = vector.extract_strided_slice %sub3A_63 {offsets = [100, 0], sizes = [1, 1000], strides = [1, 1]} : vector<200x1000xf32> to vector<1x1000xf32>
    %squeeze3A_867 = vector.shape_cast %slice3A_866 : vector<1x1000xf32> to vector<1000xf32>
    %swap3A_868 = arith.constant 102400 : index
    %swap3A_869 = vector.load %arg9[%swap3A_868] : memref<204800xf32, #tpu.memory_space<vmem>>, vector<1000xf32>
    tpu.vector_store %arg9[%swap3A_868], %squeeze3A_867 {strides = array<i32>} : memref<204800xf32, #tpu.memory_space<vmem>>, vector<1000xf32>,
    %slice3A_870 = vector.extract_strided_slice %add3A_61 {offsets = [101, 0], sizes = [1, 1000], strides = [1, 1]} : vector<200x1000xf32> to vector<1x1000xf32>
    %squeeze3A_871 = vector.shape_cast %slice3A_870 : vector<1x1000xf32> to vector<1000xf32>
    %swap3A_872 = arith.constant 103424 : index
    %swap3A_873 = vector.load %arg8[%swap3A_872] : memref<204800xf32, #tpu.memory_space<vmem>>, vector<1000xf32>
    tpu.vector_store %arg8[%swap3A_872], %squeeze3A_871 {strides = array<i32>} : memref<204800xf32, #tpu.memory_space<vmem>>, vector<1000xf32>,
    %slice3A_874 = vector.extract_strided_slice %sub3A_63 {offsets = [101, 0], sizes = [1, 1000], strides = [1, 1]} : vector<200x1000xf32> to vector<1x1000xf32>
    %squeeze3A_875 = vector.shape_cast %slice3A_874 : vector<1x1000xf32> to vector<1000xf32>
    %swap3A_876 = arith.constant 103424 : index
    %swap3A_877 = vector.load %arg9[%swap3A_876] : memref<204800xf32, #tpu.memory_space<vmem>>, vector<1000xf32>
    tpu.vector_store %arg9[%swap3A_876], %squeeze3A_875 {strides = array<i32>} : memref<204800xf32, #tpu.memory_space<vmem>>, vector<1000xf32>,
    %slice3A_878 = vector.extract_strided_slice %add3A_61 {offsets = [102, 0], sizes = [1, 1000], strides = [1, 1]} : vector<200x1000xf32> to vector<1x1000xf32>
    %squeeze3A_879 = vector.shape_cast %slice3A_878 : vector<1x1000xf32> to vector<1000xf32>
    %swap3A_880 = arith.constant 104448 : index
    %swap3A_881 = vector.load %arg8[%swap3A_880] : memref<204800xf32, #tpu.memory_space<vmem>>, vector<1000xf32>
    tpu.vector_store %arg8[%swap3A_880], %squeeze3A_879 {strides = array<i32>} : memref<204800xf32, #tpu.memory_space<vmem>>, vector<1000xf32>,
    %slice3A_882 = vector.extract_strided_slice %sub3A_63 {offsets = [102, 0], sizes = [1, 1000], strides = [1, 1]} : vector<200x1000xf32> to vector<1x1000xf32>
    %squeeze3A_883 = vector.shape_cast %slice3A_882 : vector<1x1000xf32> to vector<1000xf32>
    %swap3A_884 = arith.constant 104448 : index
    %swap3A_885 = vector.load %arg9[%swap3A_884] : memref<204800xf32, #tpu.memory_space<vmem>>, vector<1000xf32>
    tpu.vector_store %arg9[%swap3A_884], %squeeze3A_883 {strides = array<i32>} : memref<204800xf32, #tpu.memory_space<vmem>>, vector<1000xf32>,
    %slice3A_886 = vector.extract_strided_slice %add3A_61 {offsets = [103, 0], sizes = [1, 1000], strides = [1, 1]} : vector<200x1000xf32> to vector<1x1000xf32>
    %squeeze3A_887 = vector.shape_cast %slice3A_886 : vector<1x1000xf32> to vector<1000xf32>
    %swap3A_888 = arith.constant 105472 : index
    %swap3A_889 = vector.load %arg8[%swap3A_888] : memref<204800xf32, #tpu.memory_space<vmem>>, vector<1000xf32>
    tpu.vector_store %arg8[%swap3A_888], %squeeze3A_887 {strides = array<i32>} : memref<204800xf32, #tpu.memory_space<vmem>>, vector<1000xf32>,
    %slice3A_890 = vector.extract_strided_slice %sub3A_63 {offsets = [103, 0], sizes = [1, 1000], strides = [1, 1]} : vector<200x1000xf32> to vector<1x1000xf32>
    %squeeze3A_891 = vector.shape_cast %slice3A_890 : vector<1x1000xf32> to vector<1000xf32>
    %swap3A_892 = arith.constant 105472 : index
    %swap3A_893 = vector.load %arg9[%swap3A_892] : memref<204800xf32, #tpu.memory_space<vmem>>, vector<1000xf32>
    tpu.vector_store %arg9[%swap3A_892], %squeeze3A_891 {strides = array<i32>} : memref<204800xf32, #tpu.memory_space<vmem>>, vector<1000xf32>,
    %slice3A_894 = vector.extract_strided_slice %add3A_61 {offsets = [104, 0], sizes = [1, 1000], strides = [1, 1]} : vector<200x1000xf32> to vector<1x1000xf32>
    %squeeze3A_895 = vector.shape_cast %slice3A_894 : vector<1x1000xf32> to vector<1000xf32>
    %swap3A_896 = arith.constant 106496 : index
    %swap3A_897 = vector.load %arg8[%swap3A_896] : memref<204800xf32, #tpu.memory_space<vmem>>, vector<1000xf32>
    tpu.vector_store %arg8[%swap3A_896], %squeeze3A_895 {strides = array<i32>} : memref<204800xf32, #tpu.memory_space<vmem>>, vector<1000xf32>,
    %slice3A_898 = vector.extract_strided_slice %sub3A_63 {offsets = [104, 0], sizes = [1, 1000], strides = [1, 1]} : vector<200x1000xf32> to vector<1x1000xf32>
    %squeeze3A_899 = vector.shape_cast %slice3A_898 : vector<1x1000xf32> to vector<1000xf32>
    %swap3A_900 = arith.constant 106496 : index
    %swap3A_901 = vector.load %arg9[%swap3A_900] : memref<204800xf32, #tpu.memory_space<vmem>>, vector<1000xf32>
    tpu.vector_store %arg9[%swap3A_900], %squeeze3A_899 {strides = array<i32>} : memref<204800xf32, #tpu.memory_space<vmem>>, vector<1000xf32>,
    %slice3A_902 = vector.extract_strided_slice %add3A_61 {offsets = [105, 0], sizes = [1, 1000], strides = [1, 1]} : vector<200x1000xf32> to vector<1x1000xf32>
    %squeeze3A_903 = vector.shape_cast %slice3A_902 : vector<1x1000xf32> to vector<1000xf32>
    %swap3A_904 = arith.constant 107520 : index
    %swap3A_905 = vector.load %arg8[%swap3A_904] : memref<204800xf32, #tpu.memory_space<vmem>>, vector<1000xf32>
    tpu.vector_store %arg8[%swap3A_904], %squeeze3A_903 {strides = array<i32>} : memref<204800xf32, #tpu.memory_space<vmem>>, vector<1000xf32>,
    %slice3A_906 = vector.extract_strided_slice %sub3A_63 {offsets = [105, 0], sizes = [1, 1000], strides = [1, 1]} : vector<200x1000xf32> to vector<1x1000xf32>
    %squeeze3A_907 = vector.shape_cast %slice3A_906 : vector<1x1000xf32> to vector<1000xf32>
    %swap3A_908 = arith.constant 107520 : index
    %swap3A_909 = vector.load %arg9[%swap3A_908] : memref<204800xf32, #tpu.memory_space<vmem>>, vector<1000xf32>
    tpu.vector_store %arg9[%swap3A_908], %squeeze3A_907 {strides = array<i32>} : memref<204800xf32, #tpu.memory_space<vmem>>, vector<1000xf32>,
    %slice3A_910 = vector.extract_strided_slice %add3A_61 {offsets = [106, 0], sizes = [1, 1000], strides = [1, 1]} : vector<200x1000xf32> to vector<1x1000xf32>
    %squeeze3A_911 = vector.shape_cast %slice3A_910 : vector<1x1000xf32> to vector<1000xf32>
    %swap3A_912 = arith.constant 108544 : index
    %swap3A_913 = vector.load %arg8[%swap3A_912] : memref<204800xf32, #tpu.memory_space<vmem>>, vector<1000xf32>
    tpu.vector_store %arg8[%swap3A_912], %squeeze3A_911 {strides = array<i32>} : memref<204800xf32, #tpu.memory_space<vmem>>, vector<1000xf32>,
    %slice3A_914 = vector.extract_strided_slice %sub3A_63 {offsets = [106, 0], sizes = [1, 1000], strides = [1, 1]} : vector<200x1000xf32> to vector<1x1000xf32>
    %squeeze3A_915 = vector.shape_cast %slice3A_914 : vector<1x1000xf32> to vector<1000xf32>
    %swap3A_916 = arith.constant 108544 : index
    %swap3A_917 = vector.load %arg9[%swap3A_916] : memref<204800xf32, #tpu.memory_space<vmem>>, vector<1000xf32>
    tpu.vector_store %arg9[%swap3A_916], %squeeze3A_915 {strides = array<i32>} : memref<204800xf32, #tpu.memory_space<vmem>>, vector<1000xf32>,
    %slice3A_918 = vector.extract_strided_slice %add3A_61 {offsets = [107, 0], sizes = [1, 1000], strides = [1, 1]} : vector<200x1000xf32> to vector<1x1000xf32>
    %squeeze3A_919 = vector.shape_cast %slice3A_918 : vector<1x1000xf32> to vector<1000xf32>
    %swap3A_920 = arith.constant 109568 : index
    %swap3A_921 = vector.load %arg8[%swap3A_920] : memref<204800xf32, #tpu.memory_space<vmem>>, vector<1000xf32>
    tpu.vector_store %arg8[%swap3A_920], %squeeze3A_919 {strides = array<i32>} : memref<204800xf32, #tpu.memory_space<vmem>>, vector<1000xf32>,
    %slice3A_922 = vector.extract_strided_slice %sub3A_63 {offsets = [107, 0], sizes = [1, 1000], strides = [1, 1]} : vector<200x1000xf32> to vector<1x1000xf32>
    %squeeze3A_923 = vector.shape_cast %slice3A_922 : vector<1x1000xf32> to vector<1000xf32>
    %swap3A_924 = arith.constant 109568 : index
    %swap3A_925 = vector.load %arg9[%swap3A_924] : memref<204800xf32, #tpu.memory_space<vmem>>, vector<1000xf32>
    tpu.vector_store %arg9[%swap3A_924], %squeeze3A_923 {strides = array<i32>} : memref<204800xf32, #tpu.memory_space<vmem>>, vector<1000xf32>,
    %slice3A_926 = vector.extract_strided_slice %add3A_61 {offsets = [108, 0], sizes = [1, 1000], strides = [1, 1]} : vector<200x1000xf32> to vector<1x1000xf32>
    %squeeze3A_927 = vector.shape_cast %slice3A_926 : vector<1x1000xf32> to vector<1000xf32>
    %swap3A_928 = arith.constant 110592 : index
    %swap3A_929 = vector.load %arg8[%swap3A_928] : memref<204800xf32, #tpu.memory_space<vmem>>, vector<1000xf32>
    tpu.vector_store %arg8[%swap3A_928], %squeeze3A_927 {strides = array<i32>} : memref<204800xf32, #tpu.memory_space<vmem>>, vector<1000xf32>,
    %slice3A_930 = vector.extract_strided_slice %sub3A_63 {offsets = [108, 0], sizes = [1, 1000], strides = [1, 1]} : vector<200x1000xf32> to vector<1x1000xf32>
    %squeeze3A_931 = vector.shape_cast %slice3A_930 : vector<1x1000xf32> to vector<1000xf32>
    %swap3A_932 = arith.constant 110592 : index
    %swap3A_933 = vector.load %arg9[%swap3A_932] : memref<204800xf32, #tpu.memory_space<vmem>>, vector<1000xf32>
    tpu.vector_store %arg9[%swap3A_932], %squeeze3A_931 {strides = array<i32>} : memref<204800xf32, #tpu.memory_space<vmem>>, vector<1000xf32>,
    %slice3A_934 = vector.extract_strided_slice %add3A_61 {offsets = [109, 0], sizes = [1, 1000], strides = [1, 1]} : vector<200x1000xf32> to vector<1x1000xf32>
    %squeeze3A_935 = vector.shape_cast %slice3A_934 : vector<1x1000xf32> to vector<1000xf32>
    %swap3A_936 = arith.constant 111616 : index
    %swap3A_937 = vector.load %arg8[%swap3A_936] : memref<204800xf32, #tpu.memory_space<vmem>>, vector<1000xf32>
    tpu.vector_store %arg8[%swap3A_936], %squeeze3A_935 {strides = array<i32>} : memref<204800xf32, #tpu.memory_space<vmem>>, vector<1000xf32>,
    %slice3A_938 = vector.extract_strided_slice %sub3A_63 {offsets = [109, 0], sizes = [1, 1000], strides = [1, 1]} : vector<200x1000xf32> to vector<1x1000xf32>
    %squeeze3A_939 = vector.shape_cast %slice3A_938 : vector<1x1000xf32> to vector<1000xf32>
    %swap3A_940 = arith.constant 111616 : index
    %swap3A_941 = vector.load %arg9[%swap3A_940] : memref<204800xf32, #tpu.memory_space<vmem>>, vector<1000xf32>
    tpu.vector_store %arg9[%swap3A_940], %squeeze3A_939 {strides = array<i32>} : memref<204800xf32, #tpu.memory_space<vmem>>, vector<1000xf32>,
    %slice3A_942 = vector.extract_strided_slice %add3A_61 {offsets = [110, 0], sizes = [1, 1000], strides = [1, 1]} : vector<200x1000xf32> to vector<1x1000xf32>
    %squeeze3A_943 = vector.shape_cast %slice3A_942 : vector<1x1000xf32> to vector<1000xf32>
    %swap3A_944 = arith.constant 112640 : index
    %swap3A_945 = vector.load %arg8[%swap3A_944] : memref<204800xf32, #tpu.memory_space<vmem>>, vector<1000xf32>
    tpu.vector_store %arg8[%swap3A_944], %squeeze3A_943 {strides = array<i32>} : memref<204800xf32, #tpu.memory_space<vmem>>, vector<1000xf32>,
    %slice3A_946 = vector.extract_strided_slice %sub3A_63 {offsets = [110, 0], sizes = [1, 1000], strides = [1, 1]} : vector<200x1000xf32> to vector<1x1000xf32>
    %squeeze3A_947 = vector.shape_cast %slice3A_946 : vector<1x1000xf32> to vector<1000xf32>
    %swap3A_948 = arith.constant 112640 : index
    %swap3A_949 = vector.load %arg9[%swap3A_948] : memref<204800xf32, #tpu.memory_space<vmem>>, vector<1000xf32>
    tpu.vector_store %arg9[%swap3A_948], %squeeze3A_947 {strides = array<i32>} : memref<204800xf32, #tpu.memory_space<vmem>>, vector<1000xf32>,
    %slice3A_950 = vector.extract_strided_slice %add3A_61 {offsets = [111, 0], sizes = [1, 1000], strides = [1, 1]} : vector<200x1000xf32> to vector<1x1000xf32>
    %squeeze3A_951 = vector.shape_cast %slice3A_950 : vector<1x1000xf32> to vector<1000xf32>
    %swap3A_952 = arith.constant 113664 : index
    %swap3A_953 = vector.load %arg8[%swap3A_952] : memref<204800xf32, #tpu.memory_space<vmem>>, vector<1000xf32>
    tpu.vector_store %arg8[%swap3A_952], %squeeze3A_951 {strides = array<i32>} : memref<204800xf32, #tpu.memory_space<vmem>>, vector<1000xf32>,
    %slice3A_954 = vector.extract_strided_slice %sub3A_63 {offsets = [111, 0], sizes = [1, 1000], strides = [1, 1]} : vector<200x1000xf32> to vector<1x1000xf32>
    %squeeze3A_955 = vector.shape_cast %slice3A_954 : vector<1x1000xf32> to vector<1000xf32>
    %swap3A_956 = arith.constant 113664 : index
    %swap3A_957 = vector.load %arg9[%swap3A_956] : memref<204800xf32, #tpu.memory_space<vmem>>, vector<1000xf32>
    tpu.vector_store %arg9[%swap3A_956], %squeeze3A_955 {strides = array<i32>} : memref<204800xf32, #tpu.memory_space<vmem>>, vector<1000xf32>,
    %slice3A_958 = vector.extract_strided_slice %add3A_61 {offsets = [112, 0], sizes = [1, 1000], strides = [1, 1]} : vector<200x1000xf32> to vector<1x1000xf32>
    %squeeze3A_959 = vector.shape_cast %slice3A_958 : vector<1x1000xf32> to vector<1000xf32>
    %swap3A_960 = arith.constant 114688 : index
    %swap3A_961 = vector.load %arg8[%swap3A_960] : memref<204800xf32, #tpu.memory_space<vmem>>, vector<1000xf32>
    tpu.vector_store %arg8[%swap3A_960], %squeeze3A_959 {strides = array<i32>} : memref<204800xf32, #tpu.memory_space<vmem>>, vector<1000xf32>,
    %slice3A_962 = vector.extract_strided_slice %sub3A_63 {offsets = [112, 0], sizes = [1, 1000], strides = [1, 1]} : vector<200x1000xf32> to vector<1x1000xf32>
    %squeeze3A_963 = vector.shape_cast %slice3A_962 : vector<1x1000xf32> to vector<1000xf32>
    %swap3A_964 = arith.constant 114688 : index
    %swap3A_965 = vector.load %arg9[%swap3A_964] : memref<204800xf32, #tpu.memory_space<vmem>>, vector<1000xf32>
    tpu.vector_store %arg9[%swap3A_964], %squeeze3A_963 {strides = array<i32>} : memref<204800xf32, #tpu.memory_space<vmem>>, vector<1000xf32>,
    %slice3A_966 = vector.extract_strided_slice %add3A_61 {offsets = [113, 0], sizes = [1, 1000], strides = [1, 1]} : vector<200x1000xf32> to vector<1x1000xf32>
    %squeeze3A_967 = vector.shape_cast %slice3A_966 : vector<1x1000xf32> to vector<1000xf32>
    %swap3A_968 = arith.constant 115712 : index
    %swap3A_969 = vector.load %arg8[%swap3A_968] : memref<204800xf32, #tpu.memory_space<vmem>>, vector<1000xf32>
    tpu.vector_store %arg8[%swap3A_968], %squeeze3A_967 {strides = array<i32>} : memref<204800xf32, #tpu.memory_space<vmem>>, vector<1000xf32>,
    %slice3A_970 = vector.extract_strided_slice %sub3A_63 {offsets = [113, 0], sizes = [1, 1000], strides = [1, 1]} : vector<200x1000xf32> to vector<1x1000xf32>
    %squeeze3A_971 = vector.shape_cast %slice3A_970 : vector<1x1000xf32> to vector<1000xf32>
    %swap3A_972 = arith.constant 115712 : index
    %swap3A_973 = vector.load %arg9[%swap3A_972] : memref<204800xf32, #tpu.memory_space<vmem>>, vector<1000xf32>
    tpu.vector_store %arg9[%swap3A_972], %squeeze3A_971 {strides = array<i32>} : memref<204800xf32, #tpu.memory_space<vmem>>, vector<1000xf32>,
    %slice3A_974 = vector.extract_strided_slice %add3A_61 {offsets = [114, 0], sizes = [1, 1000], strides = [1, 1]} : vector<200x1000xf32> to vector<1x1000xf32>
    %squeeze3A_975 = vector.shape_cast %slice3A_974 : vector<1x1000xf32> to vector<1000xf32>
    %swap3A_976 = arith.constant 116736 : index
    %swap3A_977 = vector.load %arg8[%swap3A_976] : memref<204800xf32, #tpu.memory_space<vmem>>, vector<1000xf32>
    tpu.vector_store %arg8[%swap3A_976], %squeeze3A_975 {strides = array<i32>} : memref<204800xf32, #tpu.memory_space<vmem>>, vector<1000xf32>,
    %slice3A_978 = vector.extract_strided_slice %sub3A_63 {offsets = [114, 0], sizes = [1, 1000], strides = [1, 1]} : vector<200x1000xf32> to vector<1x1000xf32>
    %squeeze3A_979 = vector.shape_cast %slice3A_978 : vector<1x1000xf32> to vector<1000xf32>
    %swap3A_980 = arith.constant 116736 : index
    %swap3A_981 = vector.load %arg9[%swap3A_980] : memref<204800xf32, #tpu.memory_space<vmem>>, vector<1000xf32>
    tpu.vector_store %arg9[%swap3A_980], %squeeze3A_979 {strides = array<i32>} : memref<204800xf32, #tpu.memory_space<vmem>>, vector<1000xf32>,
    %slice3A_982 = vector.extract_strided_slice %add3A_61 {offsets = [115, 0], sizes = [1, 1000], strides = [1, 1]} : vector<200x1000xf32> to vector<1x1000xf32>
    %squeeze3A_983 = vector.shape_cast %slice3A_982 : vector<1x1000xf32> to vector<1000xf32>
    %swap3A_984 = arith.constant 117760 : index
    %swap3A_985 = vector.load %arg8[%swap3A_984] : memref<204800xf32, #tpu.memory_space<vmem>>, vector<1000xf32>
    tpu.vector_store %arg8[%swap3A_984], %squeeze3A_983 {strides = array<i32>} : memref<204800xf32, #tpu.memory_space<vmem>>, vector<1000xf32>,
    %slice3A_986 = vector.extract_strided_slice %sub3A_63 {offsets = [115, 0], sizes = [1, 1000], strides = [1, 1]} : vector<200x1000xf32> to vector<1x1000xf32>
    %squeeze3A_987 = vector.shape_cast %slice3A_986 : vector<1x1000xf32> to vector<1000xf32>
    %swap3A_988 = arith.constant 117760 : index
    %swap3A_989 = vector.load %arg9[%swap3A_988] : memref<204800xf32, #tpu.memory_space<vmem>>, vector<1000xf32>
    tpu.vector_store %arg9[%swap3A_988], %squeeze3A_987 {strides = array<i32>} : memref<204800xf32, #tpu.memory_space<vmem>>, vector<1000xf32>,
    %slice3A_990 = vector.extract_strided_slice %add3A_61 {offsets = [116, 0], sizes = [1, 1000], strides = [1, 1]} : vector<200x1000xf32> to vector<1x1000xf32>
    %squeeze3A_991 = vector.shape_cast %slice3A_990 : vector<1x1000xf32> to vector<1000xf32>
    %swap3A_992 = arith.constant 118784 : index
    %swap3A_993 = vector.load %arg8[%swap3A_992] : memref<204800xf32, #tpu.memory_space<vmem>>, vector<1000xf32>
    tpu.vector_store %arg8[%swap3A_992], %squeeze3A_991 {strides = array<i32>} : memref<204800xf32, #tpu.memory_space<vmem>>, vector<1000xf32>,
    %slice3A_994 = vector.extract_strided_slice %sub3A_63 {offsets = [116, 0], sizes = [1, 1000], strides = [1, 1]} : vector<200x1000xf32> to vector<1x1000xf32>
    %squeeze3A_995 = vector.shape_cast %slice3A_994 : vector<1x1000xf32> to vector<1000xf32>
    %swap3A_996 = arith.constant 118784 : index
    %swap3A_997 = vector.load %arg9[%swap3A_996] : memref<204800xf32, #tpu.memory_space<vmem>>, vector<1000xf32>
    tpu.vector_store %arg9[%swap3A_996], %squeeze3A_995 {strides = array<i32>} : memref<204800xf32, #tpu.memory_space<vmem>>, vector<1000xf32>,
    %slice3A_998 = vector.extract_strided_slice %add3A_61 {offsets = [117, 0], sizes = [1, 1000], strides = [1, 1]} : vector<200x1000xf32> to vector<1x1000xf32>
    %squeeze3A_999 = vector.shape_cast %slice3A_998 : vector<1x1000xf32> to vector<1000xf32>
    %swap3A_1000 = arith.constant 119808 : index
    %swap3A_1001 = vector.load %arg8[%swap3A_1000] : memref<204800xf32, #tpu.memory_space<vmem>>, vector<1000xf32>
    tpu.vector_store %arg8[%swap3A_1000], %squeeze3A_999 {strides = array<i32>} : memref<204800xf32, #tpu.memory_space<vmem>>, vector<1000xf32>,
    %slice3A_1002 = vector.extract_strided_slice %sub3A_63 {offsets = [117, 0], sizes = [1, 1000], strides = [1, 1]} : vector<200x1000xf32> to vector<1x1000xf32>
    %squeeze3A_1003 = vector.shape_cast %slice3A_1002 : vector<1x1000xf32> to vector<1000xf32>
    %swap3A_1004 = arith.constant 119808 : index
    %swap3A_1005 = vector.load %arg9[%swap3A_1004] : memref<204800xf32, #tpu.memory_space<vmem>>, vector<1000xf32>
    tpu.vector_store %arg9[%swap3A_1004], %squeeze3A_1003 {strides = array<i32>} : memref<204800xf32, #tpu.memory_space<vmem>>, vector<1000xf32>,
    %slice3A_1006 = vector.extract_strided_slice %add3A_61 {offsets = [118, 0], sizes = [1, 1000], strides = [1, 1]} : vector<200x1000xf32> to vector<1x1000xf32>
    %squeeze3A_1007 = vector.shape_cast %slice3A_1006 : vector<1x1000xf32> to vector<1000xf32>
    %swap3A_1008 = arith.constant 120832 : index
    %swap3A_1009 = vector.load %arg8[%swap3A_1008] : memref<204800xf32, #tpu.memory_space<vmem>>, vector<1000xf32>
    tpu.vector_store %arg8[%swap3A_1008], %squeeze3A_1007 {strides = array<i32>} : memref<204800xf32, #tpu.memory_space<vmem>>, vector<1000xf32>,
    %slice3A_1010 = vector.extract_strided_slice %sub3A_63 {offsets = [118, 0], sizes = [1, 1000], strides = [1, 1]} : vector<200x1000xf32> to vector<1x1000xf32>
    %squeeze3A_1011 = vector.shape_cast %slice3A_1010 : vector<1x1000xf32> to vector<1000xf32>
    %swap3A_1012 = arith.constant 120832 : index
    %swap3A_1013 = vector.load %arg9[%swap3A_1012] : memref<204800xf32, #tpu.memory_space<vmem>>, vector<1000xf32>
    tpu.vector_store %arg9[%swap3A_1012], %squeeze3A_1011 {strides = array<i32>} : memref<204800xf32, #tpu.memory_space<vmem>>, vector<1000xf32>,
    %slice3A_1014 = vector.extract_strided_slice %add3A_61 {offsets = [119, 0], sizes = [1, 1000], strides = [1, 1]} : vector<200x1000xf32> to vector<1x1000xf32>
    %squeeze3A_1015 = vector.shape_cast %slice3A_1014 : vector<1x1000xf32> to vector<1000xf32>
    %swap3A_1016 = arith.constant 121856 : index
    %swap3A_1017 = vector.load %arg8[%swap3A_1016] : memref<204800xf32, #tpu.memory_space<vmem>>, vector<1000xf32>
    tpu.vector_store %arg8[%swap3A_1016], %squeeze3A_1015 {strides = array<i32>} : memref<204800xf32, #tpu.memory_space<vmem>>, vector<1000xf32>,
    %slice3A_1018 = vector.extract_strided_slice %sub3A_63 {offsets = [119, 0], sizes = [1, 1000], strides = [1, 1]} : vector<200x1000xf32> to vector<1x1000xf32>
    %squeeze3A_1019 = vector.shape_cast %slice3A_1018 : vector<1x1000xf32> to vector<1000xf32>
    %swap3A_1020 = arith.constant 121856 : index
    %swap3A_1021 = vector.load %arg9[%swap3A_1020] : memref<204800xf32, #tpu.memory_space<vmem>>, vector<1000xf32>
    tpu.vector_store %arg9[%swap3A_1020], %squeeze3A_1019 {strides = array<i32>} : memref<204800xf32, #tpu.memory_space<vmem>>, vector<1000xf32>,
    %slice3A_1022 = vector.extract_strided_slice %add3A_61 {offsets = [120, 0], sizes = [1, 1000], strides = [1, 1]} : vector<200x1000xf32> to vector<1x1000xf32>
    %squeeze3A_1023 = vector.shape_cast %slice3A_1022 : vector<1x1000xf32> to vector<1000xf32>
    %swap3A_1024 = arith.constant 122880 : index
    %swap3A_1025 = vector.load %arg8[%swap3A_1024] : memref<204800xf32, #tpu.memory_space<vmem>>, vector<1000xf32>
    tpu.vector_store %arg8[%swap3A_1024], %squeeze3A_1023 {strides = array<i32>} : memref<204800xf32, #tpu.memory_space<vmem>>, vector<1000xf32>,
    %slice3A_1026 = vector.extract_strided_slice %sub3A_63 {offsets = [120, 0], sizes = [1, 1000], strides = [1, 1]} : vector<200x1000xf32> to vector<1x1000xf32>
    %squeeze3A_1027 = vector.shape_cast %slice3A_1026 : vector<1x1000xf32> to vector<1000xf32>
    %swap3A_1028 = arith.constant 122880 : index
    %swap3A_1029 = vector.load %arg9[%swap3A_1028] : memref<204800xf32, #tpu.memory_space<vmem>>, vector<1000xf32>
    tpu.vector_store %arg9[%swap3A_1028], %squeeze3A_1027 {strides = array<i32>} : memref<204800xf32, #tpu.memory_space<vmem>>, vector<1000xf32>,
    %slice3A_1030 = vector.extract_strided_slice %add3A_61 {offsets = [121, 0], sizes = [1, 1000], strides = [1, 1]} : vector<200x1000xf32> to vector<1x1000xf32>
    %squeeze3A_1031 = vector.shape_cast %slice3A_1030 : vector<1x1000xf32> to vector<1000xf32>
    %swap3A_1032 = arith.constant 123904 : index
    %swap3A_1033 = vector.load %arg8[%swap3A_1032] : memref<204800xf32, #tpu.memory_space<vmem>>, vector<1000xf32>
    tpu.vector_store %arg8[%swap3A_1032], %squeeze3A_1031 {strides = array<i32>} : memref<204800xf32, #tpu.memory_space<vmem>>, vector<1000xf32>,
    %slice3A_1034 = vector.extract_strided_slice %sub3A_63 {offsets = [121, 0], sizes = [1, 1000], strides = [1, 1]} : vector<200x1000xf32> to vector<1x1000xf32>
    %squeeze3A_1035 = vector.shape_cast %slice3A_1034 : vector<1x1000xf32> to vector<1000xf32>
    %swap3A_1036 = arith.constant 123904 : index
    %swap3A_1037 = vector.load %arg9[%swap3A_1036] : memref<204800xf32, #tpu.memory_space<vmem>>, vector<1000xf32>
    tpu.vector_store %arg9[%swap3A_1036], %squeeze3A_1035 {strides = array<i32>} : memref<204800xf32, #tpu.memory_space<vmem>>, vector<1000xf32>,
    %slice3A_1038 = vector.extract_strided_slice %add3A_61 {offsets = [122, 0], sizes = [1, 1000], strides = [1, 1]} : vector<200x1000xf32> to vector<1x1000xf32>
    %squeeze3A_1039 = vector.shape_cast %slice3A_1038 : vector<1x1000xf32> to vector<1000xf32>
    %swap3A_1040 = arith.constant 124928 : index
    %swap3A_1041 = vector.load %arg8[%swap3A_1040] : memref<204800xf32, #tpu.memory_space<vmem>>, vector<1000xf32>
    tpu.vector_store %arg8[%swap3A_1040], %squeeze3A_1039 {strides = array<i32>} : memref<204800xf32, #tpu.memory_space<vmem>>, vector<1000xf32>,
    %slice3A_1042 = vector.extract_strided_slice %sub3A_63 {offsets = [122, 0], sizes = [1, 1000], strides = [1, 1]} : vector<200x1000xf32> to vector<1x1000xf32>
    %squeeze3A_1043 = vector.shape_cast %slice3A_1042 : vector<1x1000xf32> to vector<1000xf32>
    %swap3A_1044 = arith.constant 124928 : index
    %swap3A_1045 = vector.load %arg9[%swap3A_1044] : memref<204800xf32, #tpu.memory_space<vmem>>, vector<1000xf32>
    tpu.vector_store %arg9[%swap3A_1044], %squeeze3A_1043 {strides = array<i32>} : memref<204800xf32, #tpu.memory_space<vmem>>, vector<1000xf32>,
    %slice3A_1046 = vector.extract_strided_slice %add3A_61 {offsets = [123, 0], sizes = [1, 1000], strides = [1, 1]} : vector<200x1000xf32> to vector<1x1000xf32>
    %squeeze3A_1047 = vector.shape_cast %slice3A_1046 : vector<1x1000xf32> to vector<1000xf32>
    %swap3A_1048 = arith.constant 125952 : index
    %swap3A_1049 = vector.load %arg8[%swap3A_1048] : memref<204800xf32, #tpu.memory_space<vmem>>, vector<1000xf32>
    tpu.vector_store %arg8[%swap3A_1048], %squeeze3A_1047 {strides = array<i32>} : memref<204800xf32, #tpu.memory_space<vmem>>, vector<1000xf32>,
    %slice3A_1050 = vector.extract_strided_slice %sub3A_63 {offsets = [123, 0], sizes = [1, 1000], strides = [1, 1]} : vector<200x1000xf32> to vector<1x1000xf32>
    %squeeze3A_1051 = vector.shape_cast %slice3A_1050 : vector<1x1000xf32> to vector<1000xf32>
    %swap3A_1052 = arith.constant 125952 : index
    %swap3A_1053 = vector.load %arg9[%swap3A_1052] : memref<204800xf32, #tpu.memory_space<vmem>>, vector<1000xf32>
    tpu.vector_store %arg9[%swap3A_1052], %squeeze3A_1051 {strides = array<i32>} : memref<204800xf32, #tpu.memory_space<vmem>>, vector<1000xf32>,
    %slice3A_1054 = vector.extract_strided_slice %add3A_61 {offsets = [124, 0], sizes = [1, 1000], strides = [1, 1]} : vector<200x1000xf32> to vector<1x1000xf32>
    %squeeze3A_1055 = vector.shape_cast %slice3A_1054 : vector<1x1000xf32> to vector<1000xf32>
    %swap3A_1056 = arith.constant 126976 : index
    %swap3A_1057 = vector.load %arg8[%swap3A_1056] : memref<204800xf32, #tpu.memory_space<vmem>>, vector<1000xf32>
    tpu.vector_store %arg8[%swap3A_1056], %squeeze3A_1055 {strides = array<i32>} : memref<204800xf32, #tpu.memory_space<vmem>>, vector<1000xf32>,
    %slice3A_1058 = vector.extract_strided_slice %sub3A_63 {offsets = [124, 0], sizes = [1, 1000], strides = [1, 1]} : vector<200x1000xf32> to vector<1x1000xf32>
    %squeeze3A_1059 = vector.shape_cast %slice3A_1058 : vector<1x1000xf32> to vector<1000xf32>
    %swap3A_1060 = arith.constant 126976 : index
    %swap3A_1061 = vector.load %arg9[%swap3A_1060] : memref<204800xf32, #tpu.memory_space<vmem>>, vector<1000xf32>
    tpu.vector_store %arg9[%swap3A_1060], %squeeze3A_1059 {strides = array<i32>} : memref<204800xf32, #tpu.memory_space<vmem>>, vector<1000xf32>,
    %slice3A_1062 = vector.extract_strided_slice %add3A_61 {offsets = [125, 0], sizes = [1, 1000], strides = [1, 1]} : vector<200x1000xf32> to vector<1x1000xf32>
    %squeeze3A_1063 = vector.shape_cast %slice3A_1062 : vector<1x1000xf32> to vector<1000xf32>
    %swap3A_1064 = arith.constant 128000 : index
    %swap3A_1065 = vector.load %arg8[%swap3A_1064] : memref<204800xf32, #tpu.memory_space<vmem>>, vector<1000xf32>
    tpu.vector_store %arg8[%swap3A_1064], %squeeze3A_1063 {strides = array<i32>} : memref<204800xf32, #tpu.memory_space<vmem>>, vector<1000xf32>,
    %slice3A_1066 = vector.extract_strided_slice %sub3A_63 {offsets = [125, 0], sizes = [1, 1000], strides = [1, 1]} : vector<200x1000xf32> to vector<1x1000xf32>
    %squeeze3A_1067 = vector.shape_cast %slice3A_1066 : vector<1x1000xf32> to vector<1000xf32>
    %swap3A_1068 = arith.constant 128000 : index
    %swap3A_1069 = vector.load %arg9[%swap3A_1068] : memref<204800xf32, #tpu.memory_space<vmem>>, vector<1000xf32>
    tpu.vector_store %arg9[%swap3A_1068], %squeeze3A_1067 {strides = array<i32>} : memref<204800xf32, #tpu.memory_space<vmem>>, vector<1000xf32>,
    %slice3A_1070 = vector.extract_strided_slice %add3A_61 {offsets = [126, 0], sizes = [1, 1000], strides = [1, 1]} : vector<200x1000xf32> to vector<1x1000xf32>
    %squeeze3A_1071 = vector.shape_cast %slice3A_1070 : vector<1x1000xf32> to vector<1000xf32>
    %swap3A_1072 = arith.constant 129024 : index
    %swap3A_1073 = vector.load %arg8[%swap3A_1072] : memref<204800xf32, #tpu.memory_space<vmem>>, vector<1000xf32>
    tpu.vector_store %arg8[%swap3A_1072], %squeeze3A_1071 {strides = array<i32>} : memref<204800xf32, #tpu.memory_space<vmem>>, vector<1000xf32>,
    %slice3A_1074 = vector.extract_strided_slice %sub3A_63 {offsets = [126, 0], sizes = [1, 1000], strides = [1, 1]} : vector<200x1000xf32> to vector<1x1000xf32>
    %squeeze3A_1075 = vector.shape_cast %slice3A_1074 : vector<1x1000xf32> to vector<1000xf32>
    %swap3A_1076 = arith.constant 129024 : index
    %swap3A_1077 = vector.load %arg9[%swap3A_1076] : memref<204800xf32, #tpu.memory_space<vmem>>, vector<1000xf32>
    tpu.vector_store %arg9[%swap3A_1076], %squeeze3A_1075 {strides = array<i32>} : memref<204800xf32, #tpu.memory_space<vmem>>, vector<1000xf32>,
    %slice3A_1078 = vector.extract_strided_slice %add3A_61 {offsets = [127, 0], sizes = [1, 1000], strides = [1, 1]} : vector<200x1000xf32> to vector<1x1000xf32>
    %squeeze3A_1079 = vector.shape_cast %slice3A_1078 : vector<1x1000xf32> to vector<1000xf32>
    %swap3A_1080 = arith.constant 130048 : index
    %swap3A_1081 = vector.load %arg8[%swap3A_1080] : memref<204800xf32, #tpu.memory_space<vmem>>, vector<1000xf32>
    tpu.vector_store %arg8[%swap3A_1080], %squeeze3A_1079 {strides = array<i32>} : memref<204800xf32, #tpu.memory_space<vmem>>, vector<1000xf32>,
    %slice3A_1082 = vector.extract_strided_slice %sub3A_63 {offsets = [127, 0], sizes = [1, 1000], strides = [1, 1]} : vector<200x1000xf32> to vector<1x1000xf32>
    %squeeze3A_1083 = vector.shape_cast %slice3A_1082 : vector<1x1000xf32> to vector<1000xf32>
    %swap3A_1084 = arith.constant 130048 : index
    %swap3A_1085 = vector.load %arg9[%swap3A_1084] : memref<204800xf32, #tpu.memory_space<vmem>>, vector<1000xf32>
    tpu.vector_store %arg9[%swap3A_1084], %squeeze3A_1083 {strides = array<i32>} : memref<204800xf32, #tpu.memory_space<vmem>>, vector<1000xf32>,
    %slice3A_1086 = vector.extract_strided_slice %add3A_61 {offsets = [128, 0], sizes = [1, 1000], strides = [1, 1]} : vector<200x1000xf32> to vector<1x1000xf32>
    %squeeze3A_1087 = vector.shape_cast %slice3A_1086 : vector<1x1000xf32> to vector<1000xf32>
    %swap3A_1088 = arith.constant 131072 : index
    %swap3A_1089 = vector.load %arg8[%swap3A_1088] : memref<204800xf32, #tpu.memory_space<vmem>>, vector<1000xf32>
    tpu.vector_store %arg8[%swap3A_1088], %squeeze3A_1087 {strides = array<i32>} : memref<204800xf32, #tpu.memory_space<vmem>>, vector<1000xf32>,
    %slice3A_1090 = vector.extract_strided_slice %sub3A_63 {offsets = [128, 0], sizes = [1, 1000], strides = [1, 1]} : vector<200x1000xf32> to vector<1x1000xf32>
    %squeeze3A_1091 = vector.shape_cast %slice3A_1090 : vector<1x1000xf32> to vector<1000xf32>
    %swap3A_1092 = arith.constant 131072 : index
    %swap3A_1093 = vector.load %arg9[%swap3A_1092] : memref<204800xf32, #tpu.memory_space<vmem>>, vector<1000xf32>
    tpu.vector_store %arg9[%swap3A_1092], %squeeze3A_1091 {strides = array<i32>} : memref<204800xf32, #tpu.memory_space<vmem>>, vector<1000xf32>,
    %slice3A_1094 = vector.extract_strided_slice %add3A_61 {offsets = [129, 0], sizes = [1, 1000], strides = [1, 1]} : vector<200x1000xf32> to vector<1x1000xf32>
    %squeeze3A_1095 = vector.shape_cast %slice3A_1094 : vector<1x1000xf32> to vector<1000xf32>
    %swap3A_1096 = arith.constant 132096 : index
    %swap3A_1097 = vector.load %arg8[%swap3A_1096] : memref<204800xf32, #tpu.memory_space<vmem>>, vector<1000xf32>
    tpu.vector_store %arg8[%swap3A_1096], %squeeze3A_1095 {strides = array<i32>} : memref<204800xf32, #tpu.memory_space<vmem>>, vector<1000xf32>,
    %slice3A_1098 = vector.extract_strided_slice %sub3A_63 {offsets = [129, 0], sizes = [1, 1000], strides = [1, 1]} : vector<200x1000xf32> to vector<1x1000xf32>
    %squeeze3A_1099 = vector.shape_cast %slice3A_1098 : vector<1x1000xf32> to vector<1000xf32>
    %swap3A_1100 = arith.constant 132096 : index
    %swap3A_1101 = vector.load %arg9[%swap3A_1100] : memref<204800xf32, #tpu.memory_space<vmem>>, vector<1000xf32>
    tpu.vector_store %arg9[%swap3A_1100], %squeeze3A_1099 {strides = array<i32>} : memref<204800xf32, #tpu.memory_space<vmem>>, vector<1000xf32>,
    %slice3A_1102 = vector.extract_strided_slice %add3A_61 {offsets = [130, 0], sizes = [1, 1000], strides = [1, 1]} : vector<200x1000xf32> to vector<1x1000xf32>
    %squeeze3A_1103 = vector.shape_cast %slice3A_1102 : vector<1x1000xf32> to vector<1000xf32>
    %swap3A_1104 = arith.constant 133120 : index
    %swap3A_1105 = vector.load %arg8[%swap3A_1104] : memref<204800xf32, #tpu.memory_space<vmem>>, vector<1000xf32>
    tpu.vector_store %arg8[%swap3A_1104], %squeeze3A_1103 {strides = array<i32>} : memref<204800xf32, #tpu.memory_space<vmem>>, vector<1000xf32>,
    %slice3A_1106 = vector.extract_strided_slice %sub3A_63 {offsets = [130, 0], sizes = [1, 1000], strides = [1, 1]} : vector<200x1000xf32> to vector<1x1000xf32>
    %squeeze3A_1107 = vector.shape_cast %slice3A_1106 : vector<1x1000xf32> to vector<1000xf32>
    %swap3A_1108 = arith.constant 133120 : index
    %swap3A_1109 = vector.load %arg9[%swap3A_1108] : memref<204800xf32, #tpu.memory_space<vmem>>, vector<1000xf32>
    tpu.vector_store %arg9[%swap3A_1108], %squeeze3A_1107 {strides = array<i32>} : memref<204800xf32, #tpu.memory_space<vmem>>, vector<1000xf32>,
    %slice3A_1110 = vector.extract_strided_slice %add3A_61 {offsets = [131, 0], sizes = [1, 1000], strides = [1, 1]} : vector<200x1000xf32> to vector<1x1000xf32>
    %squeeze3A_1111 = vector.shape_cast %slice3A_1110 : vector<1x1000xf32> to vector<1000xf32>
    %swap3A_1112 = arith.constant 134144 : index
    %swap3A_1113 = vector.load %arg8[%swap3A_1112] : memref<204800xf32, #tpu.memory_space<vmem>>, vector<1000xf32>
    tpu.vector_store %arg8[%swap3A_1112], %squeeze3A_1111 {strides = array<i32>} : memref<204800xf32, #tpu.memory_space<vmem>>, vector<1000xf32>,
    %slice3A_1114 = vector.extract_strided_slice %sub3A_63 {offsets = [131, 0], sizes = [1, 1000], strides = [1, 1]} : vector<200x1000xf32> to vector<1x1000xf32>
    %squeeze3A_1115 = vector.shape_cast %slice3A_1114 : vector<1x1000xf32> to vector<1000xf32>
    %swap3A_1116 = arith.constant 134144 : index
    %swap3A_1117 = vector.load %arg9[%swap3A_1116] : memref<204800xf32, #tpu.memory_space<vmem>>, vector<1000xf32>
    tpu.vector_store %arg9[%swap3A_1116], %squeeze3A_1115 {strides = array<i32>} : memref<204800xf32, #tpu.memory_space<vmem>>, vector<1000xf32>,
    %slice3A_1118 = vector.extract_strided_slice %add3A_61 {offsets = [132, 0], sizes = [1, 1000], strides = [1, 1]} : vector<200x1000xf32> to vector<1x1000xf32>
    %squeeze3A_1119 = vector.shape_cast %slice3A_1118 : vector<1x1000xf32> to vector<1000xf32>
    %swap3A_1120 = arith.constant 135168 : index
    %swap3A_1121 = vector.load %arg8[%swap3A_1120] : memref<204800xf32, #tpu.memory_space<vmem>>, vector<1000xf32>
    tpu.vector_store %arg8[%swap3A_1120], %squeeze3A_1119 {strides = array<i32>} : memref<204800xf32, #tpu.memory_space<vmem>>, vector<1000xf32>,
    %slice3A_1122 = vector.extract_strided_slice %sub3A_63 {offsets = [132, 0], sizes = [1, 1000], strides = [1, 1]} : vector<200x1000xf32> to vector<1x1000xf32>
    %squeeze3A_1123 = vector.shape_cast %slice3A_1122 : vector<1x1000xf32> to vector<1000xf32>
    %swap3A_1124 = arith.constant 135168 : index
    %swap3A_1125 = vector.load %arg9[%swap3A_1124] : memref<204800xf32, #tpu.memory_space<vmem>>, vector<1000xf32>
    tpu.vector_store %arg9[%swap3A_1124], %squeeze3A_1123 {strides = array<i32>} : memref<204800xf32, #tpu.memory_space<vmem>>, vector<1000xf32>,
    %slice3A_1126 = vector.extract_strided_slice %add3A_61 {offsets = [133, 0], sizes = [1, 1000], strides = [1, 1]} : vector<200x1000xf32> to vector<1x1000xf32>
    %squeeze3A_1127 = vector.shape_cast %slice3A_1126 : vector<1x1000xf32> to vector<1000xf32>
    %swap3A_1128 = arith.constant 136192 : index
    %swap3A_1129 = vector.load %arg8[%swap3A_1128] : memref<204800xf32, #tpu.memory_space<vmem>>, vector<1000xf32>
    tpu.vector_store %arg8[%swap3A_1128], %squeeze3A_1127 {strides = array<i32>} : memref<204800xf32, #tpu.memory_space<vmem>>, vector<1000xf32>,
    %slice3A_1130 = vector.extract_strided_slice %sub3A_63 {offsets = [133, 0], sizes = [1, 1000], strides = [1, 1]} : vector<200x1000xf32> to vector<1x1000xf32>
    %squeeze3A_1131 = vector.shape_cast %slice3A_1130 : vector<1x1000xf32> to vector<1000xf32>
    %swap3A_1132 = arith.constant 136192 : index
    %swap3A_1133 = vector.load %arg9[%swap3A_1132] : memref<204800xf32, #tpu.memory_space<vmem>>, vector<1000xf32>
    tpu.vector_store %arg9[%swap3A_1132], %squeeze3A_1131 {strides = array<i32>} : memref<204800xf32, #tpu.memory_space<vmem>>, vector<1000xf32>,
    %slice3A_1134 = vector.extract_strided_slice %add3A_61 {offsets = [134, 0], sizes = [1, 1000], strides = [1, 1]} : vector<200x1000xf32> to vector<1x1000xf32>
    %squeeze3A_1135 = vector.shape_cast %slice3A_1134 : vector<1x1000xf32> to vector<1000xf32>
    %swap3A_1136 = arith.constant 137216 : index
    %swap3A_1137 = vector.load %arg8[%swap3A_1136] : memref<204800xf32, #tpu.memory_space<vmem>>, vector<1000xf32>
    tpu.vector_store %arg8[%swap3A_1136], %squeeze3A_1135 {strides = array<i32>} : memref<204800xf32, #tpu.memory_space<vmem>>, vector<1000xf32>,
    %slice3A_1138 = vector.extract_strided_slice %sub3A_63 {offsets = [134, 0], sizes = [1, 1000], strides = [1, 1]} : vector<200x1000xf32> to vector<1x1000xf32>
    %squeeze3A_1139 = vector.shape_cast %slice3A_1138 : vector<1x1000xf32> to vector<1000xf32>
    %swap3A_1140 = arith.constant 137216 : index
    %swap3A_1141 = vector.load %arg9[%swap3A_1140] : memref<204800xf32, #tpu.memory_space<vmem>>, vector<1000xf32>
    tpu.vector_store %arg9[%swap3A_1140], %squeeze3A_1139 {strides = array<i32>} : memref<204800xf32, #tpu.memory_space<vmem>>, vector<1000xf32>,
    %slice3A_1142 = vector.extract_strided_slice %add3A_61 {offsets = [135, 0], sizes = [1, 1000], strides = [1, 1]} : vector<200x1000xf32> to vector<1x1000xf32>
    %squeeze3A_1143 = vector.shape_cast %slice3A_1142 : vector<1x1000xf32> to vector<1000xf32>
    %swap3A_1144 = arith.constant 138240 : index
    %swap3A_1145 = vector.load %arg8[%swap3A_1144] : memref<204800xf32, #tpu.memory_space<vmem>>, vector<1000xf32>
    tpu.vector_store %arg8[%swap3A_1144], %squeeze3A_1143 {strides = array<i32>} : memref<204800xf32, #tpu.memory_space<vmem>>, vector<1000xf32>,
    %slice3A_1146 = vector.extract_strided_slice %sub3A_63 {offsets = [135, 0], sizes = [1, 1000], strides = [1, 1]} : vector<200x1000xf32> to vector<1x1000xf32>
    %squeeze3A_1147 = vector.shape_cast %slice3A_1146 : vector<1x1000xf32> to vector<1000xf32>
    %swap3A_1148 = arith.constant 138240 : index
    %swap3A_1149 = vector.load %arg9[%swap3A_1148] : memref<204800xf32, #tpu.memory_space<vmem>>, vector<1000xf32>
    tpu.vector_store %arg9[%swap3A_1148], %squeeze3A_1147 {strides = array<i32>} : memref<204800xf32, #tpu.memory_space<vmem>>, vector<1000xf32>,
    %slice3A_1150 = vector.extract_strided_slice %add3A_61 {offsets = [136, 0], sizes = [1, 1000], strides = [1, 1]} : vector<200x1000xf32> to vector<1x1000xf32>
    %squeeze3A_1151 = vector.shape_cast %slice3A_1150 : vector<1x1000xf32> to vector<1000xf32>
    %swap3A_1152 = arith.constant 139264 : index
    %swap3A_1153 = vector.load %arg8[%swap3A_1152] : memref<204800xf32, #tpu.memory_space<vmem>>, vector<1000xf32>
    tpu.vector_store %arg8[%swap3A_1152], %squeeze3A_1151 {strides = array<i32>} : memref<204800xf32, #tpu.memory_space<vmem>>, vector<1000xf32>,
    %slice3A_1154 = vector.extract_strided_slice %sub3A_63 {offsets = [136, 0], sizes = [1, 1000], strides = [1, 1]} : vector<200x1000xf32> to vector<1x1000xf32>
    %squeeze3A_1155 = vector.shape_cast %slice3A_1154 : vector<1x1000xf32> to vector<1000xf32>
    %swap3A_1156 = arith.constant 139264 : index
    %swap3A_1157 = vector.load %arg9[%swap3A_1156] : memref<204800xf32, #tpu.memory_space<vmem>>, vector<1000xf32>
    tpu.vector_store %arg9[%swap3A_1156], %squeeze3A_1155 {strides = array<i32>} : memref<204800xf32, #tpu.memory_space<vmem>>, vector<1000xf32>,
    %slice3A_1158 = vector.extract_strided_slice %add3A_61 {offsets = [137, 0], sizes = [1, 1000], strides = [1, 1]} : vector<200x1000xf32> to vector<1x1000xf32>
    %squeeze3A_1159 = vector.shape_cast %slice3A_1158 : vector<1x1000xf32> to vector<1000xf32>
    %swap3A_1160 = arith.constant 140288 : index
    %swap3A_1161 = vector.load %arg8[%swap3A_1160] : memref<204800xf32, #tpu.memory_space<vmem>>, vector<1000xf32>
    tpu.vector_store %arg8[%swap3A_1160], %squeeze3A_1159 {strides = array<i32>} : memref<204800xf32, #tpu.memory_space<vmem>>, vector<1000xf32>,
    %slice3A_1162 = vector.extract_strided_slice %sub3A_63 {offsets = [137, 0], sizes = [1, 1000], strides = [1, 1]} : vector<200x1000xf32> to vector<1x1000xf32>
    %squeeze3A_1163 = vector.shape_cast %slice3A_1162 : vector<1x1000xf32> to vector<1000xf32>
    %swap3A_1164 = arith.constant 140288 : index
    %swap3A_1165 = vector.load %arg9[%swap3A_1164] : memref<204800xf32, #tpu.memory_space<vmem>>, vector<1000xf32>
    tpu.vector_store %arg9[%swap3A_1164], %squeeze3A_1163 {strides = array<i32>} : memref<204800xf32, #tpu.memory_space<vmem>>, vector<1000xf32>,
    %slice3A_1166 = vector.extract_strided_slice %add3A_61 {offsets = [138, 0], sizes = [1, 1000], strides = [1, 1]} : vector<200x1000xf32> to vector<1x1000xf32>
    %squeeze3A_1167 = vector.shape_cast %slice3A_1166 : vector<1x1000xf32> to vector<1000xf32>
    %swap3A_1168 = arith.constant 141312 : index
    %swap3A_1169 = vector.load %arg8[%swap3A_1168] : memref<204800xf32, #tpu.memory_space<vmem>>, vector<1000xf32>
    tpu.vector_store %arg8[%swap3A_1168], %squeeze3A_1167 {strides = array<i32>} : memref<204800xf32, #tpu.memory_space<vmem>>, vector<1000xf32>,
    %slice3A_1170 = vector.extract_strided_slice %sub3A_63 {offsets = [138, 0], sizes = [1, 1000], strides = [1, 1]} : vector<200x1000xf32> to vector<1x1000xf32>
    %squeeze3A_1171 = vector.shape_cast %slice3A_1170 : vector<1x1000xf32> to vector<1000xf32>
    %swap3A_1172 = arith.constant 141312 : index
    %swap3A_1173 = vector.load %arg9[%swap3A_1172] : memref<204800xf32, #tpu.memory_space<vmem>>, vector<1000xf32>
    tpu.vector_store %arg9[%swap3A_1172], %squeeze3A_1171 {strides = array<i32>} : memref<204800xf32, #tpu.memory_space<vmem>>, vector<1000xf32>,
    %slice3A_1174 = vector.extract_strided_slice %add3A_61 {offsets = [139, 0], sizes = [1, 1000], strides = [1, 1]} : vector<200x1000xf32> to vector<1x1000xf32>
    %squeeze3A_1175 = vector.shape_cast %slice3A_1174 : vector<1x1000xf32> to vector<1000xf32>
    %swap3A_1176 = arith.constant 142336 : index
    %swap3A_1177 = vector.load %arg8[%swap3A_1176] : memref<204800xf32, #tpu.memory_space<vmem>>, vector<1000xf32>
    tpu.vector_store %arg8[%swap3A_1176], %squeeze3A_1175 {strides = array<i32>} : memref<204800xf32, #tpu.memory_space<vmem>>, vector<1000xf32>,
    %slice3A_1178 = vector.extract_strided_slice %sub3A_63 {offsets = [139, 0], sizes = [1, 1000], strides = [1, 1]} : vector<200x1000xf32> to vector<1x1000xf32>
    %squeeze3A_1179 = vector.shape_cast %slice3A_1178 : vector<1x1000xf32> to vector<1000xf32>
    %swap3A_1180 = arith.constant 142336 : index
    %swap3A_1181 = vector.load %arg9[%swap3A_1180] : memref<204800xf32, #tpu.memory_space<vmem>>, vector<1000xf32>
    tpu.vector_store %arg9[%swap3A_1180], %squeeze3A_1179 {strides = array<i32>} : memref<204800xf32, #tpu.memory_space<vmem>>, vector<1000xf32>,
    %slice3A_1182 = vector.extract_strided_slice %add3A_61 {offsets = [140, 0], sizes = [1, 1000], strides = [1, 1]} : vector<200x1000xf32> to vector<1x1000xf32>
    %squeeze3A_1183 = vector.shape_cast %slice3A_1182 : vector<1x1000xf32> to vector<1000xf32>
    %swap3A_1184 = arith.constant 143360 : index
    %swap3A_1185 = vector.load %arg8[%swap3A_1184] : memref<204800xf32, #tpu.memory_space<vmem>>, vector<1000xf32>
    tpu.vector_store %arg8[%swap3A_1184], %squeeze3A_1183 {strides = array<i32>} : memref<204800xf32, #tpu.memory_space<vmem>>, vector<1000xf32>,
    %slice3A_1186 = vector.extract_strided_slice %sub3A_63 {offsets = [140, 0], sizes = [1, 1000], strides = [1, 1]} : vector<200x1000xf32> to vector<1x1000xf32>
    %squeeze3A_1187 = vector.shape_cast %slice3A_1186 : vector<1x1000xf32> to vector<1000xf32>
    %swap3A_1188 = arith.constant 143360 : index
    %swap3A_1189 = vector.load %arg9[%swap3A_1188] : memref<204800xf32, #tpu.memory_space<vmem>>, vector<1000xf32>
    tpu.vector_store %arg9[%swap3A_1188], %squeeze3A_1187 {strides = array<i32>} : memref<204800xf32, #tpu.memory_space<vmem>>, vector<1000xf32>,
    %slice3A_1190 = vector.extract_strided_slice %add3A_61 {offsets = [141, 0], sizes = [1, 1000], strides = [1, 1]} : vector<200x1000xf32> to vector<1x1000xf32>
    %squeeze3A_1191 = vector.shape_cast %slice3A_1190 : vector<1x1000xf32> to vector<1000xf32>
    %swap3A_1192 = arith.constant 144384 : index
    %swap3A_1193 = vector.load %arg8[%swap3A_1192] : memref<204800xf32, #tpu.memory_space<vmem>>, vector<1000xf32>
    tpu.vector_store %arg8[%swap3A_1192], %squeeze3A_1191 {strides = array<i32>} : memref<204800xf32, #tpu.memory_space<vmem>>, vector<1000xf32>,
    %slice3A_1194 = vector.extract_strided_slice %sub3A_63 {offsets = [141, 0], sizes = [1, 1000], strides = [1, 1]} : vector<200x1000xf32> to vector<1x1000xf32>
    %squeeze3A_1195 = vector.shape_cast %slice3A_1194 : vector<1x1000xf32> to vector<1000xf32>
    %swap3A_1196 = arith.constant 144384 : index
    %swap3A_1197 = vector.load %arg9[%swap3A_1196] : memref<204800xf32, #tpu.memory_space<vmem>>, vector<1000xf32>
    tpu.vector_store %arg9[%swap3A_1196], %squeeze3A_1195 {strides = array<i32>} : memref<204800xf32, #tpu.memory_space<vmem>>, vector<1000xf32>,
    %slice3A_1198 = vector.extract_strided_slice %add3A_61 {offsets = [142, 0], sizes = [1, 1000], strides = [1, 1]} : vector<200x1000xf32> to vector<1x1000xf32>
    %squeeze3A_1199 = vector.shape_cast %slice3A_1198 : vector<1x1000xf32> to vector<1000xf32>
    %swap3A_1200 = arith.constant 145408 : index
    %swap3A_1201 = vector.load %arg8[%swap3A_1200] : memref<204800xf32, #tpu.memory_space<vmem>>, vector<1000xf32>
    tpu.vector_store %arg8[%swap3A_1200], %squeeze3A_1199 {strides = array<i32>} : memref<204800xf32, #tpu.memory_space<vmem>>, vector<1000xf32>,
    %slice3A_1202 = vector.extract_strided_slice %sub3A_63 {offsets = [142, 0], sizes = [1, 1000], strides = [1, 1]} : vector<200x1000xf32> to vector<1x1000xf32>
    %squeeze3A_1203 = vector.shape_cast %slice3A_1202 : vector<1x1000xf32> to vector<1000xf32>
    %swap3A_1204 = arith.constant 145408 : index
    %swap3A_1205 = vector.load %arg9[%swap3A_1204] : memref<204800xf32, #tpu.memory_space<vmem>>, vector<1000xf32>
    tpu.vector_store %arg9[%swap3A_1204], %squeeze3A_1203 {strides = array<i32>} : memref<204800xf32, #tpu.memory_space<vmem>>, vector<1000xf32>,
    %slice3A_1206 = vector.extract_strided_slice %add3A_61 {offsets = [143, 0], sizes = [1, 1000], strides = [1, 1]} : vector<200x1000xf32> to vector<1x1000xf32>
    %squeeze3A_1207 = vector.shape_cast %slice3A_1206 : vector<1x1000xf32> to vector<1000xf32>
    %swap3A_1208 = arith.constant 146432 : index
    %swap3A_1209 = vector.load %arg8[%swap3A_1208] : memref<204800xf32, #tpu.memory_space<vmem>>, vector<1000xf32>
    tpu.vector_store %arg8[%swap3A_1208], %squeeze3A_1207 {strides = array<i32>} : memref<204800xf32, #tpu.memory_space<vmem>>, vector<1000xf32>,
    %slice3A_1210 = vector.extract_strided_slice %sub3A_63 {offsets = [143, 0], sizes = [1, 1000], strides = [1, 1]} : vector<200x1000xf32> to vector<1x1000xf32>
    %squeeze3A_1211 = vector.shape_cast %slice3A_1210 : vector<1x1000xf32> to vector<1000xf32>
    %swap3A_1212 = arith.constant 146432 : index
    %swap3A_1213 = vector.load %arg9[%swap3A_1212] : memref<204800xf32, #tpu.memory_space<vmem>>, vector<1000xf32>
    tpu.vector_store %arg9[%swap3A_1212], %squeeze3A_1211 {strides = array<i32>} : memref<204800xf32, #tpu.memory_space<vmem>>, vector<1000xf32>,
    %slice3A_1214 = vector.extract_strided_slice %add3A_61 {offsets = [144, 0], sizes = [1, 1000], strides = [1, 1]} : vector<200x1000xf32> to vector<1x1000xf32>
    %squeeze3A_1215 = vector.shape_cast %slice3A_1214 : vector<1x1000xf32> to vector<1000xf32>
    %swap3A_1216 = arith.constant 147456 : index
    %swap3A_1217 = vector.load %arg8[%swap3A_1216] : memref<204800xf32, #tpu.memory_space<vmem>>, vector<1000xf32>
    tpu.vector_store %arg8[%swap3A_1216], %squeeze3A_1215 {strides = array<i32>} : memref<204800xf32, #tpu.memory_space<vmem>>, vector<1000xf32>,
    %slice3A_1218 = vector.extract_strided_slice %sub3A_63 {offsets = [144, 0], sizes = [1, 1000], strides = [1, 1]} : vector<200x1000xf32> to vector<1x1000xf32>
    %squeeze3A_1219 = vector.shape_cast %slice3A_1218 : vector<1x1000xf32> to vector<1000xf32>
    %swap3A_1220 = arith.constant 147456 : index
    %swap3A_1221 = vector.load %arg9[%swap3A_1220] : memref<204800xf32, #tpu.memory_space<vmem>>, vector<1000xf32>
    tpu.vector_store %arg9[%swap3A_1220], %squeeze3A_1219 {strides = array<i32>} : memref<204800xf32, #tpu.memory_space<vmem>>, vector<1000xf32>,
    %slice3A_1222 = vector.extract_strided_slice %add3A_61 {offsets = [145, 0], sizes = [1, 1000], strides = [1, 1]} : vector<200x1000xf32> to vector<1x1000xf32>
    %squeeze3A_1223 = vector.shape_cast %slice3A_1222 : vector<1x1000xf32> to vector<1000xf32>
    %swap3A_1224 = arith.constant 148480 : index
    %swap3A_1225 = vector.load %arg8[%swap3A_1224] : memref<204800xf32, #tpu.memory_space<vmem>>, vector<1000xf32>
    tpu.vector_store %arg8[%swap3A_1224], %squeeze3A_1223 {strides = array<i32>} : memref<204800xf32, #tpu.memory_space<vmem>>, vector<1000xf32>,
    %slice3A_1226 = vector.extract_strided_slice %sub3A_63 {offsets = [145, 0], sizes = [1, 1000], strides = [1, 1]} : vector<200x1000xf32> to vector<1x1000xf32>
    %squeeze3A_1227 = vector.shape_cast %slice3A_1226 : vector<1x1000xf32> to vector<1000xf32>
    %swap3A_1228 = arith.constant 148480 : index
    %swap3A_1229 = vector.load %arg9[%swap3A_1228] : memref<204800xf32, #tpu.memory_space<vmem>>, vector<1000xf32>
    tpu.vector_store %arg9[%swap3A_1228], %squeeze3A_1227 {strides = array<i32>} : memref<204800xf32, #tpu.memory_space<vmem>>, vector<1000xf32>,
    %slice3A_1230 = vector.extract_strided_slice %add3A_61 {offsets = [146, 0], sizes = [1, 1000], strides = [1, 1]} : vector<200x1000xf32> to vector<1x1000xf32>
    %squeeze3A_1231 = vector.shape_cast %slice3A_1230 : vector<1x1000xf32> to vector<1000xf32>
    %swap3A_1232 = arith.constant 149504 : index
    %swap3A_1233 = vector.load %arg8[%swap3A_1232] : memref<204800xf32, #tpu.memory_space<vmem>>, vector<1000xf32>
    tpu.vector_store %arg8[%swap3A_1232], %squeeze3A_1231 {strides = array<i32>} : memref<204800xf32, #tpu.memory_space<vmem>>, vector<1000xf32>,
    %slice3A_1234 = vector.extract_strided_slice %sub3A_63 {offsets = [146, 0], sizes = [1, 1000], strides = [1, 1]} : vector<200x1000xf32> to vector<1x1000xf32>
    %squeeze3A_1235 = vector.shape_cast %slice3A_1234 : vector<1x1000xf32> to vector<1000xf32>
    %swap3A_1236 = arith.constant 149504 : index
    %swap3A_1237 = vector.load %arg9[%swap3A_1236] : memref<204800xf32, #tpu.memory_space<vmem>>, vector<1000xf32>
    tpu.vector_store %arg9[%swap3A_1236], %squeeze3A_1235 {strides = array<i32>} : memref<204800xf32, #tpu.memory_space<vmem>>, vector<1000xf32>,
    %slice3A_1238 = vector.extract_strided_slice %add3A_61 {offsets = [147, 0], sizes = [1, 1000], strides = [1, 1]} : vector<200x1000xf32> to vector<1x1000xf32>
    %squeeze3A_1239 = vector.shape_cast %slice3A_1238 : vector<1x1000xf32> to vector<1000xf32>
    %swap3A_1240 = arith.constant 150528 : index
    %swap3A_1241 = vector.load %arg8[%swap3A_1240] : memref<204800xf32, #tpu.memory_space<vmem>>, vector<1000xf32>
    tpu.vector_store %arg8[%swap3A_1240], %squeeze3A_1239 {strides = array<i32>} : memref<204800xf32, #tpu.memory_space<vmem>>, vector<1000xf32>,
    %slice3A_1242 = vector.extract_strided_slice %sub3A_63 {offsets = [147, 0], sizes = [1, 1000], strides = [1, 1]} : vector<200x1000xf32> to vector<1x1000xf32>
    %squeeze3A_1243 = vector.shape_cast %slice3A_1242 : vector<1x1000xf32> to vector<1000xf32>
    %swap3A_1244 = arith.constant 150528 : index
    %swap3A_1245 = vector.load %arg9[%swap3A_1244] : memref<204800xf32, #tpu.memory_space<vmem>>, vector<1000xf32>
    tpu.vector_store %arg9[%swap3A_1244], %squeeze3A_1243 {strides = array<i32>} : memref<204800xf32, #tpu.memory_space<vmem>>, vector<1000xf32>,
    %slice3A_1246 = vector.extract_strided_slice %add3A_61 {offsets = [148, 0], sizes = [1, 1000], strides = [1, 1]} : vector<200x1000xf32> to vector<1x1000xf32>
    %squeeze3A_1247 = vector.shape_cast %slice3A_1246 : vector<1x1000xf32> to vector<1000xf32>
    %swap3A_1248 = arith.constant 151552 : index
    %swap3A_1249 = vector.load %arg8[%swap3A_1248] : memref<204800xf32, #tpu.memory_space<vmem>>, vector<1000xf32>
    tpu.vector_store %arg8[%swap3A_1248], %squeeze3A_1247 {strides = array<i32>} : memref<204800xf32, #tpu.memory_space<vmem>>, vector<1000xf32>,
    %slice3A_1250 = vector.extract_strided_slice %sub3A_63 {offsets = [148, 0], sizes = [1, 1000], strides = [1, 1]} : vector<200x1000xf32> to vector<1x1000xf32>
    %squeeze3A_1251 = vector.shape_cast %slice3A_1250 : vector<1x1000xf32> to vector<1000xf32>
    %swap3A_1252 = arith.constant 151552 : index
    %swap3A_1253 = vector.load %arg9[%swap3A_1252] : memref<204800xf32, #tpu.memory_space<vmem>>, vector<1000xf32>
    tpu.vector_store %arg9[%swap3A_1252], %squeeze3A_1251 {strides = array<i32>} : memref<204800xf32, #tpu.memory_space<vmem>>, vector<1000xf32>,
    %slice3A_1254 = vector.extract_strided_slice %add3A_61 {offsets = [149, 0], sizes = [1, 1000], strides = [1, 1]} : vector<200x1000xf32> to vector<1x1000xf32>
    %squeeze3A_1255 = vector.shape_cast %slice3A_1254 : vector<1x1000xf32> to vector<1000xf32>
    %swap3A_1256 = arith.constant 152576 : index
    %swap3A_1257 = vector.load %arg8[%swap3A_1256] : memref<204800xf32, #tpu.memory_space<vmem>>, vector<1000xf32>
    tpu.vector_store %arg8[%swap3A_1256], %squeeze3A_1255 {strides = array<i32>} : memref<204800xf32, #tpu.memory_space<vmem>>, vector<1000xf32>,
    %slice3A_1258 = vector.extract_strided_slice %sub3A_63 {offsets = [149, 0], sizes = [1, 1000], strides = [1, 1]} : vector<200x1000xf32> to vector<1x1000xf32>
    %squeeze3A_1259 = vector.shape_cast %slice3A_1258 : vector<1x1000xf32> to vector<1000xf32>
    %swap3A_1260 = arith.constant 152576 : index
    %swap3A_1261 = vector.load %arg9[%swap3A_1260] : memref<204800xf32, #tpu.memory_space<vmem>>, vector<1000xf32>
    tpu.vector_store %arg9[%swap3A_1260], %squeeze3A_1259 {strides = array<i32>} : memref<204800xf32, #tpu.memory_space<vmem>>, vector<1000xf32>,
    %slice3A_1262 = vector.extract_strided_slice %add3A_61 {offsets = [150, 0], sizes = [1, 1000], strides = [1, 1]} : vector<200x1000xf32> to vector<1x1000xf32>
    %squeeze3A_1263 = vector.shape_cast %slice3A_1262 : vector<1x1000xf32> to vector<1000xf32>
    %swap3A_1264 = arith.constant 153600 : index
    %swap3A_1265 = vector.load %arg8[%swap3A_1264] : memref<204800xf32, #tpu.memory_space<vmem>>, vector<1000xf32>
    tpu.vector_store %arg8[%swap3A_1264], %squeeze3A_1263 {strides = array<i32>} : memref<204800xf32, #tpu.memory_space<vmem>>, vector<1000xf32>,
    %slice3A_1266 = vector.extract_strided_slice %sub3A_63 {offsets = [150, 0], sizes = [1, 1000], strides = [1, 1]} : vector<200x1000xf32> to vector<1x1000xf32>
    %squeeze3A_1267 = vector.shape_cast %slice3A_1266 : vector<1x1000xf32> to vector<1000xf32>
    %swap3A_1268 = arith.constant 153600 : index
    %swap3A_1269 = vector.load %arg9[%swap3A_1268] : memref<204800xf32, #tpu.memory_space<vmem>>, vector<1000xf32>
    tpu.vector_store %arg9[%swap3A_1268], %squeeze3A_1267 {strides = array<i32>} : memref<204800xf32, #tpu.memory_space<vmem>>, vector<1000xf32>,
    %slice3A_1270 = vector.extract_strided_slice %add3A_61 {offsets = [151, 0], sizes = [1, 1000], strides = [1, 1]} : vector<200x1000xf32> to vector<1x1000xf32>
    %squeeze3A_1271 = vector.shape_cast %slice3A_1270 : vector<1x1000xf32> to vector<1000xf32>
    %swap3A_1272 = arith.constant 154624 : index
    %swap3A_1273 = vector.load %arg8[%swap3A_1272] : memref<204800xf32, #tpu.memory_space<vmem>>, vector<1000xf32>
    tpu.vector_store %arg8[%swap3A_1272], %squeeze3A_1271 {strides = array<i32>} : memref<204800xf32, #tpu.memory_space<vmem>>, vector<1000xf32>,
    %slice3A_1274 = vector.extract_strided_slice %sub3A_63 {offsets = [151, 0], sizes = [1, 1000], strides = [1, 1]} : vector<200x1000xf32> to vector<1x1000xf32>
    %squeeze3A_1275 = vector.shape_cast %slice3A_1274 : vector<1x1000xf32> to vector<1000xf32>
    %swap3A_1276 = arith.constant 154624 : index
    %swap3A_1277 = vector.load %arg9[%swap3A_1276] : memref<204800xf32, #tpu.memory_space<vmem>>, vector<1000xf32>
    tpu.vector_store %arg9[%swap3A_1276], %squeeze3A_1275 {strides = array<i32>} : memref<204800xf32, #tpu.memory_space<vmem>>, vector<1000xf32>,
    %slice3A_1278 = vector.extract_strided_slice %add3A_61 {offsets = [152, 0], sizes = [1, 1000], strides = [1, 1]} : vector<200x1000xf32> to vector<1x1000xf32>
    %squeeze3A_1279 = vector.shape_cast %slice3A_1278 : vector<1x1000xf32> to vector<1000xf32>
    %swap3A_1280 = arith.constant 155648 : index
    %swap3A_1281 = vector.load %arg8[%swap3A_1280] : memref<204800xf32, #tpu.memory_space<vmem>>, vector<1000xf32>
    tpu.vector_store %arg8[%swap3A_1280], %squeeze3A_1279 {strides = array<i32>} : memref<204800xf32, #tpu.memory_space<vmem>>, vector<1000xf32>,
    %slice3A_1282 = vector.extract_strided_slice %sub3A_63 {offsets = [152, 0], sizes = [1, 1000], strides = [1, 1]} : vector<200x1000xf32> to vector<1x1000xf32>
    %squeeze3A_1283 = vector.shape_cast %slice3A_1282 : vector<1x1000xf32> to vector<1000xf32>
    %swap3A_1284 = arith.constant 155648 : index
    %swap3A_1285 = vector.load %arg9[%swap3A_1284] : memref<204800xf32, #tpu.memory_space<vmem>>, vector<1000xf32>
    tpu.vector_store %arg9[%swap3A_1284], %squeeze3A_1283 {strides = array<i32>} : memref<204800xf32, #tpu.memory_space<vmem>>, vector<1000xf32>,
    %slice3A_1286 = vector.extract_strided_slice %add3A_61 {offsets = [153, 0], sizes = [1, 1000], strides = [1, 1]} : vector<200x1000xf32> to vector<1x1000xf32>
    %squeeze3A_1287 = vector.shape_cast %slice3A_1286 : vector<1x1000xf32> to vector<1000xf32>
    %swap3A_1288 = arith.constant 156672 : index
    %swap3A_1289 = vector.load %arg8[%swap3A_1288] : memref<204800xf32, #tpu.memory_space<vmem>>, vector<1000xf32>
    tpu.vector_store %arg8[%swap3A_1288], %squeeze3A_1287 {strides = array<i32>} : memref<204800xf32, #tpu.memory_space<vmem>>, vector<1000xf32>,
    %slice3A_1290 = vector.extract_strided_slice %sub3A_63 {offsets = [153, 0], sizes = [1, 1000], strides = [1, 1]} : vector<200x1000xf32> to vector<1x1000xf32>
    %squeeze3A_1291 = vector.shape_cast %slice3A_1290 : vector<1x1000xf32> to vector<1000xf32>
    %swap3A_1292 = arith.constant 156672 : index
    %swap3A_1293 = vector.load %arg9[%swap3A_1292] : memref<204800xf32, #tpu.memory_space<vmem>>, vector<1000xf32>
    tpu.vector_store %arg9[%swap3A_1292], %squeeze3A_1291 {strides = array<i32>} : memref<204800xf32, #tpu.memory_space<vmem>>, vector<1000xf32>,
    %slice3A_1294 = vector.extract_strided_slice %add3A_61 {offsets = [154, 0], sizes = [1, 1000], strides = [1, 1]} : vector<200x1000xf32> to vector<1x1000xf32>
    %squeeze3A_1295 = vector.shape_cast %slice3A_1294 : vector<1x1000xf32> to vector<1000xf32>
    %swap3A_1296 = arith.constant 157696 : index
    %swap3A_1297 = vector.load %arg8[%swap3A_1296] : memref<204800xf32, #tpu.memory_space<vmem>>, vector<1000xf32>
    tpu.vector_store %arg8[%swap3A_1296], %squeeze3A_1295 {strides = array<i32>} : memref<204800xf32, #tpu.memory_space<vmem>>, vector<1000xf32>,
    %slice3A_1298 = vector.extract_strided_slice %sub3A_63 {offsets = [154, 0], sizes = [1, 1000], strides = [1, 1]} : vector<200x1000xf32> to vector<1x1000xf32>
    %squeeze3A_1299 = vector.shape_cast %slice3A_1298 : vector<1x1000xf32> to vector<1000xf32>
    %swap3A_1300 = arith.constant 157696 : index
    %swap3A_1301 = vector.load %arg9[%swap3A_1300] : memref<204800xf32, #tpu.memory_space<vmem>>, vector<1000xf32>
    tpu.vector_store %arg9[%swap3A_1300], %squeeze3A_1299 {strides = array<i32>} : memref<204800xf32, #tpu.memory_space<vmem>>, vector<1000xf32>,
    %slice3A_1302 = vector.extract_strided_slice %add3A_61 {offsets = [155, 0], sizes = [1, 1000], strides = [1, 1]} : vector<200x1000xf32> to vector<1x1000xf32>
    %squeeze3A_1303 = vector.shape_cast %slice3A_1302 : vector<1x1000xf32> to vector<1000xf32>
    %swap3A_1304 = arith.constant 158720 : index
    %swap3A_1305 = vector.load %arg8[%swap3A_1304] : memref<204800xf32, #tpu.memory_space<vmem>>, vector<1000xf32>
    tpu.vector_store %arg8[%swap3A_1304], %squeeze3A_1303 {strides = array<i32>} : memref<204800xf32, #tpu.memory_space<vmem>>, vector<1000xf32>,
    %slice3A_1306 = vector.extract_strided_slice %sub3A_63 {offsets = [155, 0], sizes = [1, 1000], strides = [1, 1]} : vector<200x1000xf32> to vector<1x1000xf32>
    %squeeze3A_1307 = vector.shape_cast %slice3A_1306 : vector<1x1000xf32> to vector<1000xf32>
    %swap3A_1308 = arith.constant 158720 : index
    %swap3A_1309 = vector.load %arg9[%swap3A_1308] : memref<204800xf32, #tpu.memory_space<vmem>>, vector<1000xf32>
    tpu.vector_store %arg9[%swap3A_1308], %squeeze3A_1307 {strides = array<i32>} : memref<204800xf32, #tpu.memory_space<vmem>>, vector<1000xf32>,
    %slice3A_1310 = vector.extract_strided_slice %add3A_61 {offsets = [156, 0], sizes = [1, 1000], strides = [1, 1]} : vector<200x1000xf32> to vector<1x1000xf32>
    %squeeze3A_1311 = vector.shape_cast %slice3A_1310 : vector<1x1000xf32> to vector<1000xf32>
    %swap3A_1312 = arith.constant 159744 : index
    %swap3A_1313 = vector.load %arg8[%swap3A_1312] : memref<204800xf32, #tpu.memory_space<vmem>>, vector<1000xf32>
    tpu.vector_store %arg8[%swap3A_1312], %squeeze3A_1311 {strides = array<i32>} : memref<204800xf32, #tpu.memory_space<vmem>>, vector<1000xf32>,
    %slice3A_1314 = vector.extract_strided_slice %sub3A_63 {offsets = [156, 0], sizes = [1, 1000], strides = [1, 1]} : vector<200x1000xf32> to vector<1x1000xf32>
    %squeeze3A_1315 = vector.shape_cast %slice3A_1314 : vector<1x1000xf32> to vector<1000xf32>
    %swap3A_1316 = arith.constant 159744 : index
    %swap3A_1317 = vector.load %arg9[%swap3A_1316] : memref<204800xf32, #tpu.memory_space<vmem>>, vector<1000xf32>
    tpu.vector_store %arg9[%swap3A_1316], %squeeze3A_1315 {strides = array<i32>} : memref<204800xf32, #tpu.memory_space<vmem>>, vector<1000xf32>,
    %slice3A_1318 = vector.extract_strided_slice %add3A_61 {offsets = [157, 0], sizes = [1, 1000], strides = [1, 1]} : vector<200x1000xf32> to vector<1x1000xf32>
    %squeeze3A_1319 = vector.shape_cast %slice3A_1318 : vector<1x1000xf32> to vector<1000xf32>
    %swap3A_1320 = arith.constant 160768 : index
    %swap3A_1321 = vector.load %arg8[%swap3A_1320] : memref<204800xf32, #tpu.memory_space<vmem>>, vector<1000xf32>
    tpu.vector_store %arg8[%swap3A_1320], %squeeze3A_1319 {strides = array<i32>} : memref<204800xf32, #tpu.memory_space<vmem>>, vector<1000xf32>,
    %slice3A_1322 = vector.extract_strided_slice %sub3A_63 {offsets = [157, 0], sizes = [1, 1000], strides = [1, 1]} : vector<200x1000xf32> to vector<1x1000xf32>
    %squeeze3A_1323 = vector.shape_cast %slice3A_1322 : vector<1x1000xf32> to vector<1000xf32>
    %swap3A_1324 = arith.constant 160768 : index
    %swap3A_1325 = vector.load %arg9[%swap3A_1324] : memref<204800xf32, #tpu.memory_space<vmem>>, vector<1000xf32>
    tpu.vector_store %arg9[%swap3A_1324], %squeeze3A_1323 {strides = array<i32>} : memref<204800xf32, #tpu.memory_space<vmem>>, vector<1000xf32>,
    %slice3A_1326 = vector.extract_strided_slice %add3A_61 {offsets = [158, 0], sizes = [1, 1000], strides = [1, 1]} : vector<200x1000xf32> to vector<1x1000xf32>
    %squeeze3A_1327 = vector.shape_cast %slice3A_1326 : vector<1x1000xf32> to vector<1000xf32>
    %swap3A_1328 = arith.constant 161792 : index
    %swap3A_1329 = vector.load %arg8[%swap3A_1328] : memref<204800xf32, #tpu.memory_space<vmem>>, vector<1000xf32>
    tpu.vector_store %arg8[%swap3A_1328], %squeeze3A_1327 {strides = array<i32>} : memref<204800xf32, #tpu.memory_space<vmem>>, vector<1000xf32>,
    %slice3A_1330 = vector.extract_strided_slice %sub3A_63 {offsets = [158, 0], sizes = [1, 1000], strides = [1, 1]} : vector<200x1000xf32> to vector<1x1000xf32>
    %squeeze3A_1331 = vector.shape_cast %slice3A_1330 : vector<1x1000xf32> to vector<1000xf32>
    %swap3A_1332 = arith.constant 161792 : index
    %swap3A_1333 = vector.load %arg9[%swap3A_1332] : memref<204800xf32, #tpu.memory_space<vmem>>, vector<1000xf32>
    tpu.vector_store %arg9[%swap3A_1332], %squeeze3A_1331 {strides = array<i32>} : memref<204800xf32, #tpu.memory_space<vmem>>, vector<1000xf32>,
    %slice3A_1334 = vector.extract_strided_slice %add3A_61 {offsets = [159, 0], sizes = [1, 1000], strides = [1, 1]} : vector<200x1000xf32> to vector<1x1000xf32>
    %squeeze3A_1335 = vector.shape_cast %slice3A_1334 : vector<1x1000xf32> to vector<1000xf32>
    %swap3A_1336 = arith.constant 162816 : index
    %swap3A_1337 = vector.load %arg8[%swap3A_1336] : memref<204800xf32, #tpu.memory_space<vmem>>, vector<1000xf32>
    tpu.vector_store %arg8[%swap3A_1336], %squeeze3A_1335 {strides = array<i32>} : memref<204800xf32, #tpu.memory_space<vmem>>, vector<1000xf32>,
    %slice3A_1338 = vector.extract_strided_slice %sub3A_63 {offsets = [159, 0], sizes = [1, 1000], strides = [1, 1]} : vector<200x1000xf32> to vector<1x1000xf32>
    %squeeze3A_1339 = vector.shape_cast %slice3A_1338 : vector<1x1000xf32> to vector<1000xf32>
    %swap3A_1340 = arith.constant 162816 : index
    %swap3A_1341 = vector.load %arg9[%swap3A_1340] : memref<204800xf32, #tpu.memory_space<vmem>>, vector<1000xf32>
    tpu.vector_store %arg9[%swap3A_1340], %squeeze3A_1339 {strides = array<i32>} : memref<204800xf32, #tpu.memory_space<vmem>>, vector<1000xf32>,
    %slice3A_1342 = vector.extract_strided_slice %add3A_61 {offsets = [160, 0], sizes = [1, 1000], strides = [1, 1]} : vector<200x1000xf32> to vector<1x1000xf32>
    %squeeze3A_1343 = vector.shape_cast %slice3A_1342 : vector<1x1000xf32> to vector<1000xf32>
    %swap3A_1344 = arith.constant 163840 : index
    %swap3A_1345 = vector.load %arg8[%swap3A_1344] : memref<204800xf32, #tpu.memory_space<vmem>>, vector<1000xf32>
    tpu.vector_store %arg8[%swap3A_1344], %squeeze3A_1343 {strides = array<i32>} : memref<204800xf32, #tpu.memory_space<vmem>>, vector<1000xf32>,
    %slice3A_1346 = vector.extract_strided_slice %sub3A_63 {offsets = [160, 0], sizes = [1, 1000], strides = [1, 1]} : vector<200x1000xf32> to vector<1x1000xf32>
    %squeeze3A_1347 = vector.shape_cast %slice3A_1346 : vector<1x1000xf32> to vector<1000xf32>
    %swap3A_1348 = arith.constant 163840 : index
    %swap3A_1349 = vector.load %arg9[%swap3A_1348] : memref<204800xf32, #tpu.memory_space<vmem>>, vector<1000xf32>
    tpu.vector_store %arg9[%swap3A_1348], %squeeze3A_1347 {strides = array<i32>} : memref<204800xf32, #tpu.memory_space<vmem>>, vector<1000xf32>,
    %slice3A_1350 = vector.extract_strided_slice %add3A_61 {offsets = [161, 0], sizes = [1, 1000], strides = [1, 1]} : vector<200x1000xf32> to vector<1x1000xf32>
    %squeeze3A_1351 = vector.shape_cast %slice3A_1350 : vector<1x1000xf32> to vector<1000xf32>
    %swap3A_1352 = arith.constant 164864 : index
    %swap3A_1353 = vector.load %arg8[%swap3A_1352] : memref<204800xf32, #tpu.memory_space<vmem>>, vector<1000xf32>
    tpu.vector_store %arg8[%swap3A_1352], %squeeze3A_1351 {strides = array<i32>} : memref<204800xf32, #tpu.memory_space<vmem>>, vector<1000xf32>,
    %slice3A_1354 = vector.extract_strided_slice %sub3A_63 {offsets = [161, 0], sizes = [1, 1000], strides = [1, 1]} : vector<200x1000xf32> to vector<1x1000xf32>
    %squeeze3A_1355 = vector.shape_cast %slice3A_1354 : vector<1x1000xf32> to vector<1000xf32>
    %swap3A_1356 = arith.constant 164864 : index
    %swap3A_1357 = vector.load %arg9[%swap3A_1356] : memref<204800xf32, #tpu.memory_space<vmem>>, vector<1000xf32>
    tpu.vector_store %arg9[%swap3A_1356], %squeeze3A_1355 {strides = array<i32>} : memref<204800xf32, #tpu.memory_space<vmem>>, vector<1000xf32>,
    %slice3A_1358 = vector.extract_strided_slice %add3A_61 {offsets = [162, 0], sizes = [1, 1000], strides = [1, 1]} : vector<200x1000xf32> to vector<1x1000xf32>
    %squeeze3A_1359 = vector.shape_cast %slice3A_1358 : vector<1x1000xf32> to vector<1000xf32>
    %swap3A_1360 = arith.constant 165888 : index
    %swap3A_1361 = vector.load %arg8[%swap3A_1360] : memref<204800xf32, #tpu.memory_space<vmem>>, vector<1000xf32>
    tpu.vector_store %arg8[%swap3A_1360], %squeeze3A_1359 {strides = array<i32>} : memref<204800xf32, #tpu.memory_space<vmem>>, vector<1000xf32>,
    %slice3A_1362 = vector.extract_strided_slice %sub3A_63 {offsets = [162, 0], sizes = [1, 1000], strides = [1, 1]} : vector<200x1000xf32> to vector<1x1000xf32>
    %squeeze3A_1363 = vector.shape_cast %slice3A_1362 : vector<1x1000xf32> to vector<1000xf32>
    %swap3A_1364 = arith.constant 165888 : index
    %swap3A_1365 = vector.load %arg9[%swap3A_1364] : memref<204800xf32, #tpu.memory_space<vmem>>, vector<1000xf32>
    tpu.vector_store %arg9[%swap3A_1364], %squeeze3A_1363 {strides = array<i32>} : memref<204800xf32, #tpu.memory_space<vmem>>, vector<1000xf32>,
    %slice3A_1366 = vector.extract_strided_slice %add3A_61 {offsets = [163, 0], sizes = [1, 1000], strides = [1, 1]} : vector<200x1000xf32> to vector<1x1000xf32>
    %squeeze3A_1367 = vector.shape_cast %slice3A_1366 : vector<1x1000xf32> to vector<1000xf32>
    %swap3A_1368 = arith.constant 166912 : index
    %swap3A_1369 = vector.load %arg8[%swap3A_1368] : memref<204800xf32, #tpu.memory_space<vmem>>, vector<1000xf32>
    tpu.vector_store %arg8[%swap3A_1368], %squeeze3A_1367 {strides = array<i32>} : memref<204800xf32, #tpu.memory_space<vmem>>, vector<1000xf32>,
    %slice3A_1370 = vector.extract_strided_slice %sub3A_63 {offsets = [163, 0], sizes = [1, 1000], strides = [1, 1]} : vector<200x1000xf32> to vector<1x1000xf32>
    %squeeze3A_1371 = vector.shape_cast %slice3A_1370 : vector<1x1000xf32> to vector<1000xf32>
    %swap3A_1372 = arith.constant 166912 : index
    %swap3A_1373 = vector.load %arg9[%swap3A_1372] : memref<204800xf32, #tpu.memory_space<vmem>>, vector<1000xf32>
    tpu.vector_store %arg9[%swap3A_1372], %squeeze3A_1371 {strides = array<i32>} : memref<204800xf32, #tpu.memory_space<vmem>>, vector<1000xf32>,
    %slice3A_1374 = vector.extract_strided_slice %add3A_61 {offsets = [164, 0], sizes = [1, 1000], strides = [1, 1]} : vector<200x1000xf32> to vector<1x1000xf32>
    %squeeze3A_1375 = vector.shape_cast %slice3A_1374 : vector<1x1000xf32> to vector<1000xf32>
    %swap3A_1376 = arith.constant 167936 : index
    %swap3A_1377 = vector.load %arg8[%swap3A_1376] : memref<204800xf32, #tpu.memory_space<vmem>>, vector<1000xf32>
    tpu.vector_store %arg8[%swap3A_1376], %squeeze3A_1375 {strides = array<i32>} : memref<204800xf32, #tpu.memory_space<vmem>>, vector<1000xf32>,
    %slice3A_1378 = vector.extract_strided_slice %sub3A_63 {offsets = [164, 0], sizes = [1, 1000], strides = [1, 1]} : vector<200x1000xf32> to vector<1x1000xf32>
    %squeeze3A_1379 = vector.shape_cast %slice3A_1378 : vector<1x1000xf32> to vector<1000xf32>
    %swap3A_1380 = arith.constant 167936 : index
    %swap3A_1381 = vector.load %arg9[%swap3A_1380] : memref<204800xf32, #tpu.memory_space<vmem>>, vector<1000xf32>
    tpu.vector_store %arg9[%swap3A_1380], %squeeze3A_1379 {strides = array<i32>} : memref<204800xf32, #tpu.memory_space<vmem>>, vector<1000xf32>,
    %slice3A_1382 = vector.extract_strided_slice %add3A_61 {offsets = [165, 0], sizes = [1, 1000], strides = [1, 1]} : vector<200x1000xf32> to vector<1x1000xf32>
    %squeeze3A_1383 = vector.shape_cast %slice3A_1382 : vector<1x1000xf32> to vector<1000xf32>
    %swap3A_1384 = arith.constant 168960 : index
    %swap3A_1385 = vector.load %arg8[%swap3A_1384] : memref<204800xf32, #tpu.memory_space<vmem>>, vector<1000xf32>
    tpu.vector_store %arg8[%swap3A_1384], %squeeze3A_1383 {strides = array<i32>} : memref<204800xf32, #tpu.memory_space<vmem>>, vector<1000xf32>,
    %slice3A_1386 = vector.extract_strided_slice %sub3A_63 {offsets = [165, 0], sizes = [1, 1000], strides = [1, 1]} : vector<200x1000xf32> to vector<1x1000xf32>
    %squeeze3A_1387 = vector.shape_cast %slice3A_1386 : vector<1x1000xf32> to vector<1000xf32>
    %swap3A_1388 = arith.constant 168960 : index
    %swap3A_1389 = vector.load %arg9[%swap3A_1388] : memref<204800xf32, #tpu.memory_space<vmem>>, vector<1000xf32>
    tpu.vector_store %arg9[%swap3A_1388], %squeeze3A_1387 {strides = array<i32>} : memref<204800xf32, #tpu.memory_space<vmem>>, vector<1000xf32>,
    %slice3A_1390 = vector.extract_strided_slice %add3A_61 {offsets = [166, 0], sizes = [1, 1000], strides = [1, 1]} : vector<200x1000xf32> to vector<1x1000xf32>
    %squeeze3A_1391 = vector.shape_cast %slice3A_1390 : vector<1x1000xf32> to vector<1000xf32>
    %swap3A_1392 = arith.constant 169984 : index
    %swap3A_1393 = vector.load %arg8[%swap3A_1392] : memref<204800xf32, #tpu.memory_space<vmem>>, vector<1000xf32>
    tpu.vector_store %arg8[%swap3A_1392], %squeeze3A_1391 {strides = array<i32>} : memref<204800xf32, #tpu.memory_space<vmem>>, vector<1000xf32>,
    %slice3A_1394 = vector.extract_strided_slice %sub3A_63 {offsets = [166, 0], sizes = [1, 1000], strides = [1, 1]} : vector<200x1000xf32> to vector<1x1000xf32>
    %squeeze3A_1395 = vector.shape_cast %slice3A_1394 : vector<1x1000xf32> to vector<1000xf32>
    %swap3A_1396 = arith.constant 169984 : index
    %swap3A_1397 = vector.load %arg9[%swap3A_1396] : memref<204800xf32, #tpu.memory_space<vmem>>, vector<1000xf32>
    tpu.vector_store %arg9[%swap3A_1396], %squeeze3A_1395 {strides = array<i32>} : memref<204800xf32, #tpu.memory_space<vmem>>, vector<1000xf32>,
    %slice3A_1398 = vector.extract_strided_slice %add3A_61 {offsets = [167, 0], sizes = [1, 1000], strides = [1, 1]} : vector<200x1000xf32> to vector<1x1000xf32>
    %squeeze3A_1399 = vector.shape_cast %slice3A_1398 : vector<1x1000xf32> to vector<1000xf32>
    %swap3A_1400 = arith.constant 171008 : index
    %swap3A_1401 = vector.load %arg8[%swap3A_1400] : memref<204800xf32, #tpu.memory_space<vmem>>, vector<1000xf32>
    tpu.vector_store %arg8[%swap3A_1400], %squeeze3A_1399 {strides = array<i32>} : memref<204800xf32, #tpu.memory_space<vmem>>, vector<1000xf32>,
    %slice3A_1402 = vector.extract_strided_slice %sub3A_63 {offsets = [167, 0], sizes = [1, 1000], strides = [1, 1]} : vector<200x1000xf32> to vector<1x1000xf32>
    %squeeze3A_1403 = vector.shape_cast %slice3A_1402 : vector<1x1000xf32> to vector<1000xf32>
    %swap3A_1404 = arith.constant 171008 : index
    %swap3A_1405 = vector.load %arg9[%swap3A_1404] : memref<204800xf32, #tpu.memory_space<vmem>>, vector<1000xf32>
    tpu.vector_store %arg9[%swap3A_1404], %squeeze3A_1403 {strides = array<i32>} : memref<204800xf32, #tpu.memory_space<vmem>>, vector<1000xf32>,
    %slice3A_1406 = vector.extract_strided_slice %add3A_61 {offsets = [168, 0], sizes = [1, 1000], strides = [1, 1]} : vector<200x1000xf32> to vector<1x1000xf32>
    %squeeze3A_1407 = vector.shape_cast %slice3A_1406 : vector<1x1000xf32> to vector<1000xf32>
    %swap3A_1408 = arith.constant 172032 : index
    %swap3A_1409 = vector.load %arg8[%swap3A_1408] : memref<204800xf32, #tpu.memory_space<vmem>>, vector<1000xf32>
    tpu.vector_store %arg8[%swap3A_1408], %squeeze3A_1407 {strides = array<i32>} : memref<204800xf32, #tpu.memory_space<vmem>>, vector<1000xf32>,
    %slice3A_1410 = vector.extract_strided_slice %sub3A_63 {offsets = [168, 0], sizes = [1, 1000], strides = [1, 1]} : vector<200x1000xf32> to vector<1x1000xf32>
    %squeeze3A_1411 = vector.shape_cast %slice3A_1410 : vector<1x1000xf32> to vector<1000xf32>
    %swap3A_1412 = arith.constant 172032 : index
    %swap3A_1413 = vector.load %arg9[%swap3A_1412] : memref<204800xf32, #tpu.memory_space<vmem>>, vector<1000xf32>
    tpu.vector_store %arg9[%swap3A_1412], %squeeze3A_1411 {strides = array<i32>} : memref<204800xf32, #tpu.memory_space<vmem>>, vector<1000xf32>,
    %slice3A_1414 = vector.extract_strided_slice %add3A_61 {offsets = [169, 0], sizes = [1, 1000], strides = [1, 1]} : vector<200x1000xf32> to vector<1x1000xf32>
    %squeeze3A_1415 = vector.shape_cast %slice3A_1414 : vector<1x1000xf32> to vector<1000xf32>
    %swap3A_1416 = arith.constant 173056 : index
    %swap3A_1417 = vector.load %arg8[%swap3A_1416] : memref<204800xf32, #tpu.memory_space<vmem>>, vector<1000xf32>
    tpu.vector_store %arg8[%swap3A_1416], %squeeze3A_1415 {strides = array<i32>} : memref<204800xf32, #tpu.memory_space<vmem>>, vector<1000xf32>,
    %slice3A_1418 = vector.extract_strided_slice %sub3A_63 {offsets = [169, 0], sizes = [1, 1000], strides = [1, 1]} : vector<200x1000xf32> to vector<1x1000xf32>
    %squeeze3A_1419 = vector.shape_cast %slice3A_1418 : vector<1x1000xf32> to vector<1000xf32>
    %swap3A_1420 = arith.constant 173056 : index
    %swap3A_1421 = vector.load %arg9[%swap3A_1420] : memref<204800xf32, #tpu.memory_space<vmem>>, vector<1000xf32>
    tpu.vector_store %arg9[%swap3A_1420], %squeeze3A_1419 {strides = array<i32>} : memref<204800xf32, #tpu.memory_space<vmem>>, vector<1000xf32>,
    %slice3A_1422 = vector.extract_strided_slice %add3A_61 {offsets = [170, 0], sizes = [1, 1000], strides = [1, 1]} : vector<200x1000xf32> to vector<1x1000xf32>
    %squeeze3A_1423 = vector.shape_cast %slice3A_1422 : vector<1x1000xf32> to vector<1000xf32>
    %swap3A_1424 = arith.constant 174080 : index
    %swap3A_1425 = vector.load %arg8[%swap3A_1424] : memref<204800xf32, #tpu.memory_space<vmem>>, vector<1000xf32>
    tpu.vector_store %arg8[%swap3A_1424], %squeeze3A_1423 {strides = array<i32>} : memref<204800xf32, #tpu.memory_space<vmem>>, vector<1000xf32>,
    %slice3A_1426 = vector.extract_strided_slice %sub3A_63 {offsets = [170, 0], sizes = [1, 1000], strides = [1, 1]} : vector<200x1000xf32> to vector<1x1000xf32>
    %squeeze3A_1427 = vector.shape_cast %slice3A_1426 : vector<1x1000xf32> to vector<1000xf32>
    %swap3A_1428 = arith.constant 174080 : index
    %swap3A_1429 = vector.load %arg9[%swap3A_1428] : memref<204800xf32, #tpu.memory_space<vmem>>, vector<1000xf32>
    tpu.vector_store %arg9[%swap3A_1428], %squeeze3A_1427 {strides = array<i32>} : memref<204800xf32, #tpu.memory_space<vmem>>, vector<1000xf32>,
    %slice3A_1430 = vector.extract_strided_slice %add3A_61 {offsets = [171, 0], sizes = [1, 1000], strides = [1, 1]} : vector<200x1000xf32> to vector<1x1000xf32>
    %squeeze3A_1431 = vector.shape_cast %slice3A_1430 : vector<1x1000xf32> to vector<1000xf32>
    %swap3A_1432 = arith.constant 175104 : index
    %swap3A_1433 = vector.load %arg8[%swap3A_1432] : memref<204800xf32, #tpu.memory_space<vmem>>, vector<1000xf32>
    tpu.vector_store %arg8[%swap3A_1432], %squeeze3A_1431 {strides = array<i32>} : memref<204800xf32, #tpu.memory_space<vmem>>, vector<1000xf32>,
    %slice3A_1434 = vector.extract_strided_slice %sub3A_63 {offsets = [171, 0], sizes = [1, 1000], strides = [1, 1]} : vector<200x1000xf32> to vector<1x1000xf32>
    %squeeze3A_1435 = vector.shape_cast %slice3A_1434 : vector<1x1000xf32> to vector<1000xf32>
    %swap3A_1436 = arith.constant 175104 : index
    %swap3A_1437 = vector.load %arg9[%swap3A_1436] : memref<204800xf32, #tpu.memory_space<vmem>>, vector<1000xf32>
    tpu.vector_store %arg9[%swap3A_1436], %squeeze3A_1435 {strides = array<i32>} : memref<204800xf32, #tpu.memory_space<vmem>>, vector<1000xf32>,
    %slice3A_1438 = vector.extract_strided_slice %add3A_61 {offsets = [172, 0], sizes = [1, 1000], strides = [1, 1]} : vector<200x1000xf32> to vector<1x1000xf32>
    %squeeze3A_1439 = vector.shape_cast %slice3A_1438 : vector<1x1000xf32> to vector<1000xf32>
    %swap3A_1440 = arith.constant 176128 : index
    %swap3A_1441 = vector.load %arg8[%swap3A_1440] : memref<204800xf32, #tpu.memory_space<vmem>>, vector<1000xf32>
    tpu.vector_store %arg8[%swap3A_1440], %squeeze3A_1439 {strides = array<i32>} : memref<204800xf32, #tpu.memory_space<vmem>>, vector<1000xf32>,
    %slice3A_1442 = vector.extract_strided_slice %sub3A_63 {offsets = [172, 0], sizes = [1, 1000], strides = [1, 1]} : vector<200x1000xf32> to vector<1x1000xf32>
    %squeeze3A_1443 = vector.shape_cast %slice3A_1442 : vector<1x1000xf32> to vector<1000xf32>
    %swap3A_1444 = arith.constant 176128 : index
    %swap3A_1445 = vector.load %arg9[%swap3A_1444] : memref<204800xf32, #tpu.memory_space<vmem>>, vector<1000xf32>
    tpu.vector_store %arg9[%swap3A_1444], %squeeze3A_1443 {strides = array<i32>} : memref<204800xf32, #tpu.memory_space<vmem>>, vector<1000xf32>,
    %slice3A_1446 = vector.extract_strided_slice %add3A_61 {offsets = [173, 0], sizes = [1, 1000], strides = [1, 1]} : vector<200x1000xf32> to vector<1x1000xf32>
    %squeeze3A_1447 = vector.shape_cast %slice3A_1446 : vector<1x1000xf32> to vector<1000xf32>
    %swap3A_1448 = arith.constant 177152 : index
    %swap3A_1449 = vector.load %arg8[%swap3A_1448] : memref<204800xf32, #tpu.memory_space<vmem>>, vector<1000xf32>
    tpu.vector_store %arg8[%swap3A_1448], %squeeze3A_1447 {strides = array<i32>} : memref<204800xf32, #tpu.memory_space<vmem>>, vector<1000xf32>,
    %slice3A_1450 = vector.extract_strided_slice %sub3A_63 {offsets = [173, 0], sizes = [1, 1000], strides = [1, 1]} : vector<200x1000xf32> to vector<1x1000xf32>
    %squeeze3A_1451 = vector.shape_cast %slice3A_1450 : vector<1x1000xf32> to vector<1000xf32>
    %swap3A_1452 = arith.constant 177152 : index
    %swap3A_1453 = vector.load %arg9[%swap3A_1452] : memref<204800xf32, #tpu.memory_space<vmem>>, vector<1000xf32>
    tpu.vector_store %arg9[%swap3A_1452], %squeeze3A_1451 {strides = array<i32>} : memref<204800xf32, #tpu.memory_space<vmem>>, vector<1000xf32>,
    %slice3A_1454 = vector.extract_strided_slice %add3A_61 {offsets = [174, 0], sizes = [1, 1000], strides = [1, 1]} : vector<200x1000xf32> to vector<1x1000xf32>
    %squeeze3A_1455 = vector.shape_cast %slice3A_1454 : vector<1x1000xf32> to vector<1000xf32>
    %swap3A_1456 = arith.constant 178176 : index
    %swap3A_1457 = vector.load %arg8[%swap3A_1456] : memref<204800xf32, #tpu.memory_space<vmem>>, vector<1000xf32>
    tpu.vector_store %arg8[%swap3A_1456], %squeeze3A_1455 {strides = array<i32>} : memref<204800xf32, #tpu.memory_space<vmem>>, vector<1000xf32>,
    %slice3A_1458 = vector.extract_strided_slice %sub3A_63 {offsets = [174, 0], sizes = [1, 1000], strides = [1, 1]} : vector<200x1000xf32> to vector<1x1000xf32>
    %squeeze3A_1459 = vector.shape_cast %slice3A_1458 : vector<1x1000xf32> to vector<1000xf32>
    %swap3A_1460 = arith.constant 178176 : index
    %swap3A_1461 = vector.load %arg9[%swap3A_1460] : memref<204800xf32, #tpu.memory_space<vmem>>, vector<1000xf32>
    tpu.vector_store %arg9[%swap3A_1460], %squeeze3A_1459 {strides = array<i32>} : memref<204800xf32, #tpu.memory_space<vmem>>, vector<1000xf32>,
    %slice3A_1462 = vector.extract_strided_slice %add3A_61 {offsets = [175, 0], sizes = [1, 1000], strides = [1, 1]} : vector<200x1000xf32> to vector<1x1000xf32>
    %squeeze3A_1463 = vector.shape_cast %slice3A_1462 : vector<1x1000xf32> to vector<1000xf32>
    %swap3A_1464 = arith.constant 179200 : index
    %swap3A_1465 = vector.load %arg8[%swap3A_1464] : memref<204800xf32, #tpu.memory_space<vmem>>, vector<1000xf32>
    tpu.vector_store %arg8[%swap3A_1464], %squeeze3A_1463 {strides = array<i32>} : memref<204800xf32, #tpu.memory_space<vmem>>, vector<1000xf32>,
    %slice3A_1466 = vector.extract_strided_slice %sub3A_63 {offsets = [175, 0], sizes = [1, 1000], strides = [1, 1]} : vector<200x1000xf32> to vector<1x1000xf32>
    %squeeze3A_1467 = vector.shape_cast %slice3A_1466 : vector<1x1000xf32> to vector<1000xf32>
    %swap3A_1468 = arith.constant 179200 : index
    %swap3A_1469 = vector.load %arg9[%swap3A_1468] : memref<204800xf32, #tpu.memory_space<vmem>>, vector<1000xf32>
    tpu.vector_store %arg9[%swap3A_1468], %squeeze3A_1467 {strides = array<i32>} : memref<204800xf32, #tpu.memory_space<vmem>>, vector<1000xf32>,
    %slice3A_1470 = vector.extract_strided_slice %add3A_61 {offsets = [176, 0], sizes = [1, 1000], strides = [1, 1]} : vector<200x1000xf32> to vector<1x1000xf32>
    %squeeze3A_1471 = vector.shape_cast %slice3A_1470 : vector<1x1000xf32> to vector<1000xf32>
    %swap3A_1472 = arith.constant 180224 : index
    %swap3A_1473 = vector.load %arg8[%swap3A_1472] : memref<204800xf32, #tpu.memory_space<vmem>>, vector<1000xf32>
    tpu.vector_store %arg8[%swap3A_1472], %squeeze3A_1471 {strides = array<i32>} : memref<204800xf32, #tpu.memory_space<vmem>>, vector<1000xf32>,
    %slice3A_1474 = vector.extract_strided_slice %sub3A_63 {offsets = [176, 0], sizes = [1, 1000], strides = [1, 1]} : vector<200x1000xf32> to vector<1x1000xf32>
    %squeeze3A_1475 = vector.shape_cast %slice3A_1474 : vector<1x1000xf32> to vector<1000xf32>
    %swap3A_1476 = arith.constant 180224 : index
    %swap3A_1477 = vector.load %arg9[%swap3A_1476] : memref<204800xf32, #tpu.memory_space<vmem>>, vector<1000xf32>
    tpu.vector_store %arg9[%swap3A_1476], %squeeze3A_1475 {strides = array<i32>} : memref<204800xf32, #tpu.memory_space<vmem>>, vector<1000xf32>,
    %slice3A_1478 = vector.extract_strided_slice %add3A_61 {offsets = [177, 0], sizes = [1, 1000], strides = [1, 1]} : vector<200x1000xf32> to vector<1x1000xf32>
    %squeeze3A_1479 = vector.shape_cast %slice3A_1478 : vector<1x1000xf32> to vector<1000xf32>
    %swap3A_1480 = arith.constant 181248 : index
    %swap3A_1481 = vector.load %arg8[%swap3A_1480] : memref<204800xf32, #tpu.memory_space<vmem>>, vector<1000xf32>
    tpu.vector_store %arg8[%swap3A_1480], %squeeze3A_1479 {strides = array<i32>} : memref<204800xf32, #tpu.memory_space<vmem>>, vector<1000xf32>,
    %slice3A_1482 = vector.extract_strided_slice %sub3A_63 {offsets = [177, 0], sizes = [1, 1000], strides = [1, 1]} : vector<200x1000xf32> to vector<1x1000xf32>
    %squeeze3A_1483 = vector.shape_cast %slice3A_1482 : vector<1x1000xf32> to vector<1000xf32>
    %swap3A_1484 = arith.constant 181248 : index
    %swap3A_1485 = vector.load %arg9[%swap3A_1484] : memref<204800xf32, #tpu.memory_space<vmem>>, vector<1000xf32>
    tpu.vector_store %arg9[%swap3A_1484], %squeeze3A_1483 {strides = array<i32>} : memref<204800xf32, #tpu.memory_space<vmem>>, vector<1000xf32>,
    %slice3A_1486 = vector.extract_strided_slice %add3A_61 {offsets = [178, 0], sizes = [1, 1000], strides = [1, 1]} : vector<200x1000xf32> to vector<1x1000xf32>
    %squeeze3A_1487 = vector.shape_cast %slice3A_1486 : vector<1x1000xf32> to vector<1000xf32>
    %swap3A_1488 = arith.constant 182272 : index
    %swap3A_1489 = vector.load %arg8[%swap3A_1488] : memref<204800xf32, #tpu.memory_space<vmem>>, vector<1000xf32>
    tpu.vector_store %arg8[%swap3A_1488], %squeeze3A_1487 {strides = array<i32>} : memref<204800xf32, #tpu.memory_space<vmem>>, vector<1000xf32>,
    %slice3A_1490 = vector.extract_strided_slice %sub3A_63 {offsets = [178, 0], sizes = [1, 1000], strides = [1, 1]} : vector<200x1000xf32> to vector<1x1000xf32>
    %squeeze3A_1491 = vector.shape_cast %slice3A_1490 : vector<1x1000xf32> to vector<1000xf32>
    %swap3A_1492 = arith.constant 182272 : index
    %swap3A_1493 = vector.load %arg9[%swap3A_1492] : memref<204800xf32, #tpu.memory_space<vmem>>, vector<1000xf32>
    tpu.vector_store %arg9[%swap3A_1492], %squeeze3A_1491 {strides = array<i32>} : memref<204800xf32, #tpu.memory_space<vmem>>, vector<1000xf32>,
    %slice3A_1494 = vector.extract_strided_slice %add3A_61 {offsets = [179, 0], sizes = [1, 1000], strides = [1, 1]} : vector<200x1000xf32> to vector<1x1000xf32>
    %squeeze3A_1495 = vector.shape_cast %slice3A_1494 : vector<1x1000xf32> to vector<1000xf32>
    %swap3A_1496 = arith.constant 183296 : index
    %swap3A_1497 = vector.load %arg8[%swap3A_1496] : memref<204800xf32, #tpu.memory_space<vmem>>, vector<1000xf32>
    tpu.vector_store %arg8[%swap3A_1496], %squeeze3A_1495 {strides = array<i32>} : memref<204800xf32, #tpu.memory_space<vmem>>, vector<1000xf32>,
    %slice3A_1498 = vector.extract_strided_slice %sub3A_63 {offsets = [179, 0], sizes = [1, 1000], strides = [1, 1]} : vector<200x1000xf32> to vector<1x1000xf32>
    %squeeze3A_1499 = vector.shape_cast %slice3A_1498 : vector<1x1000xf32> to vector<1000xf32>
    %swap3A_1500 = arith.constant 183296 : index
    %swap3A_1501 = vector.load %arg9[%swap3A_1500] : memref<204800xf32, #tpu.memory_space<vmem>>, vector<1000xf32>
    tpu.vector_store %arg9[%swap3A_1500], %squeeze3A_1499 {strides = array<i32>} : memref<204800xf32, #tpu.memory_space<vmem>>, vector<1000xf32>,
    %slice3A_1502 = vector.extract_strided_slice %add3A_61 {offsets = [180, 0], sizes = [1, 1000], strides = [1, 1]} : vector<200x1000xf32> to vector<1x1000xf32>
    %squeeze3A_1503 = vector.shape_cast %slice3A_1502 : vector<1x1000xf32> to vector<1000xf32>
    %swap3A_1504 = arith.constant 184320 : index
    %swap3A_1505 = vector.load %arg8[%swap3A_1504] : memref<204800xf32, #tpu.memory_space<vmem>>, vector<1000xf32>
    tpu.vector_store %arg8[%swap3A_1504], %squeeze3A_1503 {strides = array<i32>} : memref<204800xf32, #tpu.memory_space<vmem>>, vector<1000xf32>,
    %slice3A_1506 = vector.extract_strided_slice %sub3A_63 {offsets = [180, 0], sizes = [1, 1000], strides = [1, 1]} : vector<200x1000xf32> to vector<1x1000xf32>
    %squeeze3A_1507 = vector.shape_cast %slice3A_1506 : vector<1x1000xf32> to vector<1000xf32>
    %swap3A_1508 = arith.constant 184320 : index
    %swap3A_1509 = vector.load %arg9[%swap3A_1508] : memref<204800xf32, #tpu.memory_space<vmem>>, vector<1000xf32>
    tpu.vector_store %arg9[%swap3A_1508], %squeeze3A_1507 {strides = array<i32>} : memref<204800xf32, #tpu.memory_space<vmem>>, vector<1000xf32>,
    %slice3A_1510 = vector.extract_strided_slice %add3A_61 {offsets = [181, 0], sizes = [1, 1000], strides = [1, 1]} : vector<200x1000xf32> to vector<1x1000xf32>
    %squeeze3A_1511 = vector.shape_cast %slice3A_1510 : vector<1x1000xf32> to vector<1000xf32>
    %swap3A_1512 = arith.constant 185344 : index
    %swap3A_1513 = vector.load %arg8[%swap3A_1512] : memref<204800xf32, #tpu.memory_space<vmem>>, vector<1000xf32>
    tpu.vector_store %arg8[%swap3A_1512], %squeeze3A_1511 {strides = array<i32>} : memref<204800xf32, #tpu.memory_space<vmem>>, vector<1000xf32>,
    %slice3A_1514 = vector.extract_strided_slice %sub3A_63 {offsets = [181, 0], sizes = [1, 1000], strides = [1, 1]} : vector<200x1000xf32> to vector<1x1000xf32>
    %squeeze3A_1515 = vector.shape_cast %slice3A_1514 : vector<1x1000xf32> to vector<1000xf32>
    %swap3A_1516 = arith.constant 185344 : index
    %swap3A_1517 = vector.load %arg9[%swap3A_1516] : memref<204800xf32, #tpu.memory_space<vmem>>, vector<1000xf32>
    tpu.vector_store %arg9[%swap3A_1516], %squeeze3A_1515 {strides = array<i32>} : memref<204800xf32, #tpu.memory_space<vmem>>, vector<1000xf32>,
    %slice3A_1518 = vector.extract_strided_slice %add3A_61 {offsets = [182, 0], sizes = [1, 1000], strides = [1, 1]} : vector<200x1000xf32> to vector<1x1000xf32>
    %squeeze3A_1519 = vector.shape_cast %slice3A_1518 : vector<1x1000xf32> to vector<1000xf32>
    %swap3A_1520 = arith.constant 186368 : index
    %swap3A_1521 = vector.load %arg8[%swap3A_1520] : memref<204800xf32, #tpu.memory_space<vmem>>, vector<1000xf32>
    tpu.vector_store %arg8[%swap3A_1520], %squeeze3A_1519 {strides = array<i32>} : memref<204800xf32, #tpu.memory_space<vmem>>, vector<1000xf32>,
    %slice3A_1522 = vector.extract_strided_slice %sub3A_63 {offsets = [182, 0], sizes = [1, 1000], strides = [1, 1]} : vector<200x1000xf32> to vector<1x1000xf32>
    %squeeze3A_1523 = vector.shape_cast %slice3A_1522 : vector<1x1000xf32> to vector<1000xf32>
    %swap3A_1524 = arith.constant 186368 : index
    %swap3A_1525 = vector.load %arg9[%swap3A_1524] : memref<204800xf32, #tpu.memory_space<vmem>>, vector<1000xf32>
    tpu.vector_store %arg9[%swap3A_1524], %squeeze3A_1523 {strides = array<i32>} : memref<204800xf32, #tpu.memory_space<vmem>>, vector<1000xf32>,
    %slice3A_1526 = vector.extract_strided_slice %add3A_61 {offsets = [183, 0], sizes = [1, 1000], strides = [1, 1]} : vector<200x1000xf32> to vector<1x1000xf32>
    %squeeze3A_1527 = vector.shape_cast %slice3A_1526 : vector<1x1000xf32> to vector<1000xf32>
    %swap3A_1528 = arith.constant 187392 : index
    %swap3A_1529 = vector.load %arg8[%swap3A_1528] : memref<204800xf32, #tpu.memory_space<vmem>>, vector<1000xf32>
    tpu.vector_store %arg8[%swap3A_1528], %squeeze3A_1527 {strides = array<i32>} : memref<204800xf32, #tpu.memory_space<vmem>>, vector<1000xf32>,
    %slice3A_1530 = vector.extract_strided_slice %sub3A_63 {offsets = [183, 0], sizes = [1, 1000], strides = [1, 1]} : vector<200x1000xf32> to vector<1x1000xf32>
    %squeeze3A_1531 = vector.shape_cast %slice3A_1530 : vector<1x1000xf32> to vector<1000xf32>
    %swap3A_1532 = arith.constant 187392 : index
    %swap3A_1533 = vector.load %arg9[%swap3A_1532] : memref<204800xf32, #tpu.memory_space<vmem>>, vector<1000xf32>
    tpu.vector_store %arg9[%swap3A_1532], %squeeze3A_1531 {strides = array<i32>} : memref<204800xf32, #tpu.memory_space<vmem>>, vector<1000xf32>,
    %slice3A_1534 = vector.extract_strided_slice %add3A_61 {offsets = [184, 0], sizes = [1, 1000], strides = [1, 1]} : vector<200x1000xf32> to vector<1x1000xf32>
    %squeeze3A_1535 = vector.shape_cast %slice3A_1534 : vector<1x1000xf32> to vector<1000xf32>
    %swap3A_1536 = arith.constant 188416 : index
    %swap3A_1537 = vector.load %arg8[%swap3A_1536] : memref<204800xf32, #tpu.memory_space<vmem>>, vector<1000xf32>
    tpu.vector_store %arg8[%swap3A_1536], %squeeze3A_1535 {strides = array<i32>} : memref<204800xf32, #tpu.memory_space<vmem>>, vector<1000xf32>,
    %slice3A_1538 = vector.extract_strided_slice %sub3A_63 {offsets = [184, 0], sizes = [1, 1000], strides = [1, 1]} : vector<200x1000xf32> to vector<1x1000xf32>
    %squeeze3A_1539 = vector.shape_cast %slice3A_1538 : vector<1x1000xf32> to vector<1000xf32>
    %swap3A_1540 = arith.constant 188416 : index
    %swap3A_1541 = vector.load %arg9[%swap3A_1540] : memref<204800xf32, #tpu.memory_space<vmem>>, vector<1000xf32>
    tpu.vector_store %arg9[%swap3A_1540], %squeeze3A_1539 {strides = array<i32>} : memref<204800xf32, #tpu.memory_space<vmem>>, vector<1000xf32>,
    %slice3A_1542 = vector.extract_strided_slice %add3A_61 {offsets = [185, 0], sizes = [1, 1000], strides = [1, 1]} : vector<200x1000xf32> to vector<1x1000xf32>
    %squeeze3A_1543 = vector.shape_cast %slice3A_1542 : vector<1x1000xf32> to vector<1000xf32>
    %swap3A_1544 = arith.constant 189440 : index
    %swap3A_1545 = vector.load %arg8[%swap3A_1544] : memref<204800xf32, #tpu.memory_space<vmem>>, vector<1000xf32>
    tpu.vector_store %arg8[%swap3A_1544], %squeeze3A_1543 {strides = array<i32>} : memref<204800xf32, #tpu.memory_space<vmem>>, vector<1000xf32>,
    %slice3A_1546 = vector.extract_strided_slice %sub3A_63 {offsets = [185, 0], sizes = [1, 1000], strides = [1, 1]} : vector<200x1000xf32> to vector<1x1000xf32>
    %squeeze3A_1547 = vector.shape_cast %slice3A_1546 : vector<1x1000xf32> to vector<1000xf32>
    %swap3A_1548 = arith.constant 189440 : index
    %swap3A_1549 = vector.load %arg9[%swap3A_1548] : memref<204800xf32, #tpu.memory_space<vmem>>, vector<1000xf32>
    tpu.vector_store %arg9[%swap3A_1548], %squeeze3A_1547 {strides = array<i32>} : memref<204800xf32, #tpu.memory_space<vmem>>, vector<1000xf32>,
    %slice3A_1550 = vector.extract_strided_slice %add3A_61 {offsets = [186, 0], sizes = [1, 1000], strides = [1, 1]} : vector<200x1000xf32> to vector<1x1000xf32>
    %squeeze3A_1551 = vector.shape_cast %slice3A_1550 : vector<1x1000xf32> to vector<1000xf32>
    %swap3A_1552 = arith.constant 190464 : index
    %swap3A_1553 = vector.load %arg8[%swap3A_1552] : memref<204800xf32, #tpu.memory_space<vmem>>, vector<1000xf32>
    tpu.vector_store %arg8[%swap3A_1552], %squeeze3A_1551 {strides = array<i32>} : memref<204800xf32, #tpu.memory_space<vmem>>, vector<1000xf32>,
    %slice3A_1554 = vector.extract_strided_slice %sub3A_63 {offsets = [186, 0], sizes = [1, 1000], strides = [1, 1]} : vector<200x1000xf32> to vector<1x1000xf32>
    %squeeze3A_1555 = vector.shape_cast %slice3A_1554 : vector<1x1000xf32> to vector<1000xf32>
    %swap3A_1556 = arith.constant 190464 : index
    %swap3A_1557 = vector.load %arg9[%swap3A_1556] : memref<204800xf32, #tpu.memory_space<vmem>>, vector<1000xf32>
    tpu.vector_store %arg9[%swap3A_1556], %squeeze3A_1555 {strides = array<i32>} : memref<204800xf32, #tpu.memory_space<vmem>>, vector<1000xf32>,
    %slice3A_1558 = vector.extract_strided_slice %add3A_61 {offsets = [187, 0], sizes = [1, 1000], strides = [1, 1]} : vector<200x1000xf32> to vector<1x1000xf32>
    %squeeze3A_1559 = vector.shape_cast %slice3A_1558 : vector<1x1000xf32> to vector<1000xf32>
    %swap3A_1560 = arith.constant 191488 : index
    %swap3A_1561 = vector.load %arg8[%swap3A_1560] : memref<204800xf32, #tpu.memory_space<vmem>>, vector<1000xf32>
    tpu.vector_store %arg8[%swap3A_1560], %squeeze3A_1559 {strides = array<i32>} : memref<204800xf32, #tpu.memory_space<vmem>>, vector<1000xf32>,
    %slice3A_1562 = vector.extract_strided_slice %sub3A_63 {offsets = [187, 0], sizes = [1, 1000], strides = [1, 1]} : vector<200x1000xf32> to vector<1x1000xf32>
    %squeeze3A_1563 = vector.shape_cast %slice3A_1562 : vector<1x1000xf32> to vector<1000xf32>
    %swap3A_1564 = arith.constant 191488 : index
    %swap3A_1565 = vector.load %arg9[%swap3A_1564] : memref<204800xf32, #tpu.memory_space<vmem>>, vector<1000xf32>
    tpu.vector_store %arg9[%swap3A_1564], %squeeze3A_1563 {strides = array<i32>} : memref<204800xf32, #tpu.memory_space<vmem>>, vector<1000xf32>,
    %slice3A_1566 = vector.extract_strided_slice %add3A_61 {offsets = [188, 0], sizes = [1, 1000], strides = [1, 1]} : vector<200x1000xf32> to vector<1x1000xf32>
    %squeeze3A_1567 = vector.shape_cast %slice3A_1566 : vector<1x1000xf32> to vector<1000xf32>
    %swap3A_1568 = arith.constant 192512 : index
    %swap3A_1569 = vector.load %arg8[%swap3A_1568] : memref<204800xf32, #tpu.memory_space<vmem>>, vector<1000xf32>
    tpu.vector_store %arg8[%swap3A_1568], %squeeze3A_1567 {strides = array<i32>} : memref<204800xf32, #tpu.memory_space<vmem>>, vector<1000xf32>,
    %slice3A_1570 = vector.extract_strided_slice %sub3A_63 {offsets = [188, 0], sizes = [1, 1000], strides = [1, 1]} : vector<200x1000xf32> to vector<1x1000xf32>
    %squeeze3A_1571 = vector.shape_cast %slice3A_1570 : vector<1x1000xf32> to vector<1000xf32>
    %swap3A_1572 = arith.constant 192512 : index
    %swap3A_1573 = vector.load %arg9[%swap3A_1572] : memref<204800xf32, #tpu.memory_space<vmem>>, vector<1000xf32>
    tpu.vector_store %arg9[%swap3A_1572], %squeeze3A_1571 {strides = array<i32>} : memref<204800xf32, #tpu.memory_space<vmem>>, vector<1000xf32>,
    %slice3A_1574 = vector.extract_strided_slice %add3A_61 {offsets = [189, 0], sizes = [1, 1000], strides = [1, 1]} : vector<200x1000xf32> to vector<1x1000xf32>
    %squeeze3A_1575 = vector.shape_cast %slice3A_1574 : vector<1x1000xf32> to vector<1000xf32>
    %swap3A_1576 = arith.constant 193536 : index
    %swap3A_1577 = vector.load %arg8[%swap3A_1576] : memref<204800xf32, #tpu.memory_space<vmem>>, vector<1000xf32>
    tpu.vector_store %arg8[%swap3A_1576], %squeeze3A_1575 {strides = array<i32>} : memref<204800xf32, #tpu.memory_space<vmem>>, vector<1000xf32>,
    %slice3A_1578 = vector.extract_strided_slice %sub3A_63 {offsets = [189, 0], sizes = [1, 1000], strides = [1, 1]} : vector<200x1000xf32> to vector<1x1000xf32>
    %squeeze3A_1579 = vector.shape_cast %slice3A_1578 : vector<1x1000xf32> to vector<1000xf32>
    %swap3A_1580 = arith.constant 193536 : index
    %swap3A_1581 = vector.load %arg9[%swap3A_1580] : memref<204800xf32, #tpu.memory_space<vmem>>, vector<1000xf32>
    tpu.vector_store %arg9[%swap3A_1580], %squeeze3A_1579 {strides = array<i32>} : memref<204800xf32, #tpu.memory_space<vmem>>, vector<1000xf32>,
    %slice3A_1582 = vector.extract_strided_slice %add3A_61 {offsets = [190, 0], sizes = [1, 1000], strides = [1, 1]} : vector<200x1000xf32> to vector<1x1000xf32>
    %squeeze3A_1583 = vector.shape_cast %slice3A_1582 : vector<1x1000xf32> to vector<1000xf32>
    %swap3A_1584 = arith.constant 194560 : index
    %swap3A_1585 = vector.load %arg8[%swap3A_1584] : memref<204800xf32, #tpu.memory_space<vmem>>, vector<1000xf32>
    tpu.vector_store %arg8[%swap3A_1584], %squeeze3A_1583 {strides = array<i32>} : memref<204800xf32, #tpu.memory_space<vmem>>, vector<1000xf32>,
    %slice3A_1586 = vector.extract_strided_slice %sub3A_63 {offsets = [190, 0], sizes = [1, 1000], strides = [1, 1]} : vector<200x1000xf32> to vector<1x1000xf32>
    %squeeze3A_1587 = vector.shape_cast %slice3A_1586 : vector<1x1000xf32> to vector<1000xf32>
    %swap3A_1588 = arith.constant 194560 : index
    %swap3A_1589 = vector.load %arg9[%swap3A_1588] : memref<204800xf32, #tpu.memory_space<vmem>>, vector<1000xf32>
    tpu.vector_store %arg9[%swap3A_1588], %squeeze3A_1587 {strides = array<i32>} : memref<204800xf32, #tpu.memory_space<vmem>>, vector<1000xf32>,
    %slice3A_1590 = vector.extract_strided_slice %add3A_61 {offsets = [191, 0], sizes = [1, 1000], strides = [1, 1]} : vector<200x1000xf32> to vector<1x1000xf32>
    %squeeze3A_1591 = vector.shape_cast %slice3A_1590 : vector<1x1000xf32> to vector<1000xf32>
    %swap3A_1592 = arith.constant 195584 : index
    %swap3A_1593 = vector.load %arg8[%swap3A_1592] : memref<204800xf32, #tpu.memory_space<vmem>>, vector<1000xf32>
    tpu.vector_store %arg8[%swap3A_1592], %squeeze3A_1591 {strides = array<i32>} : memref<204800xf32, #tpu.memory_space<vmem>>, vector<1000xf32>,
    %slice3A_1594 = vector.extract_strided_slice %sub3A_63 {offsets = [191, 0], sizes = [1, 1000], strides = [1, 1]} : vector<200x1000xf32> to vector<1x1000xf32>
    %squeeze3A_1595 = vector.shape_cast %slice3A_1594 : vector<1x1000xf32> to vector<1000xf32>
    %swap3A_1596 = arith.constant 195584 : index
    %swap3A_1597 = vector.load %arg9[%swap3A_1596] : memref<204800xf32, #tpu.memory_space<vmem>>, vector<1000xf32>
    tpu.vector_store %arg9[%swap3A_1596], %squeeze3A_1595 {strides = array<i32>} : memref<204800xf32, #tpu.memory_space<vmem>>, vector<1000xf32>,
    %slice3A_1598 = vector.extract_strided_slice %add3A_61 {offsets = [192, 0], sizes = [1, 1000], strides = [1, 1]} : vector<200x1000xf32> to vector<1x1000xf32>
    %squeeze3A_1599 = vector.shape_cast %slice3A_1598 : vector<1x1000xf32> to vector<1000xf32>
    %swap3A_1600 = arith.constant 196608 : index
    %swap3A_1601 = vector.load %arg8[%swap3A_1600] : memref<204800xf32, #tpu.memory_space<vmem>>, vector<1000xf32>
    tpu.vector_store %arg8[%swap3A_1600], %squeeze3A_1599 {strides = array<i32>} : memref<204800xf32, #tpu.memory_space<vmem>>, vector<1000xf32>,
    %slice3A_1602 = vector.extract_strided_slice %sub3A_63 {offsets = [192, 0], sizes = [1, 1000], strides = [1, 1]} : vector<200x1000xf32> to vector<1x1000xf32>
    %squeeze3A_1603 = vector.shape_cast %slice3A_1602 : vector<1x1000xf32> to vector<1000xf32>
    %swap3A_1604 = arith.constant 196608 : index
    %swap3A_1605 = vector.load %arg9[%swap3A_1604] : memref<204800xf32, #tpu.memory_space<vmem>>, vector<1000xf32>
    tpu.vector_store %arg9[%swap3A_1604], %squeeze3A_1603 {strides = array<i32>} : memref<204800xf32, #tpu.memory_space<vmem>>, vector<1000xf32>,
    %slice3A_1606 = vector.extract_strided_slice %add3A_61 {offsets = [193, 0], sizes = [1, 1000], strides = [1, 1]} : vector<200x1000xf32> to vector<1x1000xf32>
    %squeeze3A_1607 = vector.shape_cast %slice3A_1606 : vector<1x1000xf32> to vector<1000xf32>
    %swap3A_1608 = arith.constant 197632 : index
    %swap3A_1609 = vector.load %arg8[%swap3A_1608] : memref<204800xf32, #tpu.memory_space<vmem>>, vector<1000xf32>
    tpu.vector_store %arg8[%swap3A_1608], %squeeze3A_1607 {strides = array<i32>} : memref<204800xf32, #tpu.memory_space<vmem>>, vector<1000xf32>,
    %slice3A_1610 = vector.extract_strided_slice %sub3A_63 {offsets = [193, 0], sizes = [1, 1000], strides = [1, 1]} : vector<200x1000xf32> to vector<1x1000xf32>
    %squeeze3A_1611 = vector.shape_cast %slice3A_1610 : vector<1x1000xf32> to vector<1000xf32>
    %swap3A_1612 = arith.constant 197632 : index
    %swap3A_1613 = vector.load %arg9[%swap3A_1612] : memref<204800xf32, #tpu.memory_space<vmem>>, vector<1000xf32>
    tpu.vector_store %arg9[%swap3A_1612], %squeeze3A_1611 {strides = array<i32>} : memref<204800xf32, #tpu.memory_space<vmem>>, vector<1000xf32>,
    %slice3A_1614 = vector.extract_strided_slice %add3A_61 {offsets = [194, 0], sizes = [1, 1000], strides = [1, 1]} : vector<200x1000xf32> to vector<1x1000xf32>
    %squeeze3A_1615 = vector.shape_cast %slice3A_1614 : vector<1x1000xf32> to vector<1000xf32>
    %swap3A_1616 = arith.constant 198656 : index
    %swap3A_1617 = vector.load %arg8[%swap3A_1616] : memref<204800xf32, #tpu.memory_space<vmem>>, vector<1000xf32>
    tpu.vector_store %arg8[%swap3A_1616], %squeeze3A_1615 {strides = array<i32>} : memref<204800xf32, #tpu.memory_space<vmem>>, vector<1000xf32>,
    %slice3A_1618 = vector.extract_strided_slice %sub3A_63 {offsets = [194, 0], sizes = [1, 1000], strides = [1, 1]} : vector<200x1000xf32> to vector<1x1000xf32>
    %squeeze3A_1619 = vector.shape_cast %slice3A_1618 : vector<1x1000xf32> to vector<1000xf32>
    %swap3A_1620 = arith.constant 198656 : index
    %swap3A_1621 = vector.load %arg9[%swap3A_1620] : memref<204800xf32, #tpu.memory_space<vmem>>, vector<1000xf32>
    tpu.vector_store %arg9[%swap3A_1620], %squeeze3A_1619 {strides = array<i32>} : memref<204800xf32, #tpu.memory_space<vmem>>, vector<1000xf32>,
    %slice3A_1622 = vector.extract_strided_slice %add3A_61 {offsets = [195, 0], sizes = [1, 1000], strides = [1, 1]} : vector<200x1000xf32> to vector<1x1000xf32>
    %squeeze3A_1623 = vector.shape_cast %slice3A_1622 : vector<1x1000xf32> to vector<1000xf32>
    %swap3A_1624 = arith.constant 199680 : index
    %swap3A_1625 = vector.load %arg8[%swap3A_1624] : memref<204800xf32, #tpu.memory_space<vmem>>, vector<1000xf32>
    tpu.vector_store %arg8[%swap3A_1624], %squeeze3A_1623 {strides = array<i32>} : memref<204800xf32, #tpu.memory_space<vmem>>, vector<1000xf32>,
    %slice3A_1626 = vector.extract_strided_slice %sub3A_63 {offsets = [195, 0], sizes = [1, 1000], strides = [1, 1]} : vector<200x1000xf32> to vector<1x1000xf32>
    %squeeze3A_1627 = vector.shape_cast %slice3A_1626 : vector<1x1000xf32> to vector<1000xf32>
    %swap3A_1628 = arith.constant 199680 : index
    %swap3A_1629 = vector.load %arg9[%swap3A_1628] : memref<204800xf32, #tpu.memory_space<vmem>>, vector<1000xf32>
    tpu.vector_store %arg9[%swap3A_1628], %squeeze3A_1627 {strides = array<i32>} : memref<204800xf32, #tpu.memory_space<vmem>>, vector<1000xf32>,
    %slice3A_1630 = vector.extract_strided_slice %add3A_61 {offsets = [196, 0], sizes = [1, 1000], strides = [1, 1]} : vector<200x1000xf32> to vector<1x1000xf32>
    %squeeze3A_1631 = vector.shape_cast %slice3A_1630 : vector<1x1000xf32> to vector<1000xf32>
    %swap3A_1632 = arith.constant 200704 : index
    %swap3A_1633 = vector.load %arg8[%swap3A_1632] : memref<204800xf32, #tpu.memory_space<vmem>>, vector<1000xf32>
    tpu.vector_store %arg8[%swap3A_1632], %squeeze3A_1631 {strides = array<i32>} : memref<204800xf32, #tpu.memory_space<vmem>>, vector<1000xf32>,
    %slice3A_1634 = vector.extract_strided_slice %sub3A_63 {offsets = [196, 0], sizes = [1, 1000], strides = [1, 1]} : vector<200x1000xf32> to vector<1x1000xf32>
    %squeeze3A_1635 = vector.shape_cast %slice3A_1634 : vector<1x1000xf32> to vector<1000xf32>
    %swap3A_1636 = arith.constant 200704 : index
    %swap3A_1637 = vector.load %arg9[%swap3A_1636] : memref<204800xf32, #tpu.memory_space<vmem>>, vector<1000xf32>
    tpu.vector_store %arg9[%swap3A_1636], %squeeze3A_1635 {strides = array<i32>} : memref<204800xf32, #tpu.memory_space<vmem>>, vector<1000xf32>,
    %slice3A_1638 = vector.extract_strided_slice %add3A_61 {offsets = [197, 0], sizes = [1, 1000], strides = [1, 1]} : vector<200x1000xf32> to vector<1x1000xf32>
    %squeeze3A_1639 = vector.shape_cast %slice3A_1638 : vector<1x1000xf32> to vector<1000xf32>
    %swap3A_1640 = arith.constant 201728 : index
    %swap3A_1641 = vector.load %arg8[%swap3A_1640] : memref<204800xf32, #tpu.memory_space<vmem>>, vector<1000xf32>
    tpu.vector_store %arg8[%swap3A_1640], %squeeze3A_1639 {strides = array<i32>} : memref<204800xf32, #tpu.memory_space<vmem>>, vector<1000xf32>,
    %slice3A_1642 = vector.extract_strided_slice %sub3A_63 {offsets = [197, 0], sizes = [1, 1000], strides = [1, 1]} : vector<200x1000xf32> to vector<1x1000xf32>
    %squeeze3A_1643 = vector.shape_cast %slice3A_1642 : vector<1x1000xf32> to vector<1000xf32>
    %swap3A_1644 = arith.constant 201728 : index
    %swap3A_1645 = vector.load %arg9[%swap3A_1644] : memref<204800xf32, #tpu.memory_space<vmem>>, vector<1000xf32>
    tpu.vector_store %arg9[%swap3A_1644], %squeeze3A_1643 {strides = array<i32>} : memref<204800xf32, #tpu.memory_space<vmem>>, vector<1000xf32>,
    %slice3A_1646 = vector.extract_strided_slice %add3A_61 {offsets = [198, 0], sizes = [1, 1000], strides = [1, 1]} : vector<200x1000xf32> to vector<1x1000xf32>
    %squeeze3A_1647 = vector.shape_cast %slice3A_1646 : vector<1x1000xf32> to vector<1000xf32>
    %swap3A_1648 = arith.constant 202752 : index
    %swap3A_1649 = vector.load %arg8[%swap3A_1648] : memref<204800xf32, #tpu.memory_space<vmem>>, vector<1000xf32>
    tpu.vector_store %arg8[%swap3A_1648], %squeeze3A_1647 {strides = array<i32>} : memref<204800xf32, #tpu.memory_space<vmem>>, vector<1000xf32>,
    %slice3A_1650 = vector.extract_strided_slice %sub3A_63 {offsets = [198, 0], sizes = [1, 1000], strides = [1, 1]} : vector<200x1000xf32> to vector<1x1000xf32>
    %squeeze3A_1651 = vector.shape_cast %slice3A_1650 : vector<1x1000xf32> to vector<1000xf32>
    %swap3A_1652 = arith.constant 202752 : index
    %swap3A_1653 = vector.load %arg9[%swap3A_1652] : memref<204800xf32, #tpu.memory_space<vmem>>, vector<1000xf32>
    tpu.vector_store %arg9[%swap3A_1652], %squeeze3A_1651 {strides = array<i32>} : memref<204800xf32, #tpu.memory_space<vmem>>, vector<1000xf32>,
    %slice3A_1654 = vector.extract_strided_slice %add3A_61 {offsets = [199, 0], sizes = [1, 1000], strides = [1, 1]} : vector<200x1000xf32> to vector<1x1000xf32>
    %squeeze3A_1655 = vector.shape_cast %slice3A_1654 : vector<1x1000xf32> to vector<1000xf32>
    %swap3A_1656 = arith.constant 203776 : index
    %swap3A_1657 = vector.load %arg8[%swap3A_1656] : memref<204800xf32, #tpu.memory_space<vmem>>, vector<1000xf32>
    tpu.vector_store %arg8[%swap3A_1656], %squeeze3A_1655 {strides = array<i32>} : memref<204800xf32, #tpu.memory_space<vmem>>, vector<1000xf32>,
    %slice3A_1658 = vector.extract_strided_slice %sub3A_63 {offsets = [199, 0], sizes = [1, 1000], strides = [1, 1]} : vector<200x1000xf32> to vector<1x1000xf32>
    %squeeze3A_1659 = vector.shape_cast %slice3A_1658 : vector<1x1000xf32> to vector<1000xf32>
    %swap3A_1660 = arith.constant 203776 : index
    %swap3A_1661 = vector.load %arg9[%swap3A_1660] : memref<204800xf32, #tpu.memory_space<vmem>>, vector<1000xf32>
    tpu.vector_store %arg9[%swap3A_1660], %squeeze3A_1659 {strides = array<i32>} : memref<204800xf32, #tpu.memory_space<vmem>>, vector<1000xf32>,
    return
  }
  func.func @transform_0(%arg0: i32) -> (i32, i32) {
    %c0_i32 = arith.constant 0 : i32
    %c0_i32_0 = arith.constant 0 : i32
    %c0_i32_1 = arith.constant 0 : i32
    return %c0_i32, %c0_i32_0 : i32, i32
  }
  func.func @transform_1(%arg0: i32) -> (i32, i32) {
    %c0_i32 = arith.constant 0 : i32
    %c0_i32_0 = arith.constant 0 : i32
    return %arg0, %c0_i32 : i32, i32
  }
  func.func @transform_2(%arg0: i32) -> (i32, i32) {
    %c0_i32 = arith.constant 0 : i32
    %c0_i32_0 = arith.constant 0 : i32
    return %arg0, %c0_i32 : i32, i32
  }
  func.func @transform_3(%arg0: i32) -> (i32, i32) {
    %c0_i32 = arith.constant 0 : i32
    %c0_i32_0 = arith.constant 0 : i32
    return %arg0, %c0_i32 : i32, i32
  }
  func.func @transform_4(%arg0: i32) -> i32 {
    %c0_i32 = arith.constant 0 : i32
    %c0_i32_0 = arith.constant 0 : i32
    return %c0_i32 : i32
  }
  func.func @transform_5(%arg0: i32) -> i32 {
    %c0_i32 = arith.constant 0 : i32
    %c0_i32_0 = arith.constant 0 : i32
    return %c0_i32 : i32
  }
  func.func @transform_6(%arg0: i32) -> i32 {
    %c0_i32 = arith.constant 0 : i32
    %c0_i32_0 = arith.constant 0 : i32
    return %c0_i32 : i32
  }
  func.func @transform_7(%arg0: i32) -> i32 {
    %c0_i32 = arith.constant 0 : i32
    return %arg0 : i32
  }
  func.func @transform_8(%arg0: i32) -> i32 {
    %c0_i32 = arith.constant 0 : i32
    return %arg0 : i32
  }
  func.func @transform_9(%arg0: i32) -> i32 {
    %c0_i32 = arith.constant 0 : i32
    %c0_i32_0 = arith.constant 0 : i32
    return %c0_i32 : i32
  }
  func.func @transform_10(%arg0: i32) -> i32 {
    %c0_i32 = arith.constant 0 : i32
    %c0_i32_0 = arith.constant 0 : i32
    return %c0_i32 : i32
  }
}

</mosaic_0001>

<sc_bundles>
// kernel: kernel.4.cloned.1.call-start
scs
__scs_entry_jumppad:
0x0: {  	(pc) =	sbr.rel $0x88, $3  }
0x1: {  	(tag) =	ssettag $0x0;
	lr =	simm.s32 $0x1  }
0x2: {  	[smem:$0x3F9D] =	sst lr;
	_ =	strace $0xD0000000  }
0x3: {  	_ = 	snop  }
0x4: {  	_ = 	snop  }
0x5: {  	_ = 	snop  }
0x6: {  	_ = 	snop  }
0x7: {  	_ = 	snop  }
__scs_overlays_trampoline_lowered:
0x8: {  	[smem:$0x3FAC] =	sst s0  }
0x9: {  	[smem:$0x3FAD] =	sst s1  }
0xa: {  	[smem:$0x3FAE] =	sst s2  }
0xb: {  	[smem:$0x3FAF] =	sst s3  }
0xc: {  	[smem:$0x3FB0] =	sst s4  }
0xd: {  	[smem:$0x3FB1] =	sst s5  }
0xe: {  	[smem:$0x3FB2] =	sst s6  }
0xf: {  	[smem:$0x3FB3] =	sst s7  }
0x10: {  	[smem:$0x3FB4] =	sst s8  }
0x11: {  	[smem:$0x3FB5] =	sst s9;
	s0 =	simm.s32 @!p0 $0x0  }
0x12: {  	s1 =	sld [smem:$0x3F9B];
	s0 =	simm.s32 @p0 $0x1  }
0x13: {  	[smem:$0x3FB6] =	sst s0;
	s0 =	simm.s32 @!p1 $0x0  }
0x14: {  	s2 =	sld [smem:$0x3F9A];
	s0 =	simm.s32 @p1 $0x1  }
0x15: {  	[smem:$0x3FB7] =	sst s0;
	s0 =	simm.s32 @!p2 $0x0  }
0x16: {  	s3 =	sld [smem:$0x3FDB];
	s0 =	simm.s32 @p2 $0x1  }
0x17: {  	s4 =	simm.s32 $0x1BF5;
	[smem:$0x3FB9] =	sst s0  }
0x18: {  	s0 =	sld [smem:$0x3F9C];
	_ =	swait.ge [sflag:s4], $0x0  }
0x19: {  	s7 =	sld [smem:$0x3F9D]  }
0x1a: {  	s8 =	sadd.s32 $0xFFFFE003, lr  }
0x1b: {  	s9 =	sadd.s32 $0xFFFFFEF7, lr;
	s5 =	simm.s32 $0xFFFFFFFF;
	p2 =	slt.u32 s8, $0xFFFFF086  }
0x1c: {  	p1 =	slt.u32 s9, $0xF7A;
	s5 =	simm.s32 @!p2 $0x0  }
0x1d: {  	s5 =	simm.s32 @p1 $0x1;
	p0 =	seq.s32 s7, s2  }
0x1e: {  	s7 =	smul.u32 @!p0 $0xF7A, s2;
	p2 =	seq.s32 @!p0 s5, $0x0  }
0x1f: {  	s9 =	smul.u32 $0xF7A, s1;
	s8 =	simm.s32 @!p0 $0x1BF5;
	p2 =	por !p2, p0  }
0x20: {  	[sflag:s8] =	ssyncset.s32 @!p0 $0xFFFFF086;
	s6 =	sadd.s32 @!p0 s3, s7;
	s7 =	simm.s32 @!p0 $0x108  }
0x21: {  	s3 =	sadd.s32 s3, s9;
	s6 =	sadd.s32 @!p0 $0x88, s6;
	s7 =	simm.s32 @p2 $0x1082  }
0x22: {  	[simem:s7], [sflag:s8] =	dma.local @!p0 [hbm:s6], $0xF7A  }
0x23: {  	s9 =	sor.u32 $0xD0000000, s2;
	s6 =	simm.s32 $0x108;
	_ =	swait.ge @!p0 [sflag:s8], $0x0  }
0x24: {  	s3 =	sadd.s32 $0x88, s3;
	s6 =	simm.s32 @!p1 $0x1082;
	[sflag:s4] =	ssyncset.s32 $0xFFFFF086  }
0x25: {  	[simem:s6], [sflag:s4] =	dma.local [hbm:s3], $0xF7A  }
0x26: {  	[smem:$0x3F9D] =	sst s1;
	(tag) =	ssettag s2;
	_ =	strace s9  }
0x27: {  	s1 =	sld [smem:$0x3FAD]  }
0x28: {  	s2 =	sld [smem:$0x3FAE]  }
0x29: {  	s4 =	sld [smem:$0x3FB0]  }
0x2a: {  	p0 =	seq.s32 s5, $0x0;
	s5 =	sld [smem:$0x3FB1]  }
0x2b: {  	s6 =	sld [smem:$0x3FB2]  }
0x2c: {  	s7 =	sld [smem:$0x3FB3]  }
0x2d: {  	s3 =	simm.s32 $0x108;
	s8 =	sld [smem:$0x3FB4]  }
0x2e: {  	s3 =	simm.s32 @!p0 $0x1082;
	s9 =	sld [smem:$0x3FB5]  }
0x2f: {  	lr =	sadd.s32 s0, s3;
	s0 =	sld [smem:$0x3FAC]  }
0x30: {  	s3 =	sld [smem:$0x3FAF]  }
0x31: {  	[smem:$0x3FB8] =	sst s10  }
0x32: {  	s10 =	sld [smem:$0x3FB6];
	_ =	sdelay $0x3  }
0x33: {  	p0 =	seq.s32 s10, $0x1;
	s10 =	sld [smem:$0x3FB8];
	_ =	sdelay $0x3  }
0x34: {  	[smem:$0x3FB8] =	sst s10  }
0x35: {  	s10 =	sld [smem:$0x3FB7];
	_ =	sdelay $0x3  }
0x36: {  	p1 =	seq.s32 s10, $0x1;
	s10 =	sld [smem:$0x3FB8];
	_ =	sdelay $0x3  }
0x37: {  	[smem:$0x3FB8] =	sst s10  }
0x38: {  	s10 =	sld [smem:$0x3FB9]  }
0x39: {  	_ = 	snop;
	(pc) =	sbr.ind lr, $3  }
0x3a: {  	_ = 	snop  }
0x3b: {  	_ = 	snop  }
0x3c: {  	p2 =	seq.s32 s10, $0x1;
	s10 =	sld [smem:$0x3FB8]  }
0x3d: {  	_ =	shalt  }
0x3e: {  	_ =	shalt  }
0x3f: {  	_ =	shalt  }
0x40: {  	_ =	shalt  }
0x41: {  	_ =	shalt  }
0x42: {  	_ =	shalt  }
0x43: {  	_ =	shalt  }
0x44: {  	_ =	shalt  }
0x45: {  	_ =	shalt  }
0x46: {  	_ =	shalt  }
0x47: {  	_ =	shalt  }
0x48: {  	_ =	shalt  }
0x49: {  	_ =	shalt  }
0x4a: {  	_ =	shalt  }
0x4b: {  	_ =	shalt  }
0x4c: {  	_ =	shalt  }
0x4d: {  	_ =	shalt  }
0x4e: {  	_ =	shalt  }
0x4f: {  	_ =	shalt  }
0x50: {  	_ =	shalt  }
0x51: {  	_ =	shalt  }
0x52: {  	_ =	shalt  }
0x53: {  	_ =	shalt  }
0x54: {  	_ =	shalt  }
0x55: {  	_ =	shalt  }
0x56: {  	_ =	shalt  }
0x57: {  	_ =	shalt  }
0x58: {  	_ =	shalt  }
0x59: {  	_ =	shalt  }
0x5a: {  	_ =	shalt  }
0x5b: {  	_ =	shalt  }
0x5c: {  	_ =	shalt  }
0x5d: {  	_ =	shalt  }
0x5e: {  	_ =	shalt  }
0x5f: {  	_ =	shalt  }
0x60: {  	_ =	shalt  }
0x61: {  	_ =	shalt  }
0x62: {  	_ =	shalt  }
0x63: {  	_ =	shalt  }
0x64: {  	_ =	shalt  }
0x65: {  	_ =	shalt  }
0x66: {  	_ =	shalt  }
0x67: {  	_ =	shalt  }
0x68: {  	_ =	shalt  }
0x69: {  	_ =	shalt  }
0x6a: {  	_ =	shalt  }
0x6b: {  	_ =	shalt  }
0x6c: {  	_ =	shalt  }
0x6d: {  	_ =	shalt  }
0x6e: {  	_ =	shalt  }
0x6f: {  	_ =	shalt  }
0x70: {  	_ =	shalt  }
0x71: {  	_ =	shalt  }
0x72: {  	_ =	shalt  }
0x73: {  	_ =	shalt  }
0x74: {  	_ =	shalt  }
0x75: {  	_ =	shalt  }
0x76: {  	_ =	shalt  }
0x77: {  	_ =	shalt  }
0x78: {  	_ =	shalt  }
0x79: {  	_ =	shalt  }
0x7a: {  	_ =	shalt  }
0x7b: {  	_ =	shalt  }
0x7c: {  	_ =	shalt  }
0x7d: {  	_ =	shalt  }
0x7e: {  	_ =	shalt  }
0x7f: {  	_ =	shalt  }
0x80: {  	_ =	shalt  }
0x81: {  	_ =	shalt  }
0x82: {  	_ =	shalt  }
0x83: {  	_ =	shalt  }
0x84: {  	_ =	shalt  }
0x85: {  	_ =	shalt  }
0x86: {  	_ =	shalt  }
0x87: {  	_ =	shalt  }
.Lfunc_end0:
.L_simem_size_0:
called_computation_lowered:
.L_overlay_start_0:
0x88: {  	s2 =	sld [smem:$0x3FD9]  }
0x89: {  	s3 =	sld [smem:$0x3FFE];
	_ =	sdelay $0x1  }
0x8a: {  	s1 =	srdreg.scid  }
0x8b: {  	s0 =	sand.u32 $0x1, s1  }
0x8c: {  	s17 =	sshll.u32 s0, $0xA;
	s2 =	sadd.s32 s3, s2  }
0x8d: {  	s2 =	sadd.s32 s2, s17  }
0x8e: {  	[smem:$0x3FC4] =	sst s2  }
0x8f: {  	_ = 	snop  }
0x90: {  	s2 =	sld [smem:$0x3FD0];
	(tm) =	ssettm $0x1  }
0x91: {  	s18 =	sld [smem:$0x3FFB];
	_ =	sdelay $0x3  }
0x92: {  	_ =	strace s18  }
0x93: {  	s3 =	sld [smem:$0x3FFC];
	_ =	sdelay $0x3  }
0x94: {  	_ =	strace s3  }
0x95: {  	s3 =	sld [smem:$0x3FFD];
	_ =	sdelay $0x3  }
0x96: {  	_ =	strace s3  }
0x97: {  	_ =	strace $0x8FFFFFFF  }
0x98: {  	s19 =	sld [smem:$0x3FDB];
	_ =	sdelay $0x1  }
0x99: {  	s4 =	simm.s32 $_scs_section_size  }
0x9a: {  	s5 =	simm.s32 $_size__tile_overlayer_lowered;
	s6 =	simm.s32 $_tile_overlayer_lowered  }
0x9b: {  	s22 =	simm.s32 $0x1BFF;
	s21 =	sshll.u32 s6, $0x1;
	s3 =	sadd.s32 s4, s19  }
0x9c: {  	s7 =	simm.s32 $0x0;
	s20 =	sshll.u32 s5, $0x1;
	s5 =	sadd.s32 s21, s3  }
0x9d: {  	[timem:s7], [sflag:s22] =	dma.local [hbm:s5], s20  }
0x9e: {  	_ =	swait.ge [sflag:s22], s20  }
0x9f: {  	s4 =	ssub.s32 $0x0, s20;
	[sflag:s22] =	ssyncset.done $0x0  }
0xa0: {  	[sflag:s22] =	ssyncadd.s32 s4;
	_ =	sdelay $0x1  }
0xa1: {  	s23 =	simm.s32 $0x1B8B  }
0xa2: {  	_ =	swait.ge [sflag:s23], $0x1  }
0xa3: {  	[sflag:s23] =	ssyncset.done $0x0  }
0xa4: {  	s25 =	simm.s32 $0x1B8E;
	s24 =	sld [smem:$0x3FFE];
	[sflag:s23] =	ssyncadd.s32 $0xFFFFFFFF  }
0xa5: {  	s26 =	simm.s32 $execute0_lowered;
	[smem:$0x3FD2] =	sst s25  }
0xa6: {  	s5 =	sshll.u32 s26, $0x1;
	_ =	strace $0x80000046;
	[dreg:$0x1] =	wrdreg $0xFFFFFFFF  }
0xa7: {  	s28 =	simm.s32 $_size_execute0_lowered;
	s3 =	sadd.s32 s3, s5;
	[dreg:$0x0] =	wrdreg $0x0  }
0xa8: {  	s5 =	sshll.u32 s28, $0x1;
	[dreg:$0x2] =	wrdreg s3  }
0xa9: {  	[dreg:$0x3] =	wrdreg s5  }
0xaa: {  	[dreg:$0x4] =	wrdreg $0xC0  }
0xab: {  	_ =	task [dreg:s7], $0x5FFFF  }
0xac: {  	[dreg:$0x1] =	wrdreg $0xFFFFFFFF  }
0xad: {  	[dreg:$0x0] =	wrdreg $0x60  }
0xae: {  	[dreg:$0x2] =	wrdreg s24  }
0xaf: {  	[dreg:$0x3] =	wrdreg s2  }
0xb0: {  	[dreg:$0x4] =	wrdreg $0x9  }
0xb1: {  	_ =	task.clear_ibuf [dreg:s7], $0x5FFFF;
	_ =	strace $0x90000046  }
0xb2: {  	s29 =	simm.s32 $0x9;
	_ =	strace $0x80000048  }
0xb3: {  	_ =	swait.ge [sflag:s29], $0x1  }
0xb4: {  	[sflag:s29] =	ssyncadd.s32 $0xFFFFFFFF  }
0xb5: {  	_ =	strace $0x90000048  }
0xb6: {  	_ =	sfence  }
0xb7: {  	s30 =	sld [smem:$0x0];
	_ =	sdelay $0x2  }
0xb8: {  	s31 =	sshll.u32 s1, $0xD;
	s1 =	sshrl.u32 s1, $0x2  }
0xb9: {  	s3 =	sand.u32 $0x4000, s31;
	s1 =	sadd.s32 s1, s30  }
0xba: {  	s0 =	sor.u32 s3, s0;
	s1 =	sshll.u32 s1, $0x11  }
0xbb: {  	s0 =	sor.u32 s1, s0  }
0xbc: {  	s0 =	sadd.s32 $0x8F2B, s0  }
0xbd: {  	[sflag:s0] =	ssyncadd.remote.s32 $0x1  }
0xbe: {  	_ =	sfence.sel $0xFFFF  }
0xbf: {  	[dreg:$0x0] =	wrdreg $0xFFFFFFFF;
	(pc) =	sbr.abs _section_cstart, $3  }
0xc0: {  	[dreg:$0x1] =	wrdreg $0xFFFFFFFF  }
0xc1: {  	_ =	task.clear_ibuf [dreg:s7], $0x2FFFF;
	_ =	strace $0x9FFFFFFF  }
0xc2: {  	(tm) =	ssettm $0x7FFFFFFF  }
0xc3: {  	_ =	shalt  }
tec
execute0_lowered:
.L_overlay_start_1:
0x0: {  	(tag) =	ssettag $0x1  }
0x1: {  	s4 =	rddreg [dreg:$0x0]  }
0x2: {  	s7 =	rddreg [dreg:$0x1];
	s2 =	srdreg.scid  }
0x3: {  	s0 =	rddreg [dreg:$0x2];
	s1 =	stileid.u32  }
0x4: {  	s10 =	simm.s32 $0x1;
	s11 =	simm.s32 $0x400;
	s12 =	simm.s32 $0x600  }
0x5: {  	s13 =	simm.s32 $0x800;
	s14 =	simm.s32 $0x2;
	s15 =	simm.s32 $0x0  }
0x6: {  	s3 =	sand.u32 $0x1, s2;
	s2 =	simm.s32 $0x0;
	s5 =	sshll.u32 s1, $0x7  }
0x7: {  	s6 =	sshll.u32 s3, $0x6;
	[smem:$0x7FF] =	sst s2;
	s31 =	ssub.s32 $0x2, s3  }
0x8: {  	s3 =	sadd.s32 $0x1600, s4;
	s8 =	sor.u32 s6, s5;
	_ =	strace $0x80000047  }
0x9: {  	s9 =	sshrl.u32 s31, $0x1;
	s6 =	sadd.s32 s8, s4;
	s4 =	sadd.s32 $0x20A00, s4  }
0xa: {  	s9 =	ssub.s32 s31, s9;
	s7 =	sadd.s32 s7, s8;
	s5 =	sadd.s32 $0x3FE00, s6  }
0xb: {  	s6 =	sadd.s32 $0x40600, s6;
	s8 =	smax.u32 s9, $0x1;
	s9 =	simm.s32 $0x200  }
.LBB2_1:
0xc: {  	[tilespmem:s2], [sflag:$0x1] =	stream.linear.gather [hbm4b:s5+s2], $0x200, $0x38;
	[tilespmem:$0xA00] =	vst v63  }
0xd: {  	_ = 	snop  }
0xe: {  	[tilespmem:s9], [sflag:$0x1] =	stream.linear.gather [hbm4b:s6+s2], $0x200, $0x38;
	[tilespmem:$0xA00] =	vst v63  }
0xf: {  	_ =	swait.ge [sflag:s10], $0x200  }
0x10: {  	[sflag:s10] =	ssyncset.done $0x0  }
0x11: {  	[sflag:s10] =	ssyncadd.s32 $0xFFFFFE00  }
0x12: {  	_ =	swait.ge [sflag:s10], $0x200  }
0x13: {  	[sflag:s10] =	ssyncset.done $0x0  }
0x14: {  	[sflag:s10] =	ssyncadd.s32 $0xFFFFFE00  }
0x15: {  	[tilespmem:s11], [sflag:$0x1] =	stream.indirect.gather [hbm4b:s3+s9], $0x1, s2, s9, $0xb8;
	[tilespmem:$0xA00] =	vst v63  }
0x16: {  	_ = 	snop  }
0x17: {  	[tilespmem:s12], [sflag:$0x1] =	stream.indirect.gather [hbm4b:s4+s9], $0x1, s9, s9, $0xb8;
	[tilespmem:$0xA00] =	vst v63  }
0x18: {  	_ =	swait.ge [sflag:s10], $0x200  }
0x19: {  	[sflag:s10] =	ssyncset.done $0x0  }
0x1a: {  	[sflag:s10] =	ssyncadd.s32 $0xFFFFFE00  }
0x1b: {  	_ =	swait.ge [sflag:s10], $0x200  }
0x1c: {  	[sflag:s10] =	ssyncset.done $0x0  }
0x1d: {  	s16 =	simm.s32 $0x0;
	[sflag:s10] =	ssyncadd.s32 $0xFFFFFE00  }
0x1e: {  	v0 =	vld [tilespmem:s16+$0x400]  }
0x1f: {  	s17 =	simm.s32 $0x40;
	v1 =	vld [tilespmem:s16+$0x600]  }
.LBB2_2:
0x20: {  	_ = 	snop  }
0x21: {  	p0 =	sne.s32 s17, $0x7C0  }
.Ltmp0:
0x22: {  	_ = 	snop;
	(pc) =	sbr.rel @p0 .LBB2_2-.Ltmp0, $4  }
0x23: {  	_ = 	snop  }
0x24: {  	s18 =	sshra.s32 s17, $0x2;
	v2 =	vadd.f32 v1, v0  }
0x25: {  	v0 =	vld [tilespmem:s18+$0x400]  }
0x26: {  	s17 =	sadd.s32 $0x40, s17;
	v1 =	vld [tilespmem:s18+$0x600];
	[tilespmem:s16+$0x800] =	vst v2;
	s16 =	smov.u32 s18  }
0x27: {  	_ =	sdelay $0x3  }
0x28: {  	s15 =	sadd.s32 $0x1, s15;
	v0 =	vadd.f32 v1, v0  }
0x29: {  	p0 =	sne.s32 s15, s8  }
.Ltmp1:
0x2a: {  	[tilespmem:s16+$0x800] =	vst v0;
	(pc) =	sbr.rel @p0 .LBB2_1-.Ltmp1, $4  }
0x2b: {  	[hbm4b:s7+s2] =	stream.linear.scatter [tilespmem:s13], [sflag:$0x2], $0x200, $0x38;
	[tilespmem:$0xA00] =	vst v63  }
0x2c: {  	_ =	swait.ge [sflag:s14], $0x200  }
0x2d: {  	[sflag:s14] =	ssyncset.done $0x0  }
0x2e: {  	[sflag:s14] =	ssyncadd.s32 $0xFFFFFE00  }
0x2f: {  	_ =	sfence.sel $0x180000  }
0x30: {  	[bflag:$0x0] =	sbarrier.arrive $0xFFFF  }
0x31: {  	p0 =	sne.s32 s1, $0x0;
	_ =	strace $0x90000047  }
0x32: {  	s0 =	sadd.s32 @!p0 $0x100000, s0;
	[bflag:$0x2] =	sbarrier.arrive $0xFFFF  }
0x33: {  	[sflag:s0] =	ssyncadd.tile.s32 @!p0 $0x1;
	_ =	shalt  }
.Lfunc_end2:
_tile_overlayer_lowered:
.L_overlay_start_2:
0x34: {  	(tag) =	ssettag $0x2  }
0x35: {  	s0 =	rddreg [dreg:$0x0];
	s2 =	stileid.u32  }
0x36: {  	s1 =	rddreg [dreg:$0x1];
	p0 =	sne.s32 s2, $0x0  }
0x37: {  	s3 =	rddreg [dreg:$0x2];
	[bflag:$0x3] =	sbarrier.arrive $0xFFFF;
	s2 =	simm.s32 @!p0 $0x1C02  }
0x38: {  	[timem:s3], [sflag:s2] =	dma.local @!p0 [hbm:s0], s1  }
0x39: {  	s0 =	simm.s32 @!p0 $0x2  }
0x3a: {  	_ =	swait.ge @!p0 [sflag:s0], s1  }
0x3b: {  	s1 =	ssub.s32 @!p0 $0x0, s1;
	[sflag:s0] =	ssyncset.done @!p0 $0x0  }
0x3c: {  	[sflag:s0] =	ssyncadd.s32 @!p0 s1  }
0x3d: {  	[bflag:$0x3] =	sbarrier.arrive $0xFFFF  }
0x3e: {  	_ =	shalt  }

</sc_bundles>
